<compile_context>
chip_gen: v7x
topology: tpu7x:2x2x1
jax: 0.10.2.dev20260603
libtpu: 0.0.44.dev20260713+nightly
codegen_flags: <defaults>
</compile_context>

<pallas_src>
import functools

import jax
import jax.numpy as jnp
from jax import lax
from jax.experimental import pallas as pl
from jax.experimental.pallas import tpu as pltpu
from jax.experimental.pallas import tpu_sc as plsc

N = 10000
E = 320000
NC = 2
NS = 16
B = 128
NP = 10240
SPT = NP // NS
RB = 1000
NB1 = 2 * -(-(E // (NC * NS)) // (B * 2))
EPAD = NC * NS * NB1 * B - E

_mesh = plsc.VectorSubcoreMesh(
    core_axis_name="c", subcore_axis_name="s", num_cores=NC, num_subcores=NS)



def _deg_body(dst_hbm, zeros_hbm, ones_hbm, hist_out, dst_v, ones_v, acc, sem):
    c = lax.axis_index("c")
    s = lax.axis_index("s")
    row0 = s * SPT
    pltpu.sync_copy(zeros_hbm.at[pl.ds(row0, SPT)], acc.at[pl.ds(row0, SPT)])
    pltpu.sync_copy(dst_hbm.at[c, s], dst_v)
    pltpu.sync_copy(ones_hbm, ones_v)
    plsc.subcore_barrier()

    def body(j, carry):
        d = pltpu.make_async_copy(ones_v, acc.at[dst_v.at[j]], sem)
        d.start(add=True)
        d.wait()
        return carry

    lax.fori_loop(0, NB1, body, 0)
    plsc.subcore_barrier()
    pltpu.sync_copy(acc.at[pl.ds(row0, SPT)], hist_out.at[c, pl.ds(row0, SPT)])


_deg_call = pl.kernel(
    _deg_body,
    out_type=jax.ShapeDtypeStruct((NC, NP, 128), jnp.float32),
    mesh=_mesh,
    scratch_types=[
        pltpu.VMEM((NB1, B), jnp.int32),
        pltpu.VMEM((B, 128), jnp.float32),
        pltpu.VMEM_SHARED((NP, 128), jnp.float32),
        pltpu.SemaphoreType.DMA,
    ],
)



def _agg_body(nb, tables, sd_hbm, zeros_hbm, out,
              iv, bufs, acc, gsem, ssem):
    c = lax.axis_index("c")
    s = lax.axis_index("s")
    row0 = s * SPT
    hb = nb // 2
    pltpu.sync_copy(zeros_hbm.at[pl.ds(row0, SPT)], acc.at[pl.ds(row0, SPT)])
    plsc.subcore_barrier()

    def rnd(r, carry):
        j0 = r * 2
        for b in range(2):
            k = j0 + b
            pltpu.make_async_copy(
                tables.at[iv.at[k, 0]], bufs.at[b], gsem.at[b]).wait()
            d = pltpu.make_async_copy(
                bufs.at[b], acc.at[iv.at[k, 1]], ssem.at[b])
            d.start(add=True)
            d.wait()

            @pl.when(k + 2 < hb)
            def _():
                pltpu.make_async_copy(
                    tables.at[iv.at[k + 2, 0]], bufs.at[b], gsem.at[b]).start()
        return carry

    for phase in range(2):
        pltpu.sync_copy(sd_hbm.at[c, s, pl.ds(phase * hb, hb)], iv)
        for b in range(2):
            pltpu.make_async_copy(
                tables.at[iv.at[b, 0]], bufs.at[b], gsem.at[b]).start()
        lax.fori_loop(0, hb // 2, rnd, 0)

    plsc.subcore_barrier()
    pltpu.sync_copy(acc.at[pl.ds(row0, SPT)], out.at[c, pl.ds(row0, SPT)])


def _make_agg(nb):
    return pl.kernel(
        functools.partial(_agg_body, nb),
        out_type=jax.ShapeDtypeStruct((NC, NP, 128), jnp.float32),
        mesh=_mesh,
        scratch_types=[
            pltpu.VMEM((nb // 2, 2, B), jnp.int32),
            pltpu.VMEM((2, B, 128), jnp.float32),
            pltpu.VMEM_SHARED((NP, 128), jnp.float32),
            pltpu.SemaphoreType.DMA((2,)),
            pltpu.SemaphoreType.DMA((2,)),
        ],
    )


_agg_call = _make_agg(NB1)



def _prep_body(h0_ref, h1_ref, x_ref, dis_ref, inv_ref, xs_ref):
    deg = h0_ref[:, 0:1] + h1_ref[:, 0:1] + 1.0
    dis = lax.rsqrt(deg)
    dis_ref[...] = dis
    inv_ref[...] = 1.0 / deg
    xs_ref[...] = x_ref[...] * dis


def _prep_call(hist0, hist1, x):
    return pl.pallas_call(
        _prep_body,
        grid=(N // RB,),
        in_specs=[
            pl.BlockSpec((RB, 128), lambda r: (r, 0)),
            pl.BlockSpec((RB, 128), lambda r: (r, 0)),
            pl.BlockSpec((RB, 128), lambda r: (r, 0)),
        ],
        out_specs=[
            pl.BlockSpec((RB, 1), lambda r: (r, 0)),
            pl.BlockSpec((RB, 1), lambda r: (r, 0)),
            pl.BlockSpec((RB, 128), lambda r: (r, 0)),
        ],
        out_shape=[
            jax.ShapeDtypeStruct((N, 1), jnp.float32),
            jax.ShapeDtypeStruct((N, 1), jnp.float32),
            jax.ShapeDtypeStruct((N, 128), jnp.float32),
        ],
    )(hist0, hist1, x)


def _layer1_body(part_ref, x_ref, dis_ref, inv_ref, w1_ref, b1_ref,
                 g_ref, g2_ref, ih_ref):
    dis = dis_ref[...]
    inv = inv_ref[...]
    a = dis * (part_ref[0] + part_ref[1]) + inv * x_ref[...]
    h1 = jnp.maximum(
        jnp.dot(a, w1_ref[...], preferred_element_type=jnp.float32)
        + b1_ref[...], 0.0)
    g = h1 * dis
    g_ref[...] = g[:, :128]
    g2_ref[...] = g[:, 128:]
    ih_ref[...] = h1 * inv


def _layer1_call(part1, x, dis, inv, W1, b1r):
    return pl.pallas_call(
        _layer1_body,
        grid=(N // RB,),
        in_specs=[
            pl.BlockSpec((2, RB, 128), lambda r: (0, r, 0)),
            pl.BlockSpec((RB, 128), lambda r: (r, 0)),
            pl.BlockSpec((RB, 1), lambda r: (r, 0)),
            pl.BlockSpec((RB, 1), lambda r: (r, 0)),
            pl.BlockSpec((128, 256), lambda r: (0, 0)),
            pl.BlockSpec((1, 256), lambda r: (0, 0)),
        ],
        out_specs=[
            pl.BlockSpec((RB, 128), lambda r: (r, 0)),
            pl.BlockSpec((RB, 128), lambda r: (r, 0)),
            pl.BlockSpec((RB, 256), lambda r: (r, 0)),
        ],
        out_shape=[
            jax.ShapeDtypeStruct((N, 128), jnp.float32),
            jax.ShapeDtypeStruct((N, 128), jnp.float32),
            jax.ShapeDtypeStruct((N, 256), jnp.float32),
        ],
    )(part1, x, dis, inv, W1, b1r)


def _layer2_body(parta_ref, partb_ref, ih_ref, dis_ref, w2_ref, b2_ref,
                 w3_ref, b3_ref, out_ref):
    a2 = (dis_ref[...]
          * jnp.concatenate([parta_ref[0] + parta_ref[1],
                             partb_ref[0] + partb_ref[1]], axis=1)
          + ih_ref[...])
    h2 = jnp.maximum(
        jnp.dot(a2, w2_ref[...], preferred_element_type=jnp.float32)
        + b2_ref[...], 0.0)
    out_ref[...] = jax.nn.sigmoid(
        jnp.dot(h2, w3_ref[...], preferred_element_type=jnp.float32)
        + b3_ref[...])


def _layer2_call(part2a, part2b, ih1, dis, W2, b2r, W3, b3r):
    return pl.pallas_call(
        _layer2_body,
        grid=(N // RB,),
        in_specs=[
            pl.BlockSpec((2, RB, 128), lambda r: (0, r, 0)),
            pl.BlockSpec((2, RB, 128), lambda r: (0, r, 0)),
            pl.BlockSpec((RB, 256), lambda r: (r, 0)),
            pl.BlockSpec((RB, 1), lambda r: (r, 0)),
            pl.BlockSpec((256, 256), lambda r: (0, 0)),
            pl.BlockSpec((1, 256), lambda r: (0, 0)),
            pl.BlockSpec((256, 128), lambda r: (0, 0)),
            pl.BlockSpec((1, 128), lambda r: (0, 0)),
        ],
        out_specs=pl.BlockSpec((RB, 128), lambda r: (r, 0)),
        out_shape=jax.ShapeDtypeStruct((N, 128), jnp.float32),
    )(part2a, part2b, ih1, dis, W2, b2r, W3, b3r)



def kernel(x, edge_index, W1, b1, W2, b2, W3, b3):
    src = edge_index[0].astype(jnp.int32)
    dst = edge_index[1].astype(jnp.int32)
    src = jnp.concatenate([src, jnp.zeros((EPAD,), jnp.int32)])
    dst = jnp.concatenate([dst, jnp.full((EPAD,), N, jnp.int32)])
    src1 = src.reshape(NC, NS, NB1, B)
    dst1 = dst.reshape(NC, NS, NB1, B)
    sd1 = jnp.stack([src1, dst1], axis=3)
    zeros128 = jnp.zeros((NP, 128), jnp.float32)
    ones128 = jnp.ones((B, 128), jnp.float32)

    hist = _deg_call(dst1, zeros128, ones128)
    dis, inv, xs = _prep_call(hist[0], hist[1], x)
    part1 = _agg_call(xs, sd1, zeros128)
    g0, g1, ih1 = _layer1_call(part1, x, dis, inv, W1, b1.reshape(1, 256))
    part2a = _agg_call(g0, sd1, zeros128)
    part2b = _agg_call(g1, sd1, zeros128)
    return _layer2_call(part2a, part2b, ih1, dis, W2, b2.reshape(1, 256),
                        W3, b3.reshape(1, 128))

# --- scband reference (transcript-rebuilt; emitter-appended) ---
"""Pipeline reference for scband-gcn-34248069219260 (READ-ONLY COPY).

The authoritative reference and input builder live on the scoring server;
editing this copy changes nothing except your own understanding.
"""

import jax, jax.numpy as jnp
import numpy as np

N = 10000

def gcn_conv(x, src, dst, W, b):
    # symmetric-normalized GCN conv with self-loops (PyG GCNConv semantics)
    deg = jnp.zeros((N,), dtype=x.dtype).at[dst].add(1.0)
    dis = jnp.where(deg > 0, jax.lax.rsqrt(deg), 0.0)
    norm = dis[src] * dis[dst]
    xw = x @ W
    msg = xw[src] * norm[:, None]
    out = jnp.zeros((N, W.shape[1]), dtype=x.dtype).at[dst].add(msg)
    return out + b


def setup_inputs(seed: int = 0) -> dict:
    key = jax.random.key(seed)
    ks = jax.random.split(key, 9)
    x = jax.random.normal(ks[0], (N, 128), dtype=jnp.float32)
    edge_index = jax.random.randint(ks[1], (2, 320000), 0, N, dtype=jnp.int64)
    W1 = jax.random.normal(ks[2], (128, 256), dtype=jnp.float32) * (1.0 / np.sqrt(128))
    b1 = jnp.zeros((256,), dtype=jnp.float32)
    W2 = jax.random.normal(ks[3], (256, 256), dtype=jnp.float32) * (1.0 / np.sqrt(256))
    b2 = jnp.zeros((256,), dtype=jnp.float32)
    W3 = jax.random.normal(ks[4], (256, 128), dtype=jnp.float32) * (1.0 / np.sqrt(256))
    b3 = jnp.zeros((128,), dtype=jnp.float32)
    return {"x": x, "edge_index": edge_index, "W1": W1, "b1": b1, "W2": W2, "b2": b2, "W3": W3, "b3": b3}


def reference(x, edge_index, W1, b1, W2, b2, W3, b3):
    # add self loops once; shared by both GCN layers
    loop = jnp.arange(N, dtype=edge_index.dtype)
    src = jnp.concatenate([edge_index[0], loop])
    dst = jnp.concatenate([edge_index[1], loop])
    h = gcn_conv(x, src, dst, W1, b1)
    h = jax.nn.relu(h)
    h = gcn_conv(h, src, dst, W2, b2)
    h = jax.nn.relu(h)
    out = h @ W3 + b3
    return jax.nn.sigmoid(out)

if __name__ == "__main__":
    import jax
    _d = setup_inputs()
    print(jax.jit(kernel)(*tuple(_d.values())))

</pallas_src>

<mosaic_0001>
#map = affine_map<(d0, d1) -> (0, 0)>
#map1 = affine_map<(d0, d1) -> (0, 0, 0, 0, 0)>
#map2 = affine_map<(d0, d1) -> (0, 0, 0)>
module attributes {stable_mosaic.version = 14 : i64} {
  func.func @_agg_body(%arg0: i32, %arg1: i32, %arg2: memref<10000x128xf32, #tpu.memory_space<hbm>>, %arg3: memref<2x16x80x2x128xi32, #tpu.memory_space<hbm>>, %arg4: memref<10240x128xf32, #tpu.memory_space<hbm>>, %arg5: memref<2x10240x128xf32, #tpu.memory_space<hbm>>, %arg6: memref<40x2x128xi32, #tpu.memory_space<vmem>>, %arg7: memref<2x128x128xf32, #tpu.memory_space<vmem>>, %arg8: memref<10240x128xf32, #tpu.memory_space<vmem_shared>>, %arg9: memref<2x!tpu.dma_semaphore, #tpu.memory_space<semaphore_mem>>, %arg10: memref<2x!tpu.dma_semaphore, #tpu.memory_space<semaphore_mem>>) attributes {dimension_semantics = [#tpu.dimension_semantics<core_parallel>, #tpu.dimension_semantics<subcore_parallel>], iteration_bounds = array<i64: 2, 16>, scalar_prefetch = 0 : i64, scratch_operands = 5 : i64, tpu.core_type = #tpu.core_type<sc_vector_subcore>, window_params = [{transform_indices = #map}, {transform_indices = #map1}, {transform_indices = #map}, {transform_indices = #map2}]} {
    %mul3A = arith.constant 640 : i32
    %mul3A_0 = arith.muli %arg1, %mul3A : i32
    "tpu.region"() ({
      %run_scoped3A = tpu.sem_alloc : memref<!tpu.dma_semaphore, #tpu.memory_space<semaphore_mem>>
      %dma_start3A_76 = arith.constant 0 : i32
      %dma_start3A_77 = tpu.memref_slice %arg8[%mul3A_0, %dma_start3A_76] : memref<10240x128xf32, #tpu.memory_space<vmem_shared>> -> memref<640x128xf32, #tpu.memory_space<vmem_shared>>
      %dma_start3A_78 = arith.constant 0 : i32
      %dma_start3A_79 = tpu.memref_slice %arg4[%mul3A_0, %dma_start3A_78] : memref<10240x128xf32, #tpu.memory_space<hbm>> -> memref<640x128xf32, #tpu.memory_space<hbm>>
      tpu.enqueue_dma source(%dma_start3A_79 : memref<640x128xf32, #tpu.memory_space<hbm>>) target(%dma_start3A_77 : memref<640x128xf32, #tpu.memory_space<vmem_shared>>) target_semaphore(%run_scoped3A : memref<!tpu.dma_semaphore, #tpu.memory_space<semaphore_mem>>)
      %dma_wait3A = arith.constant 0 : i32
      %dma_wait3A_80 = tpu.memref_slice %arg8[%mul3A_0, %dma_wait3A] : memref<10240x128xf32, #tpu.memory_space<vmem_shared>> -> memref<640x128xf32, #tpu.memory_space<vmem_shared>>
      %dma_wait3A_81 = arith.constant 0 : i32
      %dma_wait3A_82 = tpu.memref_slice %arg4[%mul3A_0, %dma_wait3A_81] : memref<10240x128xf32, #tpu.memory_space<hbm>> -> memref<640x128xf32, #tpu.memory_space<hbm>>
      tpu.wait_dma2 semaphore(%run_scoped3A : memref<!tpu.dma_semaphore, #tpu.memory_space<semaphore_mem>>) src(%dma_wait3A_82 : memref<640x128xf32, #tpu.memory_space<hbm>>) dst(%dma_wait3A_80 : memref<640x128xf32, #tpu.memory_space<vmem_shared>>)
      tpu.yield
    }) : () -> ()
    %barrier3A = arith.constant 0 : index
    tpu.barrier barrier_id(%barrier3A)
    "tpu.region"() ({
      %run_scoped3A = tpu.sem_alloc : memref<!tpu.dma_semaphore, #tpu.memory_space<semaphore_mem>>
      %dma_start3A_76 = arith.constant 0 : i32
      %dma_start3A_77 = arith.constant 0 : i32
      %dma_start3A_78 = arith.constant 0 : i32
      %dma_start3A_79 = tpu.memref_slice %arg3[%arg0, %arg1, %dma_start3A_76, %dma_start3A_77, %dma_start3A_78] : memref<2x16x80x2x128xi32, #tpu.memory_space<hbm>> -> memref<1x1x40x2x128xi32, #tpu.memory_space<hbm>>
      %dma_start3A_80 = tpu.memref_squeeze %dma_start3A_79 : memref<1x1x40x2x128xi32, #tpu.memory_space<hbm>> -> memref<40x2x128xi32, #tpu.memory_space<hbm>>
      %dma_start3A_81 = arith.constant 0 : i32
      %dma_start3A_82 = arith.constant 0 : i32
      %dma_start3A_83 = arith.constant 0 : i32
      %dma_start3A_84 = tpu.memref_slice %arg3[%arg0, %arg1, %dma_start3A_81, %dma_start3A_82, %dma_start3A_83] : memref<2x16x80x2x128xi32, #tpu.memory_space<hbm>> -> memref<1x1x40x2x128xi32, #tpu.memory_space<hbm>>
      %dma_start3A_85 = tpu.memref_squeeze %dma_start3A_84 : memref<1x1x40x2x128xi32, #tpu.memory_space<hbm>> -> memref<40x2x128xi32, #tpu.memory_space<hbm>>
      tpu.enqueue_dma source(%dma_start3A_85 : memref<40x2x128xi32, #tpu.memory_space<hbm>>) target(%arg6 : memref<40x2x128xi32, #tpu.memory_space<vmem>>) target_semaphore(%run_scoped3A : memref<!tpu.dma_semaphore, #tpu.memory_space<semaphore_mem>>)
      %dma_wait3A = arith.constant 0 : i32
      %dma_wait3A_86 = arith.constant 0 : i32
      %dma_wait3A_87 = arith.constant 0 : i32
      %dma_wait3A_88 = tpu.memref_slice %arg3[%arg0, %arg1, %dma_wait3A, %dma_wait3A_86, %dma_wait3A_87] : memref<2x16x80x2x128xi32, #tpu.memory_space<hbm>> -> memref<1x1x40x2x128xi32, #tpu.memory_space<hbm>>
      %dma_wait3A_89 = tpu.memref_squeeze %dma_wait3A_88 : memref<1x1x40x2x128xi32, #tpu.memory_space<hbm>> -> memref<40x2x128xi32, #tpu.memory_space<hbm>>
      %dma_wait3A_90 = arith.constant 0 : i32
      %dma_wait3A_91 = arith.constant 0 : i32
      %dma_wait3A_92 = arith.constant 0 : i32
      %dma_wait3A_93 = tpu.memref_slice %arg3[%arg0, %arg1, %dma_wait3A_90, %dma_wait3A_91, %dma_wait3A_92] : memref<2x16x80x2x128xi32, #tpu.memory_space<hbm>> -> memref<1x1x40x2x128xi32, #tpu.memory_space<hbm>>
      %dma_wait3A_94 = tpu.memref_squeeze %dma_wait3A_93 : memref<1x1x40x2x128xi32, #tpu.memory_space<hbm>> -> memref<40x2x128xi32, #tpu.memory_space<hbm>>
      tpu.wait_dma2 semaphore(%run_scoped3A : memref<!tpu.dma_semaphore, #tpu.memory_space<semaphore_mem>>) src(%dma_wait3A_94 : memref<40x2x128xi32, #tpu.memory_space<hbm>>) dst(%arg6 : memref<40x2x128xi32, #tpu.memory_space<vmem>>)
      tpu.yield
    }) : () -> ()
    %dma_start3A = arith.constant 0 : i32
    %dma_start3A_1 = arith.constant 0 : i32
    %dma_start3A_2 = arith.constant 0 : i32
    %dma_start3A_3 = arith.constant 0 : i32
    %dma_start3A_4 = arith.constant 0 : i32
    %dma_start3A_5 = arith.constant 0 : i32
    %dma_start3A_6 = tpu.memref_slice %arg7[%dma_start3A_2, %dma_start3A_4, %dma_start3A_5] : memref<2x128x128xf32, #tpu.memory_space<vmem>> -> memref<1x128x128xf32, #tpu.memory_space<vmem>>
    %dma_start3A_7 = tpu.memref_squeeze %dma_start3A_6 : memref<1x128x128xf32, #tpu.memory_space<vmem>> -> memref<128x128xf32, #tpu.memory_space<vmem>>
    %dma_start3A_8 = arith.constant 0 : i32
    %dma_start3A_9 = tpu.memref_slice %arg6[%dma_start3A, %dma_start3A_1, %dma_start3A_8] : memref<40x2x128xi32, #tpu.memory_space<vmem>> -> memref<1x1x128xi32, #tpu.memory_space<vmem>>
    %dma_start3A_10 = tpu.memref_squeeze %dma_start3A_9 : memref<1x1x128xi32, #tpu.memory_space<vmem>> -> memref<128xi32, #tpu.memory_space<vmem>>
    %dma_start3A_11 = arith.constant 0 : i32
    %dma_start3A_12 = arith.constant 0 : i32
    %dma_start3A_13 = tpu.memref_slice %arg2[%dma_start3A_11, %dma_start3A_12] : memref<10000x128xf32, #tpu.memory_space<hbm>> -> memref<10000x128xf32, #tpu.memory_space<hbm>>
    %dma_start3A_14 = tpu.memref_slice %arg9[%dma_start3A_3] : memref<2x!tpu.dma_semaphore, #tpu.memory_space<semaphore_mem>> -> memref<1x!tpu.dma_semaphore, #tpu.memory_space<semaphore_mem>>
    %dma_start3A_15 = tpu.memref_squeeze %dma_start3A_14 : memref<1x!tpu.dma_semaphore, #tpu.memory_space<semaphore_mem>> -> memref<!tpu.dma_semaphore, #tpu.memory_space<semaphore_mem>>
    tpu.enqueue_indirect_dma source(%dma_start3A_13 : memref<10000x128xf32, #tpu.memory_space<hbm>>) target(%dma_start3A_7 : memref<128x128xf32, #tpu.memory_space<vmem>>) offsets(%dma_start3A_10 : memref<128xi32, #tpu.memory_space<vmem>>) semaphore(%dma_start3A_15 : memref<!tpu.dma_semaphore, #tpu.memory_space<semaphore_mem>>)
    %dma_start3A_16 = arith.constant 1 : i32
    %dma_start3A_17 = arith.constant 0 : i32
    %dma_start3A_18 = arith.constant 1 : i32
    %dma_start3A_19 = arith.constant 1 : i32
    %dma_start3A_20 = arith.constant 0 : i32
    %dma_start3A_21 = arith.constant 0 : i32
    %dma_start3A_22 = tpu.memref_slice %arg7[%dma_start3A_18, %dma_start3A_20, %dma_start3A_21] : memref<2x128x128xf32, #tpu.memory_space<vmem>> -> memref<1x128x128xf32, #tpu.memory_space<vmem>>
    %dma_start3A_23 = tpu.memref_squeeze %dma_start3A_22 : memref<1x128x128xf32, #tpu.memory_space<vmem>> -> memref<128x128xf32, #tpu.memory_space<vmem>>
    %dma_start3A_24 = arith.constant 0 : i32
    %dma_start3A_25 = tpu.memref_slice %arg6[%dma_start3A_16, %dma_start3A_17, %dma_start3A_24] : memref<40x2x128xi32, #tpu.memory_space<vmem>> -> memref<1x1x128xi32, #tpu.memory_space<vmem>>
    %dma_start3A_26 = tpu.memref_squeeze %dma_start3A_25 : memref<1x1x128xi32, #tpu.memory_space<vmem>> -> memref<128xi32, #tpu.memory_space<vmem>>
    %dma_start3A_27 = arith.constant 0 : i32
    %dma_start3A_28 = arith.constant 0 : i32
    %dma_start3A_29 = tpu.memref_slice %arg2[%dma_start3A_27, %dma_start3A_28] : memref<10000x128xf32, #tpu.memory_space<hbm>> -> memref<10000x128xf32, #tpu.memory_space<hbm>>
    %dma_start3A_30 = tpu.memref_slice %arg9[%dma_start3A_19] : memref<2x!tpu.dma_semaphore, #tpu.memory_space<semaphore_mem>> -> memref<1x!tpu.dma_semaphore, #tpu.memory_space<semaphore_mem>>
    %dma_start3A_31 = tpu.memref_squeeze %dma_start3A_30 : memref<1x!tpu.dma_semaphore, #tpu.memory_space<semaphore_mem>> -> memref<!tpu.dma_semaphore, #tpu.memory_space<semaphore_mem>>
    tpu.enqueue_indirect_dma source(%dma_start3A_29 : memref<10000x128xf32, #tpu.memory_space<hbm>>) target(%dma_start3A_23 : memref<128x128xf32, #tpu.memory_space<vmem>>) offsets(%dma_start3A_26 : memref<128xi32, #tpu.memory_space<vmem>>) semaphore(%dma_start3A_31 : memref<!tpu.dma_semaphore, #tpu.memory_space<semaphore_mem>>)
    %scan3A = arith.constant 0 : i32
    %scan3A_32 = arith.constant 0 : i32
    %scan3A_33 = arith.constant 20 : i32
    %scan3A_34 = arith.addi %scan3A_32, %scan3A_33 : i32
    %scan3A_35 = arith.constant 1 : i32
    scf.for %scan3A_76 = %scan3A_32 to %scan3A_34 step %scan3A_35  : i32 {
      %mul3A_77 = arith.constant 2 : i32
      %mul3A_78 = arith.muli %scan3A_76, %mul3A_77 : i32
      %add3A = arith.constant 0 : i32
      %add3A_79 = arith.addi %mul3A_78, %add3A : i32
      %dma_wait3A = arith.constant 0 : i32
      %dma_wait3A_80 = arith.constant 0 : i32
      %dma_wait3A_81 = arith.constant 0 : i32
      %dma_wait3A_82 = arith.constant 0 : i32
      %dma_wait3A_83 = arith.constant 0 : i32
      %dma_wait3A_84 = tpu.memref_slice %arg7[%dma_wait3A_80, %dma_wait3A_82, %dma_wait3A_83] : memref<2x128x128xf32, #tpu.memory_space<vmem>> -> memref<1x128x128xf32, #tpu.memory_space<vmem>>
      %dma_wait3A_85 = tpu.memref_squeeze %dma_wait3A_84 : memref<1x128x128xf32, #tpu.memory_space<vmem>> -> memref<128x128xf32, #tpu.memory_space<vmem>>
      %dma_wait3A_86 = arith.constant 0 : i32
      %dma_wait3A_87 = tpu.memref_slice %arg6[%add3A_79, %dma_wait3A, %dma_wait3A_86] : memref<40x2x128xi32, #tpu.memory_space<vmem>> -> memref<1x1x128xi32, #tpu.memory_space<vmem>>
      %dma_wait3A_88 = tpu.memref_squeeze %dma_wait3A_87 : memref<1x1x128xi32, #tpu.memory_space<vmem>> -> memref<128xi32, #tpu.memory_space<vmem>>
      %dma_wait3A_89 = arith.constant 0 : i32
      %dma_wait3A_90 = arith.constant 0 : i32
      %dma_wait3A_91 = tpu.memref_slice %arg2[%dma_wait3A_89, %dma_wait3A_90] : memref<10000x128xf32, #tpu.memory_space<hbm>> -> memref<10000x128xf32, #tpu.memory_space<hbm>>
      %dma_wait3A_92 = tpu.memref_slice %arg9[%dma_wait3A_81] : memref<2x!tpu.dma_semaphore, #tpu.memory_space<semaphore_mem>> -> memref<1x!tpu.dma_semaphore, #tpu.memory_space<semaphore_mem>>
      %dma_wait3A_93 = tpu.memref_squeeze %dma_wait3A_92 : memref<1x!tpu.dma_semaphore, #tpu.memory_space<semaphore_mem>> -> memref<!tpu.dma_semaphore, #tpu.memory_space<semaphore_mem>>
      tpu.wait_indirect_dma semaphore(%dma_wait3A_93 : memref<!tpu.dma_semaphore, #tpu.memory_space<semaphore_mem>>) src(%dma_wait3A_91 : memref<10000x128xf32, #tpu.memory_space<hbm>>) dst(%dma_wait3A_85 : memref<128x128xf32, #tpu.memory_space<vmem>>)
      %dma_start3A_94 = arith.constant 0 : i32
      %dma_start3A_95 = arith.constant 1 : i32
      %dma_start3A_96 = arith.constant 0 : i32
      %dma_start3A_97 = arith.constant 0 : i32
      %dma_start3A_98 = arith.constant 0 : i32
      %dma_start3A_99 = tpu.memref_slice %arg7[%dma_start3A_94, %dma_start3A_97, %dma_start3A_98] : memref<2x128x128xf32, #tpu.memory_space<vmem>> -> memref<1x128x128xf32, #tpu.memory_space<vmem>>
      %dma_start3A_100 = tpu.memref_squeeze %dma_start3A_99 : memref<1x128x128xf32, #tpu.memory_space<vmem>> -> memref<128x128xf32, #tpu.memory_space<vmem>>
      %dma_start3A_101 = arith.constant 0 : i32
      %dma_start3A_102 = tpu.memref_slice %arg6[%add3A_79, %dma_start3A_95, %dma_start3A_101] : memref<40x2x128xi32, #tpu.memory_space<vmem>> -> memref<1x1x128xi32, #tpu.memory_space<vmem>>
      %dma_start3A_103 = tpu.memref_squeeze %dma_start3A_102 : memref<1x1x128xi32, #tpu.memory_space<vmem>> -> memref<128xi32, #tpu.memory_space<vmem>>
      %dma_start3A_104 = arith.constant 0 : i32
      %dma_start3A_105 = arith.constant 0 : i32
      %dma_start3A_106 = tpu.memref_slice %arg8[%dma_start3A_104, %dma_start3A_105] : memref<10240x128xf32, #tpu.memory_space<vmem_shared>> -> memref<10240x128xf32, #tpu.memory_space<vmem_shared>>
      %dma_start3A_107 = tpu.memref_slice %arg10[%dma_start3A_96] : memref<2x!tpu.dma_semaphore, #tpu.memory_space<semaphore_mem>> -> memref<1x!tpu.dma_semaphore, #tpu.memory_space<semaphore_mem>>
      %dma_start3A_108 = tpu.memref_squeeze %dma_start3A_107 : memref<1x!tpu.dma_semaphore, #tpu.memory_space<semaphore_mem>> -> memref<!tpu.dma_semaphore, #tpu.memory_space<semaphore_mem>>
      tpu.enqueue_indirect_dma source(%dma_start3A_100 : memref<128x128xf32, #tpu.memory_space<vmem>>) target(%dma_start3A_106 : memref<10240x128xf32, #tpu.memory_space<vmem_shared>>) offsets(%dma_start3A_103 : memref<128xi32, #tpu.memory_space<vmem>>) semaphore(%dma_start3A_108 : memref<!tpu.dma_semaphore, #tpu.memory_space<semaphore_mem>>) {add = true}
      %dma_wait3A_109 = arith.constant 0 : i32
      %dma_wait3A_110 = arith.constant 1 : i32
      %dma_wait3A_111 = arith.constant 0 : i32
      %dma_wait3A_112 = arith.constant 0 : i32
      %dma_wait3A_113 = arith.constant 0 : i32
      %dma_wait3A_114 = tpu.memref_slice %arg7[%dma_wait3A_109, %dma_wait3A_112, %dma_wait3A_113] : memref<2x128x128xf32, #tpu.memory_space<vmem>> -> memref<1x128x128xf32, #tpu.memory_space<vmem>>
      %dma_wait3A_115 = tpu.memref_squeeze %dma_wait3A_114 : memref<1x128x128xf32, #tpu.memory_space<vmem>> -> memref<128x128xf32, #tpu.memory_space<vmem>>
      %dma_wait3A_116 = arith.constant 0 : i32
      %dma_wait3A_117 = tpu.memref_slice %arg6[%add3A_79, %dma_wait3A_110, %dma_wait3A_116] : memref<40x2x128xi32, #tpu.memory_space<vmem>> -> memref<1x1x128xi32, #tpu.memory_space<vmem>>
      %dma_wait3A_118 = tpu.memref_squeeze %dma_wait3A_117 : memref<1x1x128xi32, #tpu.memory_space<vmem>> -> memref<128xi32, #tpu.memory_space<vmem>>
      %dma_wait3A_119 = arith.constant 0 : i32
      %dma_wait3A_120 = arith.constant 0 : i32
      %dma_wait3A_121 = tpu.memref_slice %arg8[%dma_wait3A_119, %dma_wait3A_120] : memref<10240x128xf32, #tpu.memory_space<vmem_shared>> -> memref<10240x128xf32, #tpu.memory_space<vmem_shared>>
      %dma_wait3A_122 = tpu.memref_slice %arg10[%dma_wait3A_111] : memref<2x!tpu.dma_semaphore, #tpu.memory_space<semaphore_mem>> -> memref<1x!tpu.dma_semaphore, #tpu.memory_space<semaphore_mem>>
      %dma_wait3A_123 = tpu.memref_squeeze %dma_wait3A_122 : memref<1x!tpu.dma_semaphore, #tpu.memory_space<semaphore_mem>> -> memref<!tpu.dma_semaphore, #tpu.memory_space<semaphore_mem>>
      tpu.wait_indirect_dma semaphore(%dma_wait3A_123 : memref<!tpu.dma_semaphore, #tpu.memory_space<semaphore_mem>>) src(%dma_wait3A_115 : memref<128x128xf32, #tpu.memory_space<vmem>>) dst(%dma_wait3A_121 : memref<10240x128xf32, #tpu.memory_space<vmem_shared>>)
      %add3A_124 = arith.constant 2 : i32
      %add3A_125 = arith.addi %add3A_79, %add3A_124 : i32
      %lt3A = arith.constant 40 : i32
      %lt3A_126 = arith.cmpi slt, %add3A_125, %lt3A : i32
      %convert_element_type3A = arith.extui %lt3A_126 : i1 to i32
      %cond3A = arith.constant 0 : i32
      %cond3A_127 = arith.cmpi ne, %convert_element_type3A, %cond3A : i32
      scf.if %cond3A_127 {
        %add3A_182 = arith.constant 2 : i32
        %add3A_183 = arith.addi %add3A_79, %add3A_182 : i32
        %dma_start3A_184 = arith.constant 0 : i32
        %dma_start3A_185 = arith.constant 0 : i32
        %dma_start3A_186 = arith.constant 0 : i32
        %dma_start3A_187 = arith.constant 0 : i32
        %dma_start3A_188 = arith.constant 0 : i32
        %dma_start3A_189 = tpu.memref_slice %arg7[%dma_start3A_185, %dma_start3A_187, %dma_start3A_188] : memref<2x128x128xf32, #tpu.memory_space<vmem>> -> memref<1x128x128xf32, #tpu.memory_space<vmem>>
        %dma_start3A_190 = tpu.memref_squeeze %dma_start3A_189 : memref<1x128x128xf32, #tpu.memory_space<vmem>> -> memref<128x128xf32, #tpu.memory_space<vmem>>
        %dma_start3A_191 = arith.constant 0 : i32
        %dma_start3A_192 = tpu.memref_slice %arg6[%add3A_183, %dma_start3A_184, %dma_start3A_191] : memref<40x2x128xi32, #tpu.memory_space<vmem>> -> memref<1x1x128xi32, #tpu.memory_space<vmem>>
        %dma_start3A_193 = tpu.memref_squeeze %dma_start3A_192 : memref<1x1x128xi32, #tpu.memory_space<vmem>> -> memref<128xi32, #tpu.memory_space<vmem>>
        %dma_start3A_194 = arith.constant 0 : i32
        %dma_start3A_195 = arith.constant 0 : i32
        %dma_start3A_196 = tpu.memref_slice %arg2[%dma_start3A_194, %dma_start3A_195] : memref<10000x128xf32, #tpu.memory_space<hbm>> -> memref<10000x128xf32, #tpu.memory_space<hbm>>
        %dma_start3A_197 = tpu.memref_slice %arg9[%dma_start3A_186] : memref<2x!tpu.dma_semaphore, #tpu.memory_space<semaphore_mem>> -> memref<1x!tpu.dma_semaphore, #tpu.memory_space<semaphore_mem>>
        %dma_start3A_198 = tpu.memref_squeeze %dma_start3A_197 : memref<1x!tpu.dma_semaphore, #tpu.memory_space<semaphore_mem>> -> memref<!tpu.dma_semaphore, #tpu.memory_space<semaphore_mem>>
        tpu.enqueue_indirect_dma source(%dma_start3A_196 : memref<10000x128xf32, #tpu.memory_space<hbm>>) target(%dma_start3A_190 : memref<128x128xf32, #tpu.memory_space<vmem>>) offsets(%dma_start3A_193 : memref<128xi32, #tpu.memory_space<vmem>>) semaphore(%dma_start3A_198 : memref<!tpu.dma_semaphore, #tpu.memory_space<semaphore_mem>>)
      } else {
      }
      %add3A_128 = arith.constant 1 : i32
      %add3A_129 = arith.addi %mul3A_78, %add3A_128 : i32
      %dma_wait3A_130 = arith.constant 0 : i32
      %dma_wait3A_131 = arith.constant 1 : i32
      %dma_wait3A_132 = arith.constant 1 : i32
      %dma_wait3A_133 = arith.constant 0 : i32
      %dma_wait3A_134 = arith.constant 0 : i32
      %dma_wait3A_135 = tpu.memref_slice %arg7[%dma_wait3A_131, %dma_wait3A_133, %dma_wait3A_134] : memref<2x128x128xf32, #tpu.memory_space<vmem>> -> memref<1x128x128xf32, #tpu.memory_space<vmem>>
      %dma_wait3A_136 = tpu.memref_squeeze %dma_wait3A_135 : memref<1x128x128xf32, #tpu.memory_space<vmem>> -> memref<128x128xf32, #tpu.memory_space<vmem>>
      %dma_wait3A_137 = arith.constant 0 : i32
      %dma_wait3A_138 = tpu.memref_slice %arg6[%add3A_129, %dma_wait3A_130, %dma_wait3A_137] : memref<40x2x128xi32, #tpu.memory_space<vmem>> -> memref<1x1x128xi32, #tpu.memory_space<vmem>>
      %dma_wait3A_139 = tpu.memref_squeeze %dma_wait3A_138 : memref<1x1x128xi32, #tpu.memory_space<vmem>> -> memref<128xi32, #tpu.memory_space<vmem>>
      %dma_wait3A_140 = arith.constant 0 : i32
      %dma_wait3A_141 = arith.constant 0 : i32
      %dma_wait3A_142 = tpu.memref_slice %arg2[%dma_wait3A_140, %dma_wait3A_141] : memref<10000x128xf32, #tpu.memory_space<hbm>> -> memref<10000x128xf32, #tpu.memory_space<hbm>>
      %dma_wait3A_143 = tpu.memref_slice %arg9[%dma_wait3A_132] : memref<2x!tpu.dma_semaphore, #tpu.memory_space<semaphore_mem>> -> memref<1x!tpu.dma_semaphore, #tpu.memory_space<semaphore_mem>>
      %dma_wait3A_144 = tpu.memref_squeeze %dma_wait3A_143 : memref<1x!tpu.dma_semaphore, #tpu.memory_space<semaphore_mem>> -> memref<!tpu.dma_semaphore, #tpu.memory_space<semaphore_mem>>
      tpu.wait_indirect_dma semaphore(%dma_wait3A_144 : memref<!tpu.dma_semaphore, #tpu.memory_space<semaphore_mem>>) src(%dma_wait3A_142 : memref<10000x128xf32, #tpu.memory_space<hbm>>) dst(%dma_wait3A_136 : memref<128x128xf32, #tpu.memory_space<vmem>>)
      %dma_start3A_145 = arith.constant 1 : i32
      %dma_start3A_146 = arith.constant 1 : i32
      %dma_start3A_147 = arith.constant 1 : i32
      %dma_start3A_148 = arith.constant 0 : i32
      %dma_start3A_149 = arith.constant 0 : i32
      %dma_start3A_150 = tpu.memref_slice %arg7[%dma_start3A_145, %dma_start3A_148, %dma_start3A_149] : memref<2x128x128xf32, #tpu.memory_space<vmem>> -> memref<1x128x128xf32, #tpu.memory_space<vmem>>
      %dma_start3A_151 = tpu.memref_squeeze %dma_start3A_150 : memref<1x128x128xf32, #tpu.memory_space<vmem>> -> memref<128x128xf32, #tpu.memory_space<vmem>>
      %dma_start3A_152 = arith.constant 0 : i32
      %dma_start3A_153 = tpu.memref_slice %arg6[%add3A_129, %dma_start3A_146, %dma_start3A_152] : memref<40x2x128xi32, #tpu.memory_space<vmem>> -> memref<1x1x128xi32, #tpu.memory_space<vmem>>
      %dma_start3A_154 = tpu.memref_squeeze %dma_start3A_153 : memref<1x1x128xi32, #tpu.memory_space<vmem>> -> memref<128xi32, #tpu.memory_space<vmem>>
      %dma_start3A_155 = arith.constant 0 : i32
      %dma_start3A_156 = arith.constant 0 : i32
      %dma_start3A_157 = tpu.memref_slice %arg8[%dma_start3A_155, %dma_start3A_156] : memref<10240x128xf32, #tpu.memory_space<vmem_shared>> -> memref<10240x128xf32, #tpu.memory_space<vmem_shared>>
      %dma_start3A_158 = tpu.memref_slice %arg10[%dma_start3A_147] : memref<2x!tpu.dma_semaphore, #tpu.memory_space<semaphore_mem>> -> memref<1x!tpu.dma_semaphore, #tpu.memory_space<semaphore_mem>>
      %dma_start3A_159 = tpu.memref_squeeze %dma_start3A_158 : memref<1x!tpu.dma_semaphore, #tpu.memory_space<semaphore_mem>> -> memref<!tpu.dma_semaphore, #tpu.memory_space<semaphore_mem>>
      tpu.enqueue_indirect_dma source(%dma_start3A_151 : memref<128x128xf32, #tpu.memory_space<vmem>>) target(%dma_start3A_157 : memref<10240x128xf32, #tpu.memory_space<vmem_shared>>) offsets(%dma_start3A_154 : memref<128xi32, #tpu.memory_space<vmem>>) semaphore(%dma_start3A_159 : memref<!tpu.dma_semaphore, #tpu.memory_space<semaphore_mem>>) {add = true}
      %dma_wait3A_160 = arith.constant 1 : i32
      %dma_wait3A_161 = arith.constant 1 : i32
      %dma_wait3A_162 = arith.constant 1 : i32
      %dma_wait3A_163 = arith.constant 0 : i32
      %dma_wait3A_164 = arith.constant 0 : i32
      %dma_wait3A_165 = tpu.memref_slice %arg7[%dma_wait3A_160, %dma_wait3A_163, %dma_wait3A_164] : memref<2x128x128xf32, #tpu.memory_space<vmem>> -> memref<1x128x128xf32, #tpu.memory_space<vmem>>
      %dma_wait3A_166 = tpu.memref_squeeze %dma_wait3A_165 : memref<1x128x128xf32, #tpu.memory_space<vmem>> -> memref<128x128xf32, #tpu.memory_space<vmem>>
      %dma_wait3A_167 = arith.constant 0 : i32
      %dma_wait3A_168 = tpu.memref_slice %arg6[%add3A_129, %dma_wait3A_161, %dma_wait3A_167] : memref<40x2x128xi32, #tpu.memory_space<vmem>> -> memref<1x1x128xi32, #tpu.memory_space<vmem>>
      %dma_wait3A_169 = tpu.memref_squeeze %dma_wait3A_168 : memref<1x1x128xi32, #tpu.memory_space<vmem>> -> memref<128xi32, #tpu.memory_space<vmem>>
      %dma_wait3A_170 = arith.constant 0 : i32
      %dma_wait3A_171 = arith.constant 0 : i32
      %dma_wait3A_172 = tpu.memref_slice %arg8[%dma_wait3A_170, %dma_wait3A_171] : memref<10240x128xf32, #tpu.memory_space<vmem_shared>> -> memref<10240x128xf32, #tpu.memory_space<vmem_shared>>
      %dma_wait3A_173 = tpu.memref_slice %arg10[%dma_wait3A_162] : memref<2x!tpu.dma_semaphore, #tpu.memory_space<semaphore_mem>> -> memref<1x!tpu.dma_semaphore, #tpu.memory_space<semaphore_mem>>
      %dma_wait3A_174 = tpu.memref_squeeze %dma_wait3A_173 : memref<1x!tpu.dma_semaphore, #tpu.memory_space<semaphore_mem>> -> memref<!tpu.dma_semaphore, #tpu.memory_space<semaphore_mem>>
      tpu.wait_indirect_dma semaphore(%dma_wait3A_174 : memref<!tpu.dma_semaphore, #tpu.memory_space<semaphore_mem>>) src(%dma_wait3A_166 : memref<128x128xf32, #tpu.memory_space<vmem>>) dst(%dma_wait3A_172 : memref<10240x128xf32, #tpu.memory_space<vmem_shared>>)
      %add3A_175 = arith.constant 2 : i32
      %add3A_176 = arith.addi %add3A_129, %add3A_175 : i32
      %lt3A_177 = arith.constant 40 : i32
      %lt3A_178 = arith.cmpi slt, %add3A_176, %lt3A_177 : i32
      %convert_element_type3A_179 = arith.extui %lt3A_178 : i1 to i32
      %cond3A_180 = arith.constant 0 : i32
      %cond3A_181 = arith.cmpi ne, %convert_element_type3A_179, %cond3A_180 : i32
      scf.if %cond3A_181 {
        %add3A_182 = arith.constant 2 : i32
        %add3A_183 = arith.addi %add3A_129, %add3A_182 : i32
        %dma_start3A_184 = arith.constant 0 : i32
        %dma_start3A_185 = arith.constant 1 : i32
        %dma_start3A_186 = arith.constant 1 : i32
        %dma_start3A_187 = arith.constant 0 : i32
        %dma_start3A_188 = arith.constant 0 : i32
        %dma_start3A_189 = tpu.memref_slice %arg7[%dma_start3A_185, %dma_start3A_187, %dma_start3A_188] : memref<2x128x128xf32, #tpu.memory_space<vmem>> -> memref<1x128x128xf32, #tpu.memory_space<vmem>>
        %dma_start3A_190 = tpu.memref_squeeze %dma_start3A_189 : memref<1x128x128xf32, #tpu.memory_space<vmem>> -> memref<128x128xf32, #tpu.memory_space<vmem>>
        %dma_start3A_191 = arith.constant 0 : i32
        %dma_start3A_192 = tpu.memref_slice %arg6[%add3A_183, %dma_start3A_184, %dma_start3A_191] : memref<40x2x128xi32, #tpu.memory_space<vmem>> -> memref<1x1x128xi32, #tpu.memory_space<vmem>>
        %dma_start3A_193 = tpu.memref_squeeze %dma_start3A_192 : memref<1x1x128xi32, #tpu.memory_space<vmem>> -> memref<128xi32, #tpu.memory_space<vmem>>
        %dma_start3A_194 = arith.constant 0 : i32
        %dma_start3A_195 = arith.constant 0 : i32
        %dma_start3A_196 = tpu.memref_slice %arg2[%dma_start3A_194, %dma_start3A_195] : memref<10000x128xf32, #tpu.memory_space<hbm>> -> memref<10000x128xf32, #tpu.memory_space<hbm>>
        %dma_start3A_197 = tpu.memref_slice %arg9[%dma_start3A_186] : memref<2x!tpu.dma_semaphore, #tpu.memory_space<semaphore_mem>> -> memref<1x!tpu.dma_semaphore, #tpu.memory_space<semaphore_mem>>
        %dma_start3A_198 = tpu.memref_squeeze %dma_start3A_197 : memref<1x!tpu.dma_semaphore, #tpu.memory_space<semaphore_mem>> -> memref<!tpu.dma_semaphore, #tpu.memory_space<semaphore_mem>>
        tpu.enqueue_indirect_dma source(%dma_start3A_196 : memref<10000x128xf32, #tpu.memory_space<hbm>>) target(%dma_start3A_190 : memref<128x128xf32, #tpu.memory_space<vmem>>) offsets(%dma_start3A_193 : memref<128xi32, #tpu.memory_space<vmem>>) semaphore(%dma_start3A_198 : memref<!tpu.dma_semaphore, #tpu.memory_space<semaphore_mem>>)
      } else {
      }
    }
    %scan3A_36 = arith.constant 20 : i32
    "tpu.region"() ({
      %run_scoped3A = tpu.sem_alloc : memref<!tpu.dma_semaphore, #tpu.memory_space<semaphore_mem>>
      %dma_start3A_76 = arith.constant 40 : i32
      %dma_start3A_77 = arith.constant 0 : i32
      %dma_start3A_78 = arith.constant 0 : i32
      %dma_start3A_79 = tpu.memref_slice %arg3[%arg0, %arg1, %dma_start3A_76, %dma_start3A_77, %dma_start3A_78] : memref<2x16x80x2x128xi32, #tpu.memory_space<hbm>> -> memref<1x1x40x2x128xi32, #tpu.memory_space<hbm>>
      %dma_start3A_80 = tpu.memref_squeeze %dma_start3A_79 : memref<1x1x40x2x128xi32, #tpu.memory_space<hbm>> -> memref<40x2x128xi32, #tpu.memory_space<hbm>>
      %dma_start3A_81 = arith.constant 40 : i32
      %dma_start3A_82 = arith.constant 0 : i32
      %dma_start3A_83 = arith.constant 0 : i32
      %dma_start3A_84 = tpu.memref_slice %arg3[%arg0, %arg1, %dma_start3A_81, %dma_start3A_82, %dma_start3A_83] : memref<2x16x80x2x128xi32, #tpu.memory_space<hbm>> -> memref<1x1x40x2x128xi32, #tpu.memory_space<hbm>>
      %dma_start3A_85 = tpu.memref_squeeze %dma_start3A_84 : memref<1x1x40x2x128xi32, #tpu.memory_space<hbm>> -> memref<40x2x128xi32, #tpu.memory_space<hbm>>
      tpu.enqueue_dma source(%dma_start3A_85 : memref<40x2x128xi32, #tpu.memory_space<hbm>>) target(%arg6 : memref<40x2x128xi32, #tpu.memory_space<vmem>>) target_semaphore(%run_scoped3A : memref<!tpu.dma_semaphore, #tpu.memory_space<semaphore_mem>>)
      %dma_wait3A = arith.constant 40 : i32
      %dma_wait3A_86 = arith.constant 0 : i32
      %dma_wait3A_87 = arith.constant 0 : i32
      %dma_wait3A_88 = tpu.memref_slice %arg3[%arg0, %arg1, %dma_wait3A, %dma_wait3A_86, %dma_wait3A_87] : memref<2x16x80x2x128xi32, #tpu.memory_space<hbm>> -> memref<1x1x40x2x128xi32, #tpu.memory_space<hbm>>
      %dma_wait3A_89 = tpu.memref_squeeze %dma_wait3A_88 : memref<1x1x40x2x128xi32, #tpu.memory_space<hbm>> -> memref<40x2x128xi32, #tpu.memory_space<hbm>>
      %dma_wait3A_90 = arith.constant 40 : i32
      %dma_wait3A_91 = arith.constant 0 : i32
      %dma_wait3A_92 = arith.constant 0 : i32
      %dma_wait3A_93 = tpu.memref_slice %arg3[%arg0, %arg1, %dma_wait3A_90, %dma_wait3A_91, %dma_wait3A_92] : memref<2x16x80x2x128xi32, #tpu.memory_space<hbm>> -> memref<1x1x40x2x128xi32, #tpu.memory_space<hbm>>
      %dma_wait3A_94 = tpu.memref_squeeze %dma_wait3A_93 : memref<1x1x40x2x128xi32, #tpu.memory_space<hbm>> -> memref<40x2x128xi32, #tpu.memory_space<hbm>>
      tpu.wait_dma2 semaphore(%run_scoped3A : memref<!tpu.dma_semaphore, #tpu.memory_space<semaphore_mem>>) src(%dma_wait3A_94 : memref<40x2x128xi32, #tpu.memory_space<hbm>>) dst(%arg6 : memref<40x2x128xi32, #tpu.memory_space<vmem>>)
      tpu.yield
    }) : () -> ()
    %dma_start3A_37 = arith.constant 0 : i32
    %dma_start3A_38 = arith.constant 0 : i32
    %dma_start3A_39 = arith.constant 0 : i32
    %dma_start3A_40 = arith.constant 0 : i32
    %dma_start3A_41 = arith.constant 0 : i32
    %dma_start3A_42 = arith.constant 0 : i32
    %dma_start3A_43 = tpu.memref_slice %arg7[%dma_start3A_39, %dma_start3A_41, %dma_start3A_42] : memref<2x128x128xf32, #tpu.memory_space<vmem>> -> memref<1x128x128xf32, #tpu.memory_space<vmem>>
    %dma_start3A_44 = tpu.memref_squeeze %dma_start3A_43 : memref<1x128x128xf32, #tpu.memory_space<vmem>> -> memref<128x128xf32, #tpu.memory_space<vmem>>
    %dma_start3A_45 = arith.constant 0 : i32
    %dma_start3A_46 = tpu.memref_slice %arg6[%dma_start3A_37, %dma_start3A_38, %dma_start3A_45] : memref<40x2x128xi32, #tpu.memory_space<vmem>> -> memref<1x1x128xi32, #tpu.memory_space<vmem>>
    %dma_start3A_47 = tpu.memref_squeeze %dma_start3A_46 : memref<1x1x128xi32, #tpu.memory_space<vmem>> -> memref<128xi32, #tpu.memory_space<vmem>>
    %dma_start3A_48 = arith.constant 0 : i32
    %dma_start3A_49 = arith.constant 0 : i32
    %dma_start3A_50 = tpu.memref_slice %arg2[%dma_start3A_48, %dma_start3A_49] : memref<10000x128xf32, #tpu.memory_space<hbm>> -> memref<10000x128xf32, #tpu.memory_space<hbm>>
    %dma_start3A_51 = tpu.memref_slice %arg9[%dma_start3A_40] : memref<2x!tpu.dma_semaphore, #tpu.memory_space<semaphore_mem>> -> memref<1x!tpu.dma_semaphore, #tpu.memory_space<semaphore_mem>>
    %dma_start3A_52 = tpu.memref_squeeze %dma_start3A_51 : memref<1x!tpu.dma_semaphore, #tpu.memory_space<semaphore_mem>> -> memref<!tpu.dma_semaphore, #tpu.memory_space<semaphore_mem>>
    tpu.enqueue_indirect_dma source(%dma_start3A_50 : memref<10000x128xf32, #tpu.memory_space<hbm>>) target(%dma_start3A_44 : memref<128x128xf32, #tpu.memory_space<vmem>>) offsets(%dma_start3A_47 : memref<128xi32, #tpu.memory_space<vmem>>) semaphore(%dma_start3A_52 : memref<!tpu.dma_semaphore, #tpu.memory_space<semaphore_mem>>)
    %dma_start3A_53 = arith.constant 1 : i32
    %dma_start3A_54 = arith.constant 0 : i32
    %dma_start3A_55 = arith.constant 1 : i32
    %dma_start3A_56 = arith.constant 1 : i32
    %dma_start3A_57 = arith.constant 0 : i32
    %dma_start3A_58 = arith.constant 0 : i32
    %dma_start3A_59 = tpu.memref_slice %arg7[%dma_start3A_55, %dma_start3A_57, %dma_start3A_58] : memref<2x128x128xf32, #tpu.memory_space<vmem>> -> memref<1x128x128xf32, #tpu.memory_space<vmem>>
    %dma_start3A_60 = tpu.memref_squeeze %dma_start3A_59 : memref<1x128x128xf32, #tpu.memory_space<vmem>> -> memref<128x128xf32, #tpu.memory_space<vmem>>
    %dma_start3A_61 = arith.constant 0 : i32
    %dma_start3A_62 = tpu.memref_slice %arg6[%dma_start3A_53, %dma_start3A_54, %dma_start3A_61] : memref<40x2x128xi32, #tpu.memory_space<vmem>> -> memref<1x1x128xi32, #tpu.memory_space<vmem>>
    %dma_start3A_63 = tpu.memref_squeeze %dma_start3A_62 : memref<1x1x128xi32, #tpu.memory_space<vmem>> -> memref<128xi32, #tpu.memory_space<vmem>>
    %dma_start3A_64 = arith.constant 0 : i32
    %dma_start3A_65 = arith.constant 0 : i32
    %dma_start3A_66 = tpu.memref_slice %arg2[%dma_start3A_64, %dma_start3A_65] : memref<10000x128xf32, #tpu.memory_space<hbm>> -> memref<10000x128xf32, #tpu.memory_space<hbm>>
    %dma_start3A_67 = tpu.memref_slice %arg9[%dma_start3A_56] : memref<2x!tpu.dma_semaphore, #tpu.memory_space<semaphore_mem>> -> memref<1x!tpu.dma_semaphore, #tpu.memory_space<semaphore_mem>>
    %dma_start3A_68 = tpu.memref_squeeze %dma_start3A_67 : memref<1x!tpu.dma_semaphore, #tpu.memory_space<semaphore_mem>> -> memref<!tpu.dma_semaphore, #tpu.memory_space<semaphore_mem>>
    tpu.enqueue_indirect_dma source(%dma_start3A_66 : memref<10000x128xf32, #tpu.memory_space<hbm>>) target(%dma_start3A_60 : memref<128x128xf32, #tpu.memory_space<vmem>>) offsets(%dma_start3A_63 : memref<128xi32, #tpu.memory_space<vmem>>) semaphore(%dma_start3A_68 : memref<!tpu.dma_semaphore, #tpu.memory_space<semaphore_mem>>)
    %scan3A_69 = arith.constant 0 : i32
    %scan3A_70 = arith.constant 0 : i32
    %scan3A_71 = arith.constant 20 : i32
    %scan3A_72 = arith.addi %scan3A_70, %scan3A_71 : i32
    %scan3A_73 = arith.constant 1 : i32
    scf.for %scan3A_76 = %scan3A_70 to %scan3A_72 step %scan3A_73  : i32 {
      %mul3A_77 = arith.constant 2 : i32
      %mul3A_78 = arith.muli %scan3A_76, %mul3A_77 : i32
      %add3A = arith.constant 0 : i32
      %add3A_79 = arith.addi %mul3A_78, %add3A : i32
      %dma_wait3A = arith.constant 0 : i32
      %dma_wait3A_80 = arith.constant 0 : i32
      %dma_wait3A_81 = arith.constant 0 : i32
      %dma_wait3A_82 = arith.constant 0 : i32
      %dma_wait3A_83 = arith.constant 0 : i32
      %dma_wait3A_84 = tpu.memref_slice %arg7[%dma_wait3A_80, %dma_wait3A_82, %dma_wait3A_83] : memref<2x128x128xf32, #tpu.memory_space<vmem>> -> memref<1x128x128xf32, #tpu.memory_space<vmem>>
      %dma_wait3A_85 = tpu.memref_squeeze %dma_wait3A_84 : memref<1x128x128xf32, #tpu.memory_space<vmem>> -> memref<128x128xf32, #tpu.memory_space<vmem>>
      %dma_wait3A_86 = arith.constant 0 : i32
      %dma_wait3A_87 = tpu.memref_slice %arg6[%add3A_79, %dma_wait3A, %dma_wait3A_86] : memref<40x2x128xi32, #tpu.memory_space<vmem>> -> memref<1x1x128xi32, #tpu.memory_space<vmem>>
      %dma_wait3A_88 = tpu.memref_squeeze %dma_wait3A_87 : memref<1x1x128xi32, #tpu.memory_space<vmem>> -> memref<128xi32, #tpu.memory_space<vmem>>
      %dma_wait3A_89 = arith.constant 0 : i32
      %dma_wait3A_90 = arith.constant 0 : i32
      %dma_wait3A_91 = tpu.memref_slice %arg2[%dma_wait3A_89, %dma_wait3A_90] : memref<10000x128xf32, #tpu.memory_space<hbm>> -> memref<10000x128xf32, #tpu.memory_space<hbm>>
      %dma_wait3A_92 = tpu.memref_slice %arg9[%dma_wait3A_81] : memref<2x!tpu.dma_semaphore, #tpu.memory_space<semaphore_mem>> -> memref<1x!tpu.dma_semaphore, #tpu.memory_space<semaphore_mem>>
      %dma_wait3A_93 = tpu.memref_squeeze %dma_wait3A_92 : memref<1x!tpu.dma_semaphore, #tpu.memory_space<semaphore_mem>> -> memref<!tpu.dma_semaphore, #tpu.memory_space<semaphore_mem>>
      tpu.wait_indirect_dma semaphore(%dma_wait3A_93 : memref<!tpu.dma_semaphore, #tpu.memory_space<semaphore_mem>>) src(%dma_wait3A_91 : memref<10000x128xf32, #tpu.memory_space<hbm>>) dst(%dma_wait3A_85 : memref<128x128xf32, #tpu.memory_space<vmem>>)
      %dma_start3A_94 = arith.constant 0 : i32
      %dma_start3A_95 = arith.constant 1 : i32
      %dma_start3A_96 = arith.constant 0 : i32
      %dma_start3A_97 = arith.constant 0 : i32
      %dma_start3A_98 = arith.constant 0 : i32
      %dma_start3A_99 = tpu.memref_slice %arg7[%dma_start3A_94, %dma_start3A_97, %dma_start3A_98] : memref<2x128x128xf32, #tpu.memory_space<vmem>> -> memref<1x128x128xf32, #tpu.memory_space<vmem>>
      %dma_start3A_100 = tpu.memref_squeeze %dma_start3A_99 : memref<1x128x128xf32, #tpu.memory_space<vmem>> -> memref<128x128xf32, #tpu.memory_space<vmem>>
      %dma_start3A_101 = arith.constant 0 : i32
      %dma_start3A_102 = tpu.memref_slice %arg6[%add3A_79, %dma_start3A_95, %dma_start3A_101] : memref<40x2x128xi32, #tpu.memory_space<vmem>> -> memref<1x1x128xi32, #tpu.memory_space<vmem>>
      %dma_start3A_103 = tpu.memref_squeeze %dma_start3A_102 : memref<1x1x128xi32, #tpu.memory_space<vmem>> -> memref<128xi32, #tpu.memory_space<vmem>>
      %dma_start3A_104 = arith.constant 0 : i32
      %dma_start3A_105 = arith.constant 0 : i32
      %dma_start3A_106 = tpu.memref_slice %arg8[%dma_start3A_104, %dma_start3A_105] : memref<10240x128xf32, #tpu.memory_space<vmem_shared>> -> memref<10240x128xf32, #tpu.memory_space<vmem_shared>>
      %dma_start3A_107 = tpu.memref_slice %arg10[%dma_start3A_96] : memref<2x!tpu.dma_semaphore, #tpu.memory_space<semaphore_mem>> -> memref<1x!tpu.dma_semaphore, #tpu.memory_space<semaphore_mem>>
      %dma_start3A_108 = tpu.memref_squeeze %dma_start3A_107 : memref<1x!tpu.dma_semaphore, #tpu.memory_space<semaphore_mem>> -> memref<!tpu.dma_semaphore, #tpu.memory_space<semaphore_mem>>
      tpu.enqueue_indirect_dma source(%dma_start3A_100 : memref<128x128xf32, #tpu.memory_space<vmem>>) target(%dma_start3A_106 : memref<10240x128xf32, #tpu.memory_space<vmem_shared>>) offsets(%dma_start3A_103 : memref<128xi32, #tpu.memory_space<vmem>>) semaphore(%dma_start3A_108 : memref<!tpu.dma_semaphore, #tpu.memory_space<semaphore_mem>>) {add = true}
      %dma_wait3A_109 = arith.constant 0 : i32
      %dma_wait3A_110 = arith.constant 1 : i32
      %dma_wait3A_111 = arith.constant 0 : i32
      %dma_wait3A_112 = arith.constant 0 : i32
      %dma_wait3A_113 = arith.constant 0 : i32
      %dma_wait3A_114 = tpu.memref_slice %arg7[%dma_wait3A_109, %dma_wait3A_112, %dma_wait3A_113] : memref<2x128x128xf32, #tpu.memory_space<vmem>> -> memref<1x128x128xf32, #tpu.memory_space<vmem>>
      %dma_wait3A_115 = tpu.memref_squeeze %dma_wait3A_114 : memref<1x128x128xf32, #tpu.memory_space<vmem>> -> memref<128x128xf32, #tpu.memory_space<vmem>>
      %dma_wait3A_116 = arith.constant 0 : i32
      %dma_wait3A_117 = tpu.memref_slice %arg6[%add3A_79, %dma_wait3A_110, %dma_wait3A_116] : memref<40x2x128xi32, #tpu.memory_space<vmem>> -> memref<1x1x128xi32, #tpu.memory_space<vmem>>
      %dma_wait3A_118 = tpu.memref_squeeze %dma_wait3A_117 : memref<1x1x128xi32, #tpu.memory_space<vmem>> -> memref<128xi32, #tpu.memory_space<vmem>>
      %dma_wait3A_119 = arith.constant 0 : i32
      %dma_wait3A_120 = arith.constant 0 : i32
      %dma_wait3A_121 = tpu.memref_slice %arg8[%dma_wait3A_119, %dma_wait3A_120] : memref<10240x128xf32, #tpu.memory_space<vmem_shared>> -> memref<10240x128xf32, #tpu.memory_space<vmem_shared>>
      %dma_wait3A_122 = tpu.memref_slice %arg10[%dma_wait3A_111] : memref<2x!tpu.dma_semaphore, #tpu.memory_space<semaphore_mem>> -> memref<1x!tpu.dma_semaphore, #tpu.memory_space<semaphore_mem>>
      %dma_wait3A_123 = tpu.memref_squeeze %dma_wait3A_122 : memref<1x!tpu.dma_semaphore, #tpu.memory_space<semaphore_mem>> -> memref<!tpu.dma_semaphore, #tpu.memory_space<semaphore_mem>>
      tpu.wait_indirect_dma semaphore(%dma_wait3A_123 : memref<!tpu.dma_semaphore, #tpu.memory_space<semaphore_mem>>) src(%dma_wait3A_115 : memref<128x128xf32, #tpu.memory_space<vmem>>) dst(%dma_wait3A_121 : memref<10240x128xf32, #tpu.memory_space<vmem_shared>>)
      %add3A_124 = arith.constant 2 : i32
      %add3A_125 = arith.addi %add3A_79, %add3A_124 : i32
      %lt3A = arith.constant 40 : i32
      %lt3A_126 = arith.cmpi slt, %add3A_125, %lt3A : i32
      %convert_element_type3A = arith.extui %lt3A_126 : i1 to i32
      %cond3A = arith.constant 0 : i32
      %cond3A_127 = arith.cmpi ne, %convert_element_type3A, %cond3A : i32
      scf.if %cond3A_127 {
        %add3A_182 = arith.constant 2 : i32
        %add3A_183 = arith.addi %add3A_79, %add3A_182 : i32
        %dma_start3A_184 = arith.constant 0 : i32
        %dma_start3A_185 = arith.constant 0 : i32
        %dma_start3A_186 = arith.constant 0 : i32
        %dma_start3A_187 = arith.constant 0 : i32
        %dma_start3A_188 = arith.constant 0 : i32
        %dma_start3A_189 = tpu.memref_slice %arg7[%dma_start3A_185, %dma_start3A_187, %dma_start3A_188] : memref<2x128x128xf32, #tpu.memory_space<vmem>> -> memref<1x128x128xf32, #tpu.memory_space<vmem>>
        %dma_start3A_190 = tpu.memref_squeeze %dma_start3A_189 : memref<1x128x128xf32, #tpu.memory_space<vmem>> -> memref<128x128xf32, #tpu.memory_space<vmem>>
        %dma_start3A_191 = arith.constant 0 : i32
        %dma_start3A_192 = tpu.memref_slice %arg6[%add3A_183, %dma_start3A_184, %dma_start3A_191] : memref<40x2x128xi32, #tpu.memory_space<vmem>> -> memref<1x1x128xi32, #tpu.memory_space<vmem>>
        %dma_start3A_193 = tpu.memref_squeeze %dma_start3A_192 : memref<1x1x128xi32, #tpu.memory_space<vmem>> -> memref<128xi32, #tpu.memory_space<vmem>>
        %dma_start3A_194 = arith.constant 0 : i32
        %dma_start3A_195 = arith.constant 0 : i32
        %dma_start3A_196 = tpu.memref_slice %arg2[%dma_start3A_194, %dma_start3A_195] : memref<10000x128xf32, #tpu.memory_space<hbm>> -> memref<10000x128xf32, #tpu.memory_space<hbm>>
        %dma_start3A_197 = tpu.memref_slice %arg9[%dma_start3A_186] : memref<2x!tpu.dma_semaphore, #tpu.memory_space<semaphore_mem>> -> memref<1x!tpu.dma_semaphore, #tpu.memory_space<semaphore_mem>>
        %dma_start3A_198 = tpu.memref_squeeze %dma_start3A_197 : memref<1x!tpu.dma_semaphore, #tpu.memory_space<semaphore_mem>> -> memref<!tpu.dma_semaphore, #tpu.memory_space<semaphore_mem>>
        tpu.enqueue_indirect_dma source(%dma_start3A_196 : memref<10000x128xf32, #tpu.memory_space<hbm>>) target(%dma_start3A_190 : memref<128x128xf32, #tpu.memory_space<vmem>>) offsets(%dma_start3A_193 : memref<128xi32, #tpu.memory_space<vmem>>) semaphore(%dma_start3A_198 : memref<!tpu.dma_semaphore, #tpu.memory_space<semaphore_mem>>)
      } else {
      }
      %add3A_128 = arith.constant 1 : i32
      %add3A_129 = arith.addi %mul3A_78, %add3A_128 : i32
      %dma_wait3A_130 = arith.constant 0 : i32
      %dma_wait3A_131 = arith.constant 1 : i32
      %dma_wait3A_132 = arith.constant 1 : i32
      %dma_wait3A_133 = arith.constant 0 : i32
      %dma_wait3A_134 = arith.constant 0 : i32
      %dma_wait3A_135 = tpu.memref_slice %arg7[%dma_wait3A_131, %dma_wait3A_133, %dma_wait3A_134] : memref<2x128x128xf32, #tpu.memory_space<vmem>> -> memref<1x128x128xf32, #tpu.memory_space<vmem>>
      %dma_wait3A_136 = tpu.memref_squeeze %dma_wait3A_135 : memref<1x128x128xf32, #tpu.memory_space<vmem>> -> memref<128x128xf32, #tpu.memory_space<vmem>>
      %dma_wait3A_137 = arith.constant 0 : i32
      %dma_wait3A_138 = tpu.memref_slice %arg6[%add3A_129, %dma_wait3A_130, %dma_wait3A_137] : memref<40x2x128xi32, #tpu.memory_space<vmem>> -> memref<1x1x128xi32, #tpu.memory_space<vmem>>
      %dma_wait3A_139 = tpu.memref_squeeze %dma_wait3A_138 : memref<1x1x128xi32, #tpu.memory_space<vmem>> -> memref<128xi32, #tpu.memory_space<vmem>>
      %dma_wait3A_140 = arith.constant 0 : i32
      %dma_wait3A_141 = arith.constant 0 : i32
      %dma_wait3A_142 = tpu.memref_slice %arg2[%dma_wait3A_140, %dma_wait3A_141] : memref<10000x128xf32, #tpu.memory_space<hbm>> -> memref<10000x128xf32, #tpu.memory_space<hbm>>
      %dma_wait3A_143 = tpu.memref_slice %arg9[%dma_wait3A_132] : memref<2x!tpu.dma_semaphore, #tpu.memory_space<semaphore_mem>> -> memref<1x!tpu.dma_semaphore, #tpu.memory_space<semaphore_mem>>
      %dma_wait3A_144 = tpu.memref_squeeze %dma_wait3A_143 : memref<1x!tpu.dma_semaphore, #tpu.memory_space<semaphore_mem>> -> memref<!tpu.dma_semaphore, #tpu.memory_space<semaphore_mem>>
      tpu.wait_indirect_dma semaphore(%dma_wait3A_144 : memref<!tpu.dma_semaphore, #tpu.memory_space<semaphore_mem>>) src(%dma_wait3A_142 : memref<10000x128xf32, #tpu.memory_space<hbm>>) dst(%dma_wait3A_136 : memref<128x128xf32, #tpu.memory_space<vmem>>)
      %dma_start3A_145 = arith.constant 1 : i32
      %dma_start3A_146 = arith.constant 1 : i32
      %dma_start3A_147 = arith.constant 1 : i32
      %dma_start3A_148 = arith.constant 0 : i32
      %dma_start3A_149 = arith.constant 0 : i32
      %dma_start3A_150 = tpu.memref_slice %arg7[%dma_start3A_145, %dma_start3A_148, %dma_start3A_149] : memref<2x128x128xf32, #tpu.memory_space<vmem>> -> memref<1x128x128xf32, #tpu.memory_space<vmem>>
      %dma_start3A_151 = tpu.memref_squeeze %dma_start3A_150 : memref<1x128x128xf32, #tpu.memory_space<vmem>> -> memref<128x128xf32, #tpu.memory_space<vmem>>
      %dma_start3A_152 = arith.constant 0 : i32
      %dma_start3A_153 = tpu.memref_slice %arg6[%add3A_129, %dma_start3A_146, %dma_start3A_152] : memref<40x2x128xi32, #tpu.memory_space<vmem>> -> memref<1x1x128xi32, #tpu.memory_space<vmem>>
      %dma_start3A_154 = tpu.memref_squeeze %dma_start3A_153 : memref<1x1x128xi32, #tpu.memory_space<vmem>> -> memref<128xi32, #tpu.memory_space<vmem>>
      %dma_start3A_155 = arith.constant 0 : i32
      %dma_start3A_156 = arith.constant 0 : i32
      %dma_start3A_157 = tpu.memref_slice %arg8[%dma_start3A_155, %dma_start3A_156] : memref<10240x128xf32, #tpu.memory_space<vmem_shared>> -> memref<10240x128xf32, #tpu.memory_space<vmem_shared>>
      %dma_start3A_158 = tpu.memref_slice %arg10[%dma_start3A_147] : memref<2x!tpu.dma_semaphore, #tpu.memory_space<semaphore_mem>> -> memref<1x!tpu.dma_semaphore, #tpu.memory_space<semaphore_mem>>
      %dma_start3A_159 = tpu.memref_squeeze %dma_start3A_158 : memref<1x!tpu.dma_semaphore, #tpu.memory_space<semaphore_mem>> -> memref<!tpu.dma_semaphore, #tpu.memory_space<semaphore_mem>>
      tpu.enqueue_indirect_dma source(%dma_start3A_151 : memref<128x128xf32, #tpu.memory_space<vmem>>) target(%dma_start3A_157 : memref<10240x128xf32, #tpu.memory_space<vmem_shared>>) offsets(%dma_start3A_154 : memref<128xi32, #tpu.memory_space<vmem>>) semaphore(%dma_start3A_159 : memref<!tpu.dma_semaphore, #tpu.memory_space<semaphore_mem>>) {add = true}
      %dma_wait3A_160 = arith.constant 1 : i32
      %dma_wait3A_161 = arith.constant 1 : i32
      %dma_wait3A_162 = arith.constant 1 : i32
      %dma_wait3A_163 = arith.constant 0 : i32
      %dma_wait3A_164 = arith.constant 0 : i32
      %dma_wait3A_165 = tpu.memref_slice %arg7[%dma_wait3A_160, %dma_wait3A_163, %dma_wait3A_164] : memref<2x128x128xf32, #tpu.memory_space<vmem>> -> memref<1x128x128xf32, #tpu.memory_space<vmem>>
      %dma_wait3A_166 = tpu.memref_squeeze %dma_wait3A_165 : memref<1x128x128xf32, #tpu.memory_space<vmem>> -> memref<128x128xf32, #tpu.memory_space<vmem>>
      %dma_wait3A_167 = arith.constant 0 : i32
      %dma_wait3A_168 = tpu.memref_slice %arg6[%add3A_129, %dma_wait3A_161, %dma_wait3A_167] : memref<40x2x128xi32, #tpu.memory_space<vmem>> -> memref<1x1x128xi32, #tpu.memory_space<vmem>>
      %dma_wait3A_169 = tpu.memref_squeeze %dma_wait3A_168 : memref<1x1x128xi32, #tpu.memory_space<vmem>> -> memref<128xi32, #tpu.memory_space<vmem>>
      %dma_wait3A_170 = arith.constant 0 : i32
      %dma_wait3A_171 = arith.constant 0 : i32
      %dma_wait3A_172 = tpu.memref_slice %arg8[%dma_wait3A_170, %dma_wait3A_171] : memref<10240x128xf32, #tpu.memory_space<vmem_shared>> -> memref<10240x128xf32, #tpu.memory_space<vmem_shared>>
      %dma_wait3A_173 = tpu.memref_slice %arg10[%dma_wait3A_162] : memref<2x!tpu.dma_semaphore, #tpu.memory_space<semaphore_mem>> -> memref<1x!tpu.dma_semaphore, #tpu.memory_space<semaphore_mem>>
      %dma_wait3A_174 = tpu.memref_squeeze %dma_wait3A_173 : memref<1x!tpu.dma_semaphore, #tpu.memory_space<semaphore_mem>> -> memref<!tpu.dma_semaphore, #tpu.memory_space<semaphore_mem>>
      tpu.wait_indirect_dma semaphore(%dma_wait3A_174 : memref<!tpu.dma_semaphore, #tpu.memory_space<semaphore_mem>>) src(%dma_wait3A_166 : memref<128x128xf32, #tpu.memory_space<vmem>>) dst(%dma_wait3A_172 : memref<10240x128xf32, #tpu.memory_space<vmem_shared>>)
      %add3A_175 = arith.constant 2 : i32
      %add3A_176 = arith.addi %add3A_129, %add3A_175 : i32
      %lt3A_177 = arith.constant 40 : i32
      %lt3A_178 = arith.cmpi slt, %add3A_176, %lt3A_177 : i32
      %convert_element_type3A_179 = arith.extui %lt3A_178 : i1 to i32
      %cond3A_180 = arith.constant 0 : i32
      %cond3A_181 = arith.cmpi ne, %convert_element_type3A_179, %cond3A_180 : i32
      scf.if %cond3A_181 {
        %add3A_182 = arith.constant 2 : i32
        %add3A_183 = arith.addi %add3A_129, %add3A_182 : i32
        %dma_start3A_184 = arith.constant 0 : i32
        %dma_start3A_185 = arith.constant 1 : i32
        %dma_start3A_186 = arith.constant 1 : i32
        %dma_start3A_187 = arith.constant 0 : i32
        %dma_start3A_188 = arith.constant 0 : i32
        %dma_start3A_189 = tpu.memref_slice %arg7[%dma_start3A_185, %dma_start3A_187, %dma_start3A_188] : memref<2x128x128xf32, #tpu.memory_space<vmem>> -> memref<1x128x128xf32, #tpu.memory_space<vmem>>
        %dma_start3A_190 = tpu.memref_squeeze %dma_start3A_189 : memref<1x128x128xf32, #tpu.memory_space<vmem>> -> memref<128x128xf32, #tpu.memory_space<vmem>>
        %dma_start3A_191 = arith.constant 0 : i32
        %dma_start3A_192 = tpu.memref_slice %arg6[%add3A_183, %dma_start3A_184, %dma_start3A_191] : memref<40x2x128xi32, #tpu.memory_space<vmem>> -> memref<1x1x128xi32, #tpu.memory_space<vmem>>
        %dma_start3A_193 = tpu.memref_squeeze %dma_start3A_192 : memref<1x1x128xi32, #tpu.memory_space<vmem>> -> memref<128xi32, #tpu.memory_space<vmem>>
        %dma_start3A_194 = arith.constant 0 : i32
        %dma_start3A_195 = arith.constant 0 : i32
        %dma_start3A_196 = tpu.memref_slice %arg2[%dma_start3A_194, %dma_start3A_195] : memref<10000x128xf32, #tpu.memory_space<hbm>> -> memref<10000x128xf32, #tpu.memory_space<hbm>>
        %dma_start3A_197 = tpu.memref_slice %arg9[%dma_start3A_186] : memref<2x!tpu.dma_semaphore, #tpu.memory_space<semaphore_mem>> -> memref<1x!tpu.dma_semaphore, #tpu.memory_space<semaphore_mem>>
        %dma_start3A_198 = tpu.memref_squeeze %dma_start3A_197 : memref<1x!tpu.dma_semaphore, #tpu.memory_space<semaphore_mem>> -> memref<!tpu.dma_semaphore, #tpu.memory_space<semaphore_mem>>
        tpu.enqueue_indirect_dma source(%dma_start3A_196 : memref<10000x128xf32, #tpu.memory_space<hbm>>) target(%dma_start3A_190 : memref<128x128xf32, #tpu.memory_space<vmem>>) offsets(%dma_start3A_193 : memref<128xi32, #tpu.memory_space<vmem>>) semaphore(%dma_start3A_198 : memref<!tpu.dma_semaphore, #tpu.memory_space<semaphore_mem>>)
      } else {
      }
    }
    %scan3A_74 = arith.constant 20 : i32
    %barrier3A_75 = arith.constant 0 : index
    tpu.barrier barrier_id(%barrier3A_75)
    "tpu.region"() ({
      %run_scoped3A = tpu.sem_alloc : memref<!tpu.dma_semaphore, #tpu.memory_space<semaphore_mem>>
      %dma_start3A_76 = arith.constant 0 : i32
      %dma_start3A_77 = tpu.memref_slice %arg5[%arg0, %mul3A_0, %dma_start3A_76] : memref<2x10240x128xf32, #tpu.memory_space<hbm>> -> memref<1x640x128xf32, #tpu.memory_space<hbm>>
      %dma_start3A_78 = tpu.memref_squeeze %dma_start3A_77 : memref<1x640x128xf32, #tpu.memory_space<hbm>> -> memref<640x128xf32, #tpu.memory_space<hbm>>
      %dma_start3A_79 = arith.constant 0 : i32
      %dma_start3A_80 = tpu.memref_slice %arg8[%mul3A_0, %dma_start3A_79] : memref<10240x128xf32, #tpu.memory_space<vmem_shared>> -> memref<640x128xf32, #tpu.memory_space<vmem_shared>>
      tpu.enqueue_dma source(%dma_start3A_80 : memref<640x128xf32, #tpu.memory_space<vmem_shared>>) target(%dma_start3A_78 : memref<640x128xf32, #tpu.memory_space<hbm>>) target_semaphore(%run_scoped3A : memref<!tpu.dma_semaphore, #tpu.memory_space<semaphore_mem>>)
      %dma_wait3A = arith.constant 0 : i32
      %dma_wait3A_81 = tpu.memref_slice %arg5[%arg0, %mul3A_0, %dma_wait3A] : memref<2x10240x128xf32, #tpu.memory_space<hbm>> -> memref<1x640x128xf32, #tpu.memory_space<hbm>>
      %dma_wait3A_82 = tpu.memref_squeeze %dma_wait3A_81 : memref<1x640x128xf32, #tpu.memory_space<hbm>> -> memref<640x128xf32, #tpu.memory_space<hbm>>
      %dma_wait3A_83 = arith.constant 0 : i32
      %dma_wait3A_84 = tpu.memref_slice %arg8[%mul3A_0, %dma_wait3A_83] : memref<10240x128xf32, #tpu.memory_space<vmem_shared>> -> memref<640x128xf32, #tpu.memory_space<vmem_shared>>
      tpu.wait_dma2 semaphore(%run_scoped3A : memref<!tpu.dma_semaphore, #tpu.memory_space<semaphore_mem>>) src(%dma_wait3A_84 : memref<640x128xf32, #tpu.memory_space<vmem_shared>>) dst(%dma_wait3A_82 : memref<640x128xf32, #tpu.memory_space<hbm>>)
      tpu.yield
    }) : () -> ()
    return
  }
}

#map = affine_map<(d0, d1) -> (0, 0)>
#map1 = affine_map<(d0, d1) -> (0, 0, 0, 0, 0)>
#map2 = affine_map<(d0, d1) -> (0, 0, 0)>
module attributes {stable_mosaic.version = 14 : i64} {
  func.func @_agg_body(%arg0: i32, %arg1: i32, %arg2: memref<10000x128xf32, #tpu.memory_space<hbm>>, %arg3: memref<2x16x80x2x128xi32, #tpu.memory_space<hbm>>, %arg4: memref<10240x128xf32, #tpu.memory_space<hbm>>, %arg5: memref<2x10240x128xf32, #tpu.memory_space<hbm>>, %arg6: memref<40x2x128xi32, #tpu.memory_space<vmem>>, %arg7: memref<2x128x128xf32, #tpu.memory_space<vmem>>, %arg8: memref<10240x128xf32, #tpu.memory_space<vmem_shared>>, %arg9: memref<2x!tpu.dma_semaphore, #tpu.memory_space<semaphore_mem>>, %arg10: memref<2x!tpu.dma_semaphore, #tpu.memory_space<semaphore_mem>>) attributes {dimension_semantics = [#tpu.dimension_semantics<core_parallel>, #tpu.dimension_semantics<subcore_parallel>], iteration_bounds = array<i64: 2, 16>, scalar_prefetch = 0 : i64, scratch_operands = 5 : i64, tpu.core_type = #tpu.core_type<sc_vector_subcore>, window_params = [{transform_indices = #map}, {transform_indices = #map1}, {transform_indices = #map}, {transform_indices = #map2}]} {
    %mul3A = arith.constant 640 : i32
    %mul3A_0 = arith.muli %arg1, %mul3A : i32
    "tpu.region"() ({
      %run_scoped3A = tpu.sem_alloc : memref<!tpu.dma_semaphore, #tpu.memory_space<semaphore_mem>>
      %dma_start3A_76 = arith.constant 0 : i32
      %dma_start3A_77 = tpu.memref_slice %arg8[%mul3A_0, %dma_start3A_76] : memref<10240x128xf32, #tpu.memory_space<vmem_shared>> -> memref<640x128xf32, #tpu.memory_space<vmem_shared>>
      %dma_start3A_78 = arith.constant 0 : i32
      %dma_start3A_79 = tpu.memref_slice %arg4[%mul3A_0, %dma_start3A_78] : memref<10240x128xf32, #tpu.memory_space<hbm>> -> memref<640x128xf32, #tpu.memory_space<hbm>>
      tpu.enqueue_dma source(%dma_start3A_79 : memref<640x128xf32, #tpu.memory_space<hbm>>) target(%dma_start3A_77 : memref<640x128xf32, #tpu.memory_space<vmem_shared>>) target_semaphore(%run_scoped3A : memref<!tpu.dma_semaphore, #tpu.memory_space<semaphore_mem>>)
      %dma_wait3A = arith.constant 0 : i32
      %dma_wait3A_80 = tpu.memref_slice %arg8[%mul3A_0, %dma_wait3A] : memref<10240x128xf32, #tpu.memory_space<vmem_shared>> -> memref<640x128xf32, #tpu.memory_space<vmem_shared>>
      %dma_wait3A_81 = arith.constant 0 : i32
      %dma_wait3A_82 = tpu.memref_slice %arg4[%mul3A_0, %dma_wait3A_81] : memref<10240x128xf32, #tpu.memory_space<hbm>> -> memref<640x128xf32, #tpu.memory_space<hbm>>
      tpu.wait_dma2 semaphore(%run_scoped3A : memref<!tpu.dma_semaphore, #tpu.memory_space<semaphore_mem>>) src(%dma_wait3A_82 : memref<640x128xf32, #tpu.memory_space<hbm>>) dst(%dma_wait3A_80 : memref<640x128xf32, #tpu.memory_space<vmem_shared>>)
      tpu.yield
    }) : () -> ()
    %barrier3A = arith.constant 0 : index
    tpu.barrier barrier_id(%barrier3A)
    "tpu.region"() ({
      %run_scoped3A = tpu.sem_alloc : memref<!tpu.dma_semaphore, #tpu.memory_space<semaphore_mem>>
      %dma_start3A_76 = arith.constant 0 : i32
      %dma_start3A_77 = arith.constant 0 : i32
      %dma_start3A_78 = arith.constant 0 : i32
      %dma_start3A_79 = tpu.memref_slice %arg3[%arg0, %arg1, %dma_start3A_76, %dma_start3A_77, %dma_start3A_78] : memref<2x16x80x2x128xi32, #tpu.memory_space<hbm>> -> memref<1x1x40x2x128xi32, #tpu.memory_space<hbm>>
      %dma_start3A_80 = tpu.memref_squeeze %dma_start3A_79 : memref<1x1x40x2x128xi32, #tpu.memory_space<hbm>> -> memref<40x2x128xi32, #tpu.memory_space<hbm>>
      %dma_start3A_81 = arith.constant 0 : i32
      %dma_start3A_82 = arith.constant 0 : i32
      %dma_start3A_83 = arith.constant 0 : i32
      %dma_start3A_84 = tpu.memref_slice %arg3[%arg0, %arg1, %dma_start3A_81, %dma_start3A_82, %dma_start3A_83] : memref<2x16x80x2x128xi32, #tpu.memory_space<hbm>> -> memref<1x1x40x2x128xi32, #tpu.memory_space<hbm>>
      %dma_start3A_85 = tpu.memref_squeeze %dma_start3A_84 : memref<1x1x40x2x128xi32, #tpu.memory_space<hbm>> -> memref<40x2x128xi32, #tpu.memory_space<hbm>>
      tpu.enqueue_dma source(%dma_start3A_85 : memref<40x2x128xi32, #tpu.memory_space<hbm>>) target(%arg6 : memref<40x2x128xi32, #tpu.memory_space<vmem>>) target_semaphore(%run_scoped3A : memref<!tpu.dma_semaphore, #tpu.memory_space<semaphore_mem>>)
      %dma_wait3A = arith.constant 0 : i32
      %dma_wait3A_86 = arith.constant 0 : i32
      %dma_wait3A_87 = arith.constant 0 : i32
      %dma_wait3A_88 = tpu.memref_slice %arg3[%arg0, %arg1, %dma_wait3A, %dma_wait3A_86, %dma_wait3A_87] : memref<2x16x80x2x128xi32, #tpu.memory_space<hbm>> -> memref<1x1x40x2x128xi32, #tpu.memory_space<hbm>>
      %dma_wait3A_89 = tpu.memref_squeeze %dma_wait3A_88 : memref<1x1x40x2x128xi32, #tpu.memory_space<hbm>> -> memref<40x2x128xi32, #tpu.memory_space<hbm>>
      %dma_wait3A_90 = arith.constant 0 : i32
      %dma_wait3A_91 = arith.constant 0 : i32
      %dma_wait3A_92 = arith.constant 0 : i32
      %dma_wait3A_93 = tpu.memref_slice %arg3[%arg0, %arg1, %dma_wait3A_90, %dma_wait3A_91, %dma_wait3A_92] : memref<2x16x80x2x128xi32, #tpu.memory_space<hbm>> -> memref<1x1x40x2x128xi32, #tpu.memory_space<hbm>>
      %dma_wait3A_94 = tpu.memref_squeeze %dma_wait3A_93 : memref<1x1x40x2x128xi32, #tpu.memory_space<hbm>> -> memref<40x2x128xi32, #tpu.memory_space<hbm>>
      tpu.wait_dma2 semaphore(%run_scoped3A : memref<!tpu.dma_semaphore, #tpu.memory_space<semaphore_mem>>) src(%dma_wait3A_94 : memref<40x2x128xi32, #tpu.memory_space<hbm>>) dst(%arg6 : memref<40x2x128xi32, #tpu.memory_space<vmem>>)
      tpu.yield
    }) : () -> ()
    %dma_start3A = arith.constant 0 : i32
    %dma_start3A_1 = arith.constant 0 : i32
    %dma_start3A_2 = arith.constant 0 : i32
    %dma_start3A_3 = arith.constant 0 : i32
    %dma_start3A_4 = arith.constant 0 : i32
    %dma_start3A_5 = arith.constant 0 : i32
    %dma_start3A_6 = tpu.memref_slice %arg7[%dma_start3A_2, %dma_start3A_4, %dma_start3A_5] : memref<2x128x128xf32, #tpu.memory_space<vmem>> -> memref<1x128x128xf32, #tpu.memory_space<vmem>>
    %dma_start3A_7 = tpu.memref_squeeze %dma_start3A_6 : memref<1x128x128xf32, #tpu.memory_space<vmem>> -> memref<128x128xf32, #tpu.memory_space<vmem>>
    %dma_start3A_8 = arith.constant 0 : i32
    %dma_start3A_9 = tpu.memref_slice %arg6[%dma_start3A, %dma_start3A_1, %dma_start3A_8] : memref<40x2x128xi32, #tpu.memory_space<vmem>> -> memref<1x1x128xi32, #tpu.memory_space<vmem>>
    %dma_start3A_10 = tpu.memref_squeeze %dma_start3A_9 : memref<1x1x128xi32, #tpu.memory_space<vmem>> -> memref<128xi32, #tpu.memory_space<vmem>>
    %dma_start3A_11 = arith.constant 0 : i32
    %dma_start3A_12 = arith.constant 0 : i32
    %dma_start3A_13 = tpu.memref_slice %arg2[%dma_start3A_11, %dma_start3A_12] : memref<10000x128xf32, #tpu.memory_space<hbm>> -> memref<10000x128xf32, #tpu.memory_space<hbm>>
    %dma_start3A_14 = tpu.memref_slice %arg9[%dma_start3A_3] : memref<2x!tpu.dma_semaphore, #tpu.memory_space<semaphore_mem>> -> memref<1x!tpu.dma_semaphore, #tpu.memory_space<semaphore_mem>>
    %dma_start3A_15 = tpu.memref_squeeze %dma_start3A_14 : memref<1x!tpu.dma_semaphore, #tpu.memory_space<semaphore_mem>> -> memref<!tpu.dma_semaphore, #tpu.memory_space<semaphore_mem>>
    tpu.enqueue_indirect_dma source(%dma_start3A_13 : memref<10000x128xf32, #tpu.memory_space<hbm>>) target(%dma_start3A_7 : memref<128x128xf32, #tpu.memory_space<vmem>>) offsets(%dma_start3A_10 : memref<128xi32, #tpu.memory_space<vmem>>) semaphore(%dma_start3A_15 : memref<!tpu.dma_semaphore, #tpu.memory_space<semaphore_mem>>)
    %dma_start3A_16 = arith.constant 1 : i32
    %dma_start3A_17 = arith.constant 0 : i32
    %dma_start3A_18 = arith.constant 1 : i32
    %dma_start3A_19 = arith.constant 1 : i32
    %dma_start3A_20 = arith.constant 0 : i32
    %dma_start3A_21 = arith.constant 0 : i32
    %dma_start3A_22 = tpu.memref_slice %arg7[%dma_start3A_18, %dma_start3A_20, %dma_start3A_21] : memref<2x128x128xf32, #tpu.memory_space<vmem>> -> memref<1x128x128xf32, #tpu.memory_space<vmem>>
    %dma_start3A_23 = tpu.memref_squeeze %dma_start3A_22 : memref<1x128x128xf32, #tpu.memory_space<vmem>> -> memref<128x128xf32, #tpu.memory_space<vmem>>
    %dma_start3A_24 = arith.constant 0 : i32
    %dma_start3A_25 = tpu.memref_slice %arg6[%dma_start3A_16, %dma_start3A_17, %dma_start3A_24] : memref<40x2x128xi32, #tpu.memory_space<vmem>> -> memref<1x1x128xi32, #tpu.memory_space<vmem>>
    %dma_start3A_26 = tpu.memref_squeeze %dma_start3A_25 : memref<1x1x128xi32, #tpu.memory_space<vmem>> -> memref<128xi32, #tpu.memory_space<vmem>>
    %dma_start3A_27 = arith.constant 0 : i32
    %dma_start3A_28 = arith.constant 0 : i32
    %dma_start3A_29 = tpu.memref_slice %arg2[%dma_start3A_27, %dma_start3A_28] : memref<10000x128xf32, #tpu.memory_space<hbm>> -> memref<10000x128xf32, #tpu.memory_space<hbm>>
    %dma_start3A_30 = tpu.memref_slice %arg9[%dma_start3A_19] : memref<2x!tpu.dma_semaphore, #tpu.memory_space<semaphore_mem>> -> memref<1x!tpu.dma_semaphore, #tpu.memory_space<semaphore_mem>>
    %dma_start3A_31 = tpu.memref_squeeze %dma_start3A_30 : memref<1x!tpu.dma_semaphore, #tpu.memory_space<semaphore_mem>> -> memref<!tpu.dma_semaphore, #tpu.memory_space<semaphore_mem>>
    tpu.enqueue_indirect_dma source(%dma_start3A_29 : memref<10000x128xf32, #tpu.memory_space<hbm>>) target(%dma_start3A_23 : memref<128x128xf32, #tpu.memory_space<vmem>>) offsets(%dma_start3A_26 : memref<128xi32, #tpu.memory_space<vmem>>) semaphore(%dma_start3A_31 : memref<!tpu.dma_semaphore, #tpu.memory_space<semaphore_mem>>)
    %scan3A = arith.constant 0 : i32
    %scan3A_32 = arith.constant 0 : i32
    %scan3A_33 = arith.constant 20 : i32
    %scan3A_34 = arith.addi %scan3A_32, %scan3A_33 : i32
    %scan3A_35 = arith.constant 1 : i32
    scf.for %scan3A_76 = %scan3A_32 to %scan3A_34 step %scan3A_35  : i32 {
      %mul3A_77 = arith.constant 2 : i32
      %mul3A_78 = arith.muli %scan3A_76, %mul3A_77 : i32
      %add3A = arith.constant 0 : i32
      %add3A_79 = arith.addi %mul3A_78, %add3A : i32
      %dma_wait3A = arith.constant 0 : i32
      %dma_wait3A_80 = arith.constant 0 : i32
      %dma_wait3A_81 = arith.constant 0 : i32
      %dma_wait3A_82 = arith.constant 0 : i32
      %dma_wait3A_83 = arith.constant 0 : i32
      %dma_wait3A_84 = tpu.memref_slice %arg7[%dma_wait3A_80, %dma_wait3A_82, %dma_wait3A_83] : memref<2x128x128xf32, #tpu.memory_space<vmem>> -> memref<1x128x128xf32, #tpu.memory_space<vmem>>
      %dma_wait3A_85 = tpu.memref_squeeze %dma_wait3A_84 : memref<1x128x128xf32, #tpu.memory_space<vmem>> -> memref<128x128xf32, #tpu.memory_space<vmem>>
      %dma_wait3A_86 = arith.constant 0 : i32
      %dma_wait3A_87 = tpu.memref_slice %arg6[%add3A_79, %dma_wait3A, %dma_wait3A_86] : memref<40x2x128xi32, #tpu.memory_space<vmem>> -> memref<1x1x128xi32, #tpu.memory_space<vmem>>
      %dma_wait3A_88 = tpu.memref_squeeze %dma_wait3A_87 : memref<1x1x128xi32, #tpu.memory_space<vmem>> -> memref<128xi32, #tpu.memory_space<vmem>>
      %dma_wait3A_89 = arith.constant 0 : i32
      %dma_wait3A_90 = arith.constant 0 : i32
      %dma_wait3A_91 = tpu.memref_slice %arg2[%dma_wait3A_89, %dma_wait3A_90] : memref<10000x128xf32, #tpu.memory_space<hbm>> -> memref<10000x128xf32, #tpu.memory_space<hbm>>
      %dma_wait3A_92 = tpu.memref_slice %arg9[%dma_wait3A_81] : memref<2x!tpu.dma_semaphore, #tpu.memory_space<semaphore_mem>> -> memref<1x!tpu.dma_semaphore, #tpu.memory_space<semaphore_mem>>
      %dma_wait3A_93 = tpu.memref_squeeze %dma_wait3A_92 : memref<1x!tpu.dma_semaphore, #tpu.memory_space<semaphore_mem>> -> memref<!tpu.dma_semaphore, #tpu.memory_space<semaphore_mem>>
      tpu.wait_indirect_dma semaphore(%dma_wait3A_93 : memref<!tpu.dma_semaphore, #tpu.memory_space<semaphore_mem>>) src(%dma_wait3A_91 : memref<10000x128xf32, #tpu.memory_space<hbm>>) dst(%dma_wait3A_85 : memref<128x128xf32, #tpu.memory_space<vmem>>)
      %dma_start3A_94 = arith.constant 0 : i32
      %dma_start3A_95 = arith.constant 1 : i32
      %dma_start3A_96 = arith.constant 0 : i32
      %dma_start3A_97 = arith.constant 0 : i32
      %dma_start3A_98 = arith.constant 0 : i32
      %dma_start3A_99 = tpu.memref_slice %arg7[%dma_start3A_94, %dma_start3A_97, %dma_start3A_98] : memref<2x128x128xf32, #tpu.memory_space<vmem>> -> memref<1x128x128xf32, #tpu.memory_space<vmem>>
      %dma_start3A_100 = tpu.memref_squeeze %dma_start3A_99 : memref<1x128x128xf32, #tpu.memory_space<vmem>> -> memref<128x128xf32, #tpu.memory_space<vmem>>
      %dma_start3A_101 = arith.constant 0 : i32
      %dma_start3A_102 = tpu.memref_slice %arg6[%add3A_79, %dma_start3A_95, %dma_start3A_101] : memref<40x2x128xi32, #tpu.memory_space<vmem>> -> memref<1x1x128xi32, #tpu.memory_space<vmem>>
      %dma_start3A_103 = tpu.memref_squeeze %dma_start3A_102 : memref<1x1x128xi32, #tpu.memory_space<vmem>> -> memref<128xi32, #tpu.memory_space<vmem>>
      %dma_start3A_104 = arith.constant 0 : i32
      %dma_start3A_105 = arith.constant 0 : i32
      %dma_start3A_106 = tpu.memref_slice %arg8[%dma_start3A_104, %dma_start3A_105] : memref<10240x128xf32, #tpu.memory_space<vmem_shared>> -> memref<10240x128xf32, #tpu.memory_space<vmem_shared>>
      %dma_start3A_107 = tpu.memref_slice %arg10[%dma_start3A_96] : memref<2x!tpu.dma_semaphore, #tpu.memory_space<semaphore_mem>> -> memref<1x!tpu.dma_semaphore, #tpu.memory_space<semaphore_mem>>
      %dma_start3A_108 = tpu.memref_squeeze %dma_start3A_107 : memref<1x!tpu.dma_semaphore, #tpu.memory_space<semaphore_mem>> -> memref<!tpu.dma_semaphore, #tpu.memory_space<semaphore_mem>>
      tpu.enqueue_indirect_dma source(%dma_start3A_100 : memref<128x128xf32, #tpu.memory_space<vmem>>) target(%dma_start3A_106 : memref<10240x128xf32, #tpu.memory_space<vmem_shared>>) offsets(%dma_start3A_103 : memref<128xi32, #tpu.memory_space<vmem>>) semaphore(%dma_start3A_108 : memref<!tpu.dma_semaphore, #tpu.memory_space<semaphore_mem>>) {add = true}
      %dma_wait3A_109 = arith.constant 0 : i32
      %dma_wait3A_110 = arith.constant 1 : i32
      %dma_wait3A_111 = arith.constant 0 : i32
      %dma_wait3A_112 = arith.constant 0 : i32
      %dma_wait3A_113 = arith.constant 0 : i32
      %dma_wait3A_114 = tpu.memref_slice %arg7[%dma_wait3A_109, %dma_wait3A_112, %dma_wait3A_113] : memref<2x128x128xf32, #tpu.memory_space<vmem>> -> memref<1x128x128xf32, #tpu.memory_space<vmem>>
      %dma_wait3A_115 = tpu.memref_squeeze %dma_wait3A_114 : memref<1x128x128xf32, #tpu.memory_space<vmem>> -> memref<128x128xf32, #tpu.memory_space<vmem>>
      %dma_wait3A_116 = arith.constant 0 : i32
      %dma_wait3A_117 = tpu.memref_slice %arg6[%add3A_79, %dma_wait3A_110, %dma_wait3A_116] : memref<40x2x128xi32, #tpu.memory_space<vmem>> -> memref<1x1x128xi32, #tpu.memory_space<vmem>>
      %dma_wait3A_118 = tpu.memref_squeeze %dma_wait3A_117 : memref<1x1x128xi32, #tpu.memory_space<vmem>> -> memref<128xi32, #tpu.memory_space<vmem>>
      %dma_wait3A_119 = arith.constant 0 : i32
      %dma_wait3A_120 = arith.constant 0 : i32
      %dma_wait3A_121 = tpu.memref_slice %arg8[%dma_wait3A_119, %dma_wait3A_120] : memref<10240x128xf32, #tpu.memory_space<vmem_shared>> -> memref<10240x128xf32, #tpu.memory_space<vmem_shared>>
      %dma_wait3A_122 = tpu.memref_slice %arg10[%dma_wait3A_111] : memref<2x!tpu.dma_semaphore, #tpu.memory_space<semaphore_mem>> -> memref<1x!tpu.dma_semaphore, #tpu.memory_space<semaphore_mem>>
      %dma_wait3A_123 = tpu.memref_squeeze %dma_wait3A_122 : memref<1x!tpu.dma_semaphore, #tpu.memory_space<semaphore_mem>> -> memref<!tpu.dma_semaphore, #tpu.memory_space<semaphore_mem>>
      tpu.wait_indirect_dma semaphore(%dma_wait3A_123 : memref<!tpu.dma_semaphore, #tpu.memory_space<semaphore_mem>>) src(%dma_wait3A_115 : memref<128x128xf32, #tpu.memory_space<vmem>>) dst(%dma_wait3A_121 : memref<10240x128xf32, #tpu.memory_space<vmem_shared>>)
      %add3A_124 = arith.constant 2 : i32
      %add3A_125 = arith.addi %add3A_79, %add3A_124 : i32
      %lt3A = arith.constant 40 : i32
      %lt3A_126 = arith.cmpi slt, %add3A_125, %lt3A : i32
      %convert_element_type3A = arith.extui %lt3A_126 : i1 to i32
      %cond3A = arith.constant 0 : i32
      %cond3A_127 = arith.cmpi ne, %convert_element_type3A, %cond3A : i32
      scf.if %cond3A_127 {
        %add3A_182 = arith.constant 2 : i32
        %add3A_183 = arith.addi %add3A_79, %add3A_182 : i32
        %dma_start3A_184 = arith.constant 0 : i32
        %dma_start3A_185 = arith.constant 0 : i32
        %dma_start3A_186 = arith.constant 0 : i32
        %dma_start3A_187 = arith.constant 0 : i32
        %dma_start3A_188 = arith.constant 0 : i32
        %dma_start3A_189 = tpu.memref_slice %arg7[%dma_start3A_185, %dma_start3A_187, %dma_start3A_188] : memref<2x128x128xf32, #tpu.memory_space<vmem>> -> memref<1x128x128xf32, #tpu.memory_space<vmem>>
        %dma_start3A_190 = tpu.memref_squeeze %dma_start3A_189 : memref<1x128x128xf32, #tpu.memory_space<vmem>> -> memref<128x128xf32, #tpu.memory_space<vmem>>
        %dma_start3A_191 = arith.constant 0 : i32
        %dma_start3A_192 = tpu.memref_slice %arg6[%add3A_183, %dma_start3A_184, %dma_start3A_191] : memref<40x2x128xi32, #tpu.memory_space<vmem>> -> memref<1x1x128xi32, #tpu.memory_space<vmem>>
        %dma_start3A_193 = tpu.memref_squeeze %dma_start3A_192 : memref<1x1x128xi32, #tpu.memory_space<vmem>> -> memref<128xi32, #tpu.memory_space<vmem>>
        %dma_start3A_194 = arith.constant 0 : i32
        %dma_start3A_195 = arith.constant 0 : i32
        %dma_start3A_196 = tpu.memref_slice %arg2[%dma_start3A_194, %dma_start3A_195] : memref<10000x128xf32, #tpu.memory_space<hbm>> -> memref<10000x128xf32, #tpu.memory_space<hbm>>
        %dma_start3A_197 = tpu.memref_slice %arg9[%dma_start3A_186] : memref<2x!tpu.dma_semaphore, #tpu.memory_space<semaphore_mem>> -> memref<1x!tpu.dma_semaphore, #tpu.memory_space<semaphore_mem>>
        %dma_start3A_198 = tpu.memref_squeeze %dma_start3A_197 : memref<1x!tpu.dma_semaphore, #tpu.memory_space<semaphore_mem>> -> memref<!tpu.dma_semaphore, #tpu.memory_space<semaphore_mem>>
        tpu.enqueue_indirect_dma source(%dma_start3A_196 : memref<10000x128xf32, #tpu.memory_space<hbm>>) target(%dma_start3A_190 : memref<128x128xf32, #tpu.memory_space<vmem>>) offsets(%dma_start3A_193 : memref<128xi32, #tpu.memory_space<vmem>>) semaphore(%dma_start3A_198 : memref<!tpu.dma_semaphore, #tpu.memory_space<semaphore_mem>>)
      } else {
      }
      %add3A_128 = arith.constant 1 : i32
      %add3A_129 = arith.addi %mul3A_78, %add3A_128 : i32
      %dma_wait3A_130 = arith.constant 0 : i32
      %dma_wait3A_131 = arith.constant 1 : i32
      %dma_wait3A_132 = arith.constant 1 : i32
      %dma_wait3A_133 = arith.constant 0 : i32
      %dma_wait3A_134 = arith.constant 0 : i32
      %dma_wait3A_135 = tpu.memref_slice %arg7[%dma_wait3A_131, %dma_wait3A_133, %dma_wait3A_134] : memref<2x128x128xf32, #tpu.memory_space<vmem>> -> memref<1x128x128xf32, #tpu.memory_space<vmem>>
      %dma_wait3A_136 = tpu.memref_squeeze %dma_wait3A_135 : memref<1x128x128xf32, #tpu.memory_space<vmem>> -> memref<128x128xf32, #tpu.memory_space<vmem>>
      %dma_wait3A_137 = arith.constant 0 : i32
      %dma_wait3A_138 = tpu.memref_slice %arg6[%add3A_129, %dma_wait3A_130, %dma_wait3A_137] : memref<40x2x128xi32, #tpu.memory_space<vmem>> -> memref<1x1x128xi32, #tpu.memory_space<vmem>>
      %dma_wait3A_139 = tpu.memref_squeeze %dma_wait3A_138 : memref<1x1x128xi32, #tpu.memory_space<vmem>> -> memref<128xi32, #tpu.memory_space<vmem>>
      %dma_wait3A_140 = arith.constant 0 : i32
      %dma_wait3A_141 = arith.constant 0 : i32
      %dma_wait3A_142 = tpu.memref_slice %arg2[%dma_wait3A_140, %dma_wait3A_141] : memref<10000x128xf32, #tpu.memory_space<hbm>> -> memref<10000x128xf32, #tpu.memory_space<hbm>>
      %dma_wait3A_143 = tpu.memref_slice %arg9[%dma_wait3A_132] : memref<2x!tpu.dma_semaphore, #tpu.memory_space<semaphore_mem>> -> memref<1x!tpu.dma_semaphore, #tpu.memory_space<semaphore_mem>>
      %dma_wait3A_144 = tpu.memref_squeeze %dma_wait3A_143 : memref<1x!tpu.dma_semaphore, #tpu.memory_space<semaphore_mem>> -> memref<!tpu.dma_semaphore, #tpu.memory_space<semaphore_mem>>
      tpu.wait_indirect_dma semaphore(%dma_wait3A_144 : memref<!tpu.dma_semaphore, #tpu.memory_space<semaphore_mem>>) src(%dma_wait3A_142 : memref<10000x128xf32, #tpu.memory_space<hbm>>) dst(%dma_wait3A_136 : memref<128x128xf32, #tpu.memory_space<vmem>>)
      %dma_start3A_145 = arith.constant 1 : i32
      %dma_start3A_146 = arith.constant 1 : i32
      %dma_start3A_147 = arith.constant 1 : i32
      %dma_start3A_148 = arith.constant 0 : i32
      %dma_start3A_149 = arith.constant 0 : i32
      %dma_start3A_150 = tpu.memref_slice %arg7[%dma_start3A_145, %dma_start3A_148, %dma_start3A_149] : memref<2x128x128xf32, #tpu.memory_space<vmem>> -> memref<1x128x128xf32, #tpu.memory_space<vmem>>
      %dma_start3A_151 = tpu.memref_squeeze %dma_start3A_150 : memref<1x128x128xf32, #tpu.memory_space<vmem>> -> memref<128x128xf32, #tpu.memory_space<vmem>>
      %dma_start3A_152 = arith.constant 0 : i32
      %dma_start3A_153 = tpu.memref_slice %arg6[%add3A_129, %dma_start3A_146, %dma_start3A_152] : memref<40x2x128xi32, #tpu.memory_space<vmem>> -> memref<1x1x128xi32, #tpu.memory_space<vmem>>
      %dma_start3A_154 = tpu.memref_squeeze %dma_start3A_153 : memref<1x1x128xi32, #tpu.memory_space<vmem>> -> memref<128xi32, #tpu.memory_space<vmem>>
      %dma_start3A_155 = arith.constant 0 : i32
      %dma_start3A_156 = arith.constant 0 : i32
      %dma_start3A_157 = tpu.memref_slice %arg8[%dma_start3A_155, %dma_start3A_156] : memref<10240x128xf32, #tpu.memory_space<vmem_shared>> -> memref<10240x128xf32, #tpu.memory_space<vmem_shared>>
      %dma_start3A_158 = tpu.memref_slice %arg10[%dma_start3A_147] : memref<2x!tpu.dma_semaphore, #tpu.memory_space<semaphore_mem>> -> memref<1x!tpu.dma_semaphore, #tpu.memory_space<semaphore_mem>>
      %dma_start3A_159 = tpu.memref_squeeze %dma_start3A_158 : memref<1x!tpu.dma_semaphore, #tpu.memory_space<semaphore_mem>> -> memref<!tpu.dma_semaphore, #tpu.memory_space<semaphore_mem>>
      tpu.enqueue_indirect_dma source(%dma_start3A_151 : memref<128x128xf32, #tpu.memory_space<vmem>>) target(%dma_start3A_157 : memref<10240x128xf32, #tpu.memory_space<vmem_shared>>) offsets(%dma_start3A_154 : memref<128xi32, #tpu.memory_space<vmem>>) semaphore(%dma_start3A_159 : memref<!tpu.dma_semaphore, #tpu.memory_space<semaphore_mem>>) {add = true}
      %dma_wait3A_160 = arith.constant 1 : i32
      %dma_wait3A_161 = arith.constant 1 : i32
      %dma_wait3A_162 = arith.constant 1 : i32
      %dma_wait3A_163 = arith.constant 0 : i32
      %dma_wait3A_164 = arith.constant 0 : i32
      %dma_wait3A_165 = tpu.memref_slice %arg7[%dma_wait3A_160, %dma_wait3A_163, %dma_wait3A_164] : memref<2x128x128xf32, #tpu.memory_space<vmem>> -> memref<1x128x128xf32, #tpu.memory_space<vmem>>
      %dma_wait3A_166 = tpu.memref_squeeze %dma_wait3A_165 : memref<1x128x128xf32, #tpu.memory_space<vmem>> -> memref<128x128xf32, #tpu.memory_space<vmem>>
      %dma_wait3A_167 = arith.constant 0 : i32
      %dma_wait3A_168 = tpu.memref_slice %arg6[%add3A_129, %dma_wait3A_161, %dma_wait3A_167] : memref<40x2x128xi32, #tpu.memory_space<vmem>> -> memref<1x1x128xi32, #tpu.memory_space<vmem>>
      %dma_wait3A_169 = tpu.memref_squeeze %dma_wait3A_168 : memref<1x1x128xi32, #tpu.memory_space<vmem>> -> memref<128xi32, #tpu.memory_space<vmem>>
      %dma_wait3A_170 = arith.constant 0 : i32
      %dma_wait3A_171 = arith.constant 0 : i32
      %dma_wait3A_172 = tpu.memref_slice %arg8[%dma_wait3A_170, %dma_wait3A_171] : memref<10240x128xf32, #tpu.memory_space<vmem_shared>> -> memref<10240x128xf32, #tpu.memory_space<vmem_shared>>
      %dma_wait3A_173 = tpu.memref_slice %arg10[%dma_wait3A_162] : memref<2x!tpu.dma_semaphore, #tpu.memory_space<semaphore_mem>> -> memref<1x!tpu.dma_semaphore, #tpu.memory_space<semaphore_mem>>
      %dma_wait3A_174 = tpu.memref_squeeze %dma_wait3A_173 : memref<1x!tpu.dma_semaphore, #tpu.memory_space<semaphore_mem>> -> memref<!tpu.dma_semaphore, #tpu.memory_space<semaphore_mem>>
      tpu.wait_indirect_dma semaphore(%dma_wait3A_174 : memref<!tpu.dma_semaphore, #tpu.memory_space<semaphore_mem>>) src(%dma_wait3A_166 : memref<128x128xf32, #tpu.memory_space<vmem>>) dst(%dma_wait3A_172 : memref<10240x128xf32, #tpu.memory_space<vmem_shared>>)
      %add3A_175 = arith.constant 2 : i32
      %add3A_176 = arith.addi %add3A_129, %add3A_175 : i32
      %lt3A_177 = arith.constant 40 : i32
      %lt3A_178 = arith.cmpi slt, %add3A_176, %lt3A_177 : i32
      %convert_element_type3A_179 = arith.extui %lt3A_178 : i1 to i32
      %cond3A_180 = arith.constant 0 : i32
      %cond3A_181 = arith.cmpi ne, %convert_element_type3A_179, %cond3A_180 : i32
      scf.if %cond3A_181 {
        %add3A_182 = arith.constant 2 : i32
        %add3A_183 = arith.addi %add3A_129, %add3A_182 : i32
        %dma_start3A_184 = arith.constant 0 : i32
        %dma_start3A_185 = arith.constant 1 : i32
        %dma_start3A_186 = arith.constant 1 : i32
        %dma_start3A_187 = arith.constant 0 : i32
        %dma_start3A_188 = arith.constant 0 : i32
        %dma_start3A_189 = tpu.memref_slice %arg7[%dma_start3A_185, %dma_start3A_187, %dma_start3A_188] : memref<2x128x128xf32, #tpu.memory_space<vmem>> -> memref<1x128x128xf32, #tpu.memory_space<vmem>>
        %dma_start3A_190 = tpu.memref_squeeze %dma_start3A_189 : memref<1x128x128xf32, #tpu.memory_space<vmem>> -> memref<128x128xf32, #tpu.memory_space<vmem>>
        %dma_start3A_191 = arith.constant 0 : i32
        %dma_start3A_192 = tpu.memref_slice %arg6[%add3A_183, %dma_start3A_184, %dma_start3A_191] : memref<40x2x128xi32, #tpu.memory_space<vmem>> -> memref<1x1x128xi32, #tpu.memory_space<vmem>>
        %dma_start3A_193 = tpu.memref_squeeze %dma_start3A_192 : memref<1x1x128xi32, #tpu.memory_space<vmem>> -> memref<128xi32, #tpu.memory_space<vmem>>
        %dma_start3A_194 = arith.constant 0 : i32
        %dma_start3A_195 = arith.constant 0 : i32
        %dma_start3A_196 = tpu.memref_slice %arg2[%dma_start3A_194, %dma_start3A_195] : memref<10000x128xf32, #tpu.memory_space<hbm>> -> memref<10000x128xf32, #tpu.memory_space<hbm>>
        %dma_start3A_197 = tpu.memref_slice %arg9[%dma_start3A_186] : memref<2x!tpu.dma_semaphore, #tpu.memory_space<semaphore_mem>> -> memref<1x!tpu.dma_semaphore, #tpu.memory_space<semaphore_mem>>
        %dma_start3A_198 = tpu.memref_squeeze %dma_start3A_197 : memref<1x!tpu.dma_semaphore, #tpu.memory_space<semaphore_mem>> -> memref<!tpu.dma_semaphore, #tpu.memory_space<semaphore_mem>>
        tpu.enqueue_indirect_dma source(%dma_start3A_196 : memref<10000x128xf32, #tpu.memory_space<hbm>>) target(%dma_start3A_190 : memref<128x128xf32, #tpu.memory_space<vmem>>) offsets(%dma_start3A_193 : memref<128xi32, #tpu.memory_space<vmem>>) semaphore(%dma_start3A_198 : memref<!tpu.dma_semaphore, #tpu.memory_space<semaphore_mem>>)
      } else {
      }
    }
    %scan3A_36 = arith.constant 20 : i32
    "tpu.region"() ({
      %run_scoped3A = tpu.sem_alloc : memref<!tpu.dma_semaphore, #tpu.memory_space<semaphore_mem>>
      %dma_start3A_76 = arith.constant 40 : i32
      %dma_start3A_77 = arith.constant 0 : i32
      %dma_start3A_78 = arith.constant 0 : i32
      %dma_start3A_79 = tpu.memref_slice %arg3[%arg0, %arg1, %dma_start3A_76, %dma_start3A_77, %dma_start3A_78] : memref<2x16x80x2x128xi32, #tpu.memory_space<hbm>> -> memref<1x1x40x2x128xi32, #tpu.memory_space<hbm>>
      %dma_start3A_80 = tpu.memref_squeeze %dma_start3A_79 : memref<1x1x40x2x128xi32, #tpu.memory_space<hbm>> -> memref<40x2x128xi32, #tpu.memory_space<hbm>>
      %dma_start3A_81 = arith.constant 40 : i32
      %dma_start3A_82 = arith.constant 0 : i32
      %dma_start3A_83 = arith.constant 0 : i32
      %dma_start3A_84 = tpu.memref_slice %arg3[%arg0, %arg1, %dma_start3A_81, %dma_start3A_82, %dma_start3A_83] : memref<2x16x80x2x128xi32, #tpu.memory_space<hbm>> -> memref<1x1x40x2x128xi32, #tpu.memory_space<hbm>>
      %dma_start3A_85 = tpu.memref_squeeze %dma_start3A_84 : memref<1x1x40x2x128xi32, #tpu.memory_space<hbm>> -> memref<40x2x128xi32, #tpu.memory_space<hbm>>
      tpu.enqueue_dma source(%dma_start3A_85 : memref<40x2x128xi32, #tpu.memory_space<hbm>>) target(%arg6 : memref<40x2x128xi32, #tpu.memory_space<vmem>>) target_semaphore(%run_scoped3A : memref<!tpu.dma_semaphore, #tpu.memory_space<semaphore_mem>>)
      %dma_wait3A = arith.constant 40 : i32
      %dma_wait3A_86 = arith.constant 0 : i32
      %dma_wait3A_87 = arith.constant 0 : i32
      %dma_wait3A_88 = tpu.memref_slice %arg3[%arg0, %arg1, %dma_wait3A, %dma_wait3A_86, %dma_wait3A_87] : memref<2x16x80x2x128xi32, #tpu.memory_space<hbm>> -> memref<1x1x40x2x128xi32, #tpu.memory_space<hbm>>
      %dma_wait3A_89 = tpu.memref_squeeze %dma_wait3A_88 : memref<1x1x40x2x128xi32, #tpu.memory_space<hbm>> -> memref<40x2x128xi32, #tpu.memory_space<hbm>>
      %dma_wait3A_90 = arith.constant 40 : i32
      %dma_wait3A_91 = arith.constant 0 : i32
      %dma_wait3A_92 = arith.constant 0 : i32
      %dma_wait3A_93 = tpu.memref_slice %arg3[%arg0, %arg1, %dma_wait3A_90, %dma_wait3A_91, %dma_wait3A_92] : memref<2x16x80x2x128xi32, #tpu.memory_space<hbm>> -> memref<1x1x40x2x128xi32, #tpu.memory_space<hbm>>
      %dma_wait3A_94 = tpu.memref_squeeze %dma_wait3A_93 : memref<1x1x40x2x128xi32, #tpu.memory_space<hbm>> -> memref<40x2x128xi32, #tpu.memory_space<hbm>>
      tpu.wait_dma2 semaphore(%run_scoped3A : memref<!tpu.dma_semaphore, #tpu.memory_space<semaphore_mem>>) src(%dma_wait3A_94 : memref<40x2x128xi32, #tpu.memory_space<hbm>>) dst(%arg6 : memref<40x2x128xi32, #tpu.memory_space<vmem>>)
      tpu.yield
    }) : () -> ()
    %dma_start3A_37 = arith.constant 0 : i32
    %dma_start3A_38 = arith.constant 0 : i32
    %dma_start3A_39 = arith.constant 0 : i32
    %dma_start3A_40 = arith.constant 0 : i32
    %dma_start3A_41 = arith.constant 0 : i32
    %dma_start3A_42 = arith.constant 0 : i32
    %dma_start3A_43 = tpu.memref_slice %arg7[%dma_start3A_39, %dma_start3A_41, %dma_start3A_42] : memref<2x128x128xf32, #tpu.memory_space<vmem>> -> memref<1x128x128xf32, #tpu.memory_space<vmem>>
    %dma_start3A_44 = tpu.memref_squeeze %dma_start3A_43 : memref<1x128x128xf32, #tpu.memory_space<vmem>> -> memref<128x128xf32, #tpu.memory_space<vmem>>
    %dma_start3A_45 = arith.constant 0 : i32
    %dma_start3A_46 = tpu.memref_slice %arg6[%dma_start3A_37, %dma_start3A_38, %dma_start3A_45] : memref<40x2x128xi32, #tpu.memory_space<vmem>> -> memref<1x1x128xi32, #tpu.memory_space<vmem>>
    %dma_start3A_47 = tpu.memref_squeeze %dma_start3A_46 : memref<1x1x128xi32, #tpu.memory_space<vmem>> -> memref<128xi32, #tpu.memory_space<vmem>>
    %dma_start3A_48 = arith.constant 0 : i32
    %dma_start3A_49 = arith.constant 0 : i32
    %dma_start3A_50 = tpu.memref_slice %arg2[%dma_start3A_48, %dma_start3A_49] : memref<10000x128xf32, #tpu.memory_space<hbm>> -> memref<10000x128xf32, #tpu.memory_space<hbm>>
    %dma_start3A_51 = tpu.memref_slice %arg9[%dma_start3A_40] : memref<2x!tpu.dma_semaphore, #tpu.memory_space<semaphore_mem>> -> memref<1x!tpu.dma_semaphore, #tpu.memory_space<semaphore_mem>>
    %dma_start3A_52 = tpu.memref_squeeze %dma_start3A_51 : memref<1x!tpu.dma_semaphore, #tpu.memory_space<semaphore_mem>> -> memref<!tpu.dma_semaphore, #tpu.memory_space<semaphore_mem>>
    tpu.enqueue_indirect_dma source(%dma_start3A_50 : memref<10000x128xf32, #tpu.memory_space<hbm>>) target(%dma_start3A_44 : memref<128x128xf32, #tpu.memory_space<vmem>>) offsets(%dma_start3A_47 : memref<128xi32, #tpu.memory_space<vmem>>) semaphore(%dma_start3A_52 : memref<!tpu.dma_semaphore, #tpu.memory_space<semaphore_mem>>)
    %dma_start3A_53 = arith.constant 1 : i32
    %dma_start3A_54 = arith.constant 0 : i32
    %dma_start3A_55 = arith.constant 1 : i32
    %dma_start3A_56 = arith.constant 1 : i32
    %dma_start3A_57 = arith.constant 0 : i32
    %dma_start3A_58 = arith.constant 0 : i32
    %dma_start3A_59 = tpu.memref_slice %arg7[%dma_start3A_55, %dma_start3A_57, %dma_start3A_58] : memref<2x128x128xf32, #tpu.memory_space<vmem>> -> memref<1x128x128xf32, #tpu.memory_space<vmem>>
    %dma_start3A_60 = tpu.memref_squeeze %dma_start3A_59 : memref<1x128x128xf32, #tpu.memory_space<vmem>> -> memref<128x128xf32, #tpu.memory_space<vmem>>
    %dma_start3A_61 = arith.constant 0 : i32
    %dma_start3A_62 = tpu.memref_slice %arg6[%dma_start3A_53, %dma_start3A_54, %dma_start3A_61] : memref<40x2x128xi32, #tpu.memory_space<vmem>> -> memref<1x1x128xi32, #tpu.memory_space<vmem>>
    %dma_start3A_63 = tpu.memref_squeeze %dma_start3A_62 : memref<1x1x128xi32, #tpu.memory_space<vmem>> -> memref<128xi32, #tpu.memory_space<vmem>>
    %dma_start3A_64 = arith.constant 0 : i32
    %dma_start3A_65 = arith.constant 0 : i32
    %dma_start3A_66 = tpu.memref_slice %arg2[%dma_start3A_64, %dma_start3A_65] : memref<10000x128xf32, #tpu.memory_space<hbm>> -> memref<10000x128xf32, #tpu.memory_space<hbm>>
    %dma_start3A_67 = tpu.memref_slice %arg9[%dma_start3A_56] : memref<2x!tpu.dma_semaphore, #tpu.memory_space<semaphore_mem>> -> memref<1x!tpu.dma_semaphore, #tpu.memory_space<semaphore_mem>>
    %dma_start3A_68 = tpu.memref_squeeze %dma_start3A_67 : memref<1x!tpu.dma_semaphore, #tpu.memory_space<semaphore_mem>> -> memref<!tpu.dma_semaphore, #tpu.memory_space<semaphore_mem>>
    tpu.enqueue_indirect_dma source(%dma_start3A_66 : memref<10000x128xf32, #tpu.memory_space<hbm>>) target(%dma_start3A_60 : memref<128x128xf32, #tpu.memory_space<vmem>>) offsets(%dma_start3A_63 : memref<128xi32, #tpu.memory_space<vmem>>) semaphore(%dma_start3A_68 : memref<!tpu.dma_semaphore, #tpu.memory_space<semaphore_mem>>)
    %scan3A_69 = arith.constant 0 : i32
    %scan3A_70 = arith.constant 0 : i32
    %scan3A_71 = arith.constant 20 : i32
    %scan3A_72 = arith.addi %scan3A_70, %scan3A_71 : i32
    %scan3A_73 = arith.constant 1 : i32
    scf.for %scan3A_76 = %scan3A_70 to %scan3A_72 step %scan3A_73  : i32 {
      %mul3A_77 = arith.constant 2 : i32
      %mul3A_78 = arith.muli %scan3A_76, %mul3A_77 : i32
      %add3A = arith.constant 0 : i32
      %add3A_79 = arith.addi %mul3A_78, %add3A : i32
      %dma_wait3A = arith.constant 0 : i32
      %dma_wait3A_80 = arith.constant 0 : i32
      %dma_wait3A_81 = arith.constant 0 : i32
      %dma_wait3A_82 = arith.constant 0 : i32
      %dma_wait3A_83 = arith.constant 0 : i32
      %dma_wait3A_84 = tpu.memref_slice %arg7[%dma_wait3A_80, %dma_wait3A_82, %dma_wait3A_83] : memref<2x128x128xf32, #tpu.memory_space<vmem>> -> memref<1x128x128xf32, #tpu.memory_space<vmem>>
      %dma_wait3A_85 = tpu.memref_squeeze %dma_wait3A_84 : memref<1x128x128xf32, #tpu.memory_space<vmem>> -> memref<128x128xf32, #tpu.memory_space<vmem>>
      %dma_wait3A_86 = arith.constant 0 : i32
      %dma_wait3A_87 = tpu.memref_slice %arg6[%add3A_79, %dma_wait3A, %dma_wait3A_86] : memref<40x2x128xi32, #tpu.memory_space<vmem>> -> memref<1x1x128xi32, #tpu.memory_space<vmem>>
      %dma_wait3A_88 = tpu.memref_squeeze %dma_wait3A_87 : memref<1x1x128xi32, #tpu.memory_space<vmem>> -> memref<128xi32, #tpu.memory_space<vmem>>
      %dma_wait3A_89 = arith.constant 0 : i32
      %dma_wait3A_90 = arith.constant 0 : i32
      %dma_wait3A_91 = tpu.memref_slice %arg2[%dma_wait3A_89, %dma_wait3A_90] : memref<10000x128xf32, #tpu.memory_space<hbm>> -> memref<10000x128xf32, #tpu.memory_space<hbm>>
      %dma_wait3A_92 = tpu.memref_slice %arg9[%dma_wait3A_81] : memref<2x!tpu.dma_semaphore, #tpu.memory_space<semaphore_mem>> -> memref<1x!tpu.dma_semaphore, #tpu.memory_space<semaphore_mem>>
      %dma_wait3A_93 = tpu.memref_squeeze %dma_wait3A_92 : memref<1x!tpu.dma_semaphore, #tpu.memory_space<semaphore_mem>> -> memref<!tpu.dma_semaphore, #tpu.memory_space<semaphore_mem>>
      tpu.wait_indirect_dma semaphore(%dma_wait3A_93 : memref<!tpu.dma_semaphore, #tpu.memory_space<semaphore_mem>>) src(%dma_wait3A_91 : memref<10000x128xf32, #tpu.memory_space<hbm>>) dst(%dma_wait3A_85 : memref<128x128xf32, #tpu.memory_space<vmem>>)
      %dma_start3A_94 = arith.constant 0 : i32
      %dma_start3A_95 = arith.constant 1 : i32
      %dma_start3A_96 = arith.constant 0 : i32
      %dma_start3A_97 = arith.constant 0 : i32
      %dma_start3A_98 = arith.constant 0 : i32
      %dma_start3A_99 = tpu.memref_slice %arg7[%dma_start3A_94, %dma_start3A_97, %dma_start3A_98] : memref<2x128x128xf32, #tpu.memory_space<vmem>> -> memref<1x128x128xf32, #tpu.memory_space<vmem>>
      %dma_start3A_100 = tpu.memref_squeeze %dma_start3A_99 : memref<1x128x128xf32, #tpu.memory_space<vmem>> -> memref<128x128xf32, #tpu.memory_space<vmem>>
      %dma_start3A_101 = arith.constant 0 : i32
      %dma_start3A_102 = tpu.memref_slice %arg6[%add3A_79, %dma_start3A_95, %dma_start3A_101] : memref<40x2x128xi32, #tpu.memory_space<vmem>> -> memref<1x1x128xi32, #tpu.memory_space<vmem>>
      %dma_start3A_103 = tpu.memref_squeeze %dma_start3A_102 : memref<1x1x128xi32, #tpu.memory_space<vmem>> -> memref<128xi32, #tpu.memory_space<vmem>>
      %dma_start3A_104 = arith.constant 0 : i32
      %dma_start3A_105 = arith.constant 0 : i32
      %dma_start3A_106 = tpu.memref_slice %arg8[%dma_start3A_104, %dma_start3A_105] : memref<10240x128xf32, #tpu.memory_space<vmem_shared>> -> memref<10240x128xf32, #tpu.memory_space<vmem_shared>>
      %dma_start3A_107 = tpu.memref_slice %arg10[%dma_start3A_96] : memref<2x!tpu.dma_semaphore, #tpu.memory_space<semaphore_mem>> -> memref<1x!tpu.dma_semaphore, #tpu.memory_space<semaphore_mem>>
      %dma_start3A_108 = tpu.memref_squeeze %dma_start3A_107 : memref<1x!tpu.dma_semaphore, #tpu.memory_space<semaphore_mem>> -> memref<!tpu.dma_semaphore, #tpu.memory_space<semaphore_mem>>
      tpu.enqueue_indirect_dma source(%dma_start3A_100 : memref<128x128xf32, #tpu.memory_space<vmem>>) target(%dma_start3A_106 : memref<10240x128xf32, #tpu.memory_space<vmem_shared>>) offsets(%dma_start3A_103 : memref<128xi32, #tpu.memory_space<vmem>>) semaphore(%dma_start3A_108 : memref<!tpu.dma_semaphore, #tpu.memory_space<semaphore_mem>>) {add = true}
      %dma_wait3A_109 = arith.constant 0 : i32
      %dma_wait3A_110 = arith.constant 1 : i32
      %dma_wait3A_111 = arith.constant 0 : i32
      %dma_wait3A_112 = arith.constant 0 : i32
      %dma_wait3A_113 = arith.constant 0 : i32
      %dma_wait3A_114 = tpu.memref_slice %arg7[%dma_wait3A_109, %dma_wait3A_112, %dma_wait3A_113] : memref<2x128x128xf32, #tpu.memory_space<vmem>> -> memref<1x128x128xf32, #tpu.memory_space<vmem>>
      %dma_wait3A_115 = tpu.memref_squeeze %dma_wait3A_114 : memref<1x128x128xf32, #tpu.memory_space<vmem>> -> memref<128x128xf32, #tpu.memory_space<vmem>>
      %dma_wait3A_116 = arith.constant 0 : i32
      %dma_wait3A_117 = tpu.memref_slice %arg6[%add3A_79, %dma_wait3A_110, %dma_wait3A_116] : memref<40x2x128xi32, #tpu.memory_space<vmem>> -> memref<1x1x128xi32, #tpu.memory_space<vmem>>
      %dma_wait3A_118 = tpu.memref_squeeze %dma_wait3A_117 : memref<1x1x128xi32, #tpu.memory_space<vmem>> -> memref<128xi32, #tpu.memory_space<vmem>>
      %dma_wait3A_119 = arith.constant 0 : i32
      %dma_wait3A_120 = arith.constant 0 : i32
      %dma_wait3A_121 = tpu.memref_slice %arg8[%dma_wait3A_119, %dma_wait3A_120] : memref<10240x128xf32, #tpu.memory_space<vmem_shared>> -> memref<10240x128xf32, #tpu.memory_space<vmem_shared>>
      %dma_wait3A_122 = tpu.memref_slice %arg10[%dma_wait3A_111] : memref<2x!tpu.dma_semaphore, #tpu.memory_space<semaphore_mem>> -> memref<1x!tpu.dma_semaphore, #tpu.memory_space<semaphore_mem>>
      %dma_wait3A_123 = tpu.memref_squeeze %dma_wait3A_122 : memref<1x!tpu.dma_semaphore, #tpu.memory_space<semaphore_mem>> -> memref<!tpu.dma_semaphore, #tpu.memory_space<semaphore_mem>>
      tpu.wait_indirect_dma semaphore(%dma_wait3A_123 : memref<!tpu.dma_semaphore, #tpu.memory_space<semaphore_mem>>) src(%dma_wait3A_115 : memref<128x128xf32, #tpu.memory_space<vmem>>) dst(%dma_wait3A_121 : memref<10240x128xf32, #tpu.memory_space<vmem_shared>>)
      %add3A_124 = arith.constant 2 : i32
      %add3A_125 = arith.addi %add3A_79, %add3A_124 : i32
      %lt3A = arith.constant 40 : i32
      %lt3A_126 = arith.cmpi slt, %add3A_125, %lt3A : i32
      %convert_element_type3A = arith.extui %lt3A_126 : i1 to i32
      %cond3A = arith.constant 0 : i32
      %cond3A_127 = arith.cmpi ne, %convert_element_type3A, %cond3A : i32
      scf.if %cond3A_127 {
        %add3A_182 = arith.constant 2 : i32
        %add3A_183 = arith.addi %add3A_79, %add3A_182 : i32
        %dma_start3A_184 = arith.constant 0 : i32
        %dma_start3A_185 = arith.constant 0 : i32
        %dma_start3A_186 = arith.constant 0 : i32
        %dma_start3A_187 = arith.constant 0 : i32
        %dma_start3A_188 = arith.constant 0 : i32
        %dma_start3A_189 = tpu.memref_slice %arg7[%dma_start3A_185, %dma_start3A_187, %dma_start3A_188] : memref<2x128x128xf32, #tpu.memory_space<vmem>> -> memref<1x128x128xf32, #tpu.memory_space<vmem>>
        %dma_start3A_190 = tpu.memref_squeeze %dma_start3A_189 : memref<1x128x128xf32, #tpu.memory_space<vmem>> -> memref<128x128xf32, #tpu.memory_space<vmem>>
        %dma_start3A_191 = arith.constant 0 : i32
        %dma_start3A_192 = tpu.memref_slice %arg6[%add3A_183, %dma_start3A_184, %dma_start3A_191] : memref<40x2x128xi32, #tpu.memory_space<vmem>> -> memref<1x1x128xi32, #tpu.memory_space<vmem>>
        %dma_start3A_193 = tpu.memref_squeeze %dma_start3A_192 : memref<1x1x128xi32, #tpu.memory_space<vmem>> -> memref<128xi32, #tpu.memory_space<vmem>>
        %dma_start3A_194 = arith.constant 0 : i32
        %dma_start3A_195 = arith.constant 0 : i32
        %dma_start3A_196 = tpu.memref_slice %arg2[%dma_start3A_194, %dma_start3A_195] : memref<10000x128xf32, #tpu.memory_space<hbm>> -> memref<10000x128xf32, #tpu.memory_space<hbm>>
        %dma_start3A_197 = tpu.memref_slice %arg9[%dma_start3A_186] : memref<2x!tpu.dma_semaphore, #tpu.memory_space<semaphore_mem>> -> memref<1x!tpu.dma_semaphore, #tpu.memory_space<semaphore_mem>>
        %dma_start3A_198 = tpu.memref_squeeze %dma_start3A_197 : memref<1x!tpu.dma_semaphore, #tpu.memory_space<semaphore_mem>> -> memref<!tpu.dma_semaphore, #tpu.memory_space<semaphore_mem>>
        tpu.enqueue_indirect_dma source(%dma_start3A_196 : memref<10000x128xf32, #tpu.memory_space<hbm>>) target(%dma_start3A_190 : memref<128x128xf32, #tpu.memory_space<vmem>>) offsets(%dma_start3A_193 : memref<128xi32, #tpu.memory_space<vmem>>) semaphore(%dma_start3A_198 : memref<!tpu.dma_semaphore, #tpu.memory_space<semaphore_mem>>)
      } else {
      }
      %add3A_128 = arith.constant 1 : i32
      %add3A_129 = arith.addi %mul3A_78, %add3A_128 : i32
      %dma_wait3A_130 = arith.constant 0 : i32
      %dma_wait3A_131 = arith.constant 1 : i32
      %dma_wait3A_132 = arith.constant 1 : i32
      %dma_wait3A_133 = arith.constant 0 : i32
      %dma_wait3A_134 = arith.constant 0 : i32
      %dma_wait3A_135 = tpu.memref_slice %arg7[%dma_wait3A_131, %dma_wait3A_133, %dma_wait3A_134] : memref<2x128x128xf32, #tpu.memory_space<vmem>> -> memref<1x128x128xf32, #tpu.memory_space<vmem>>
      %dma_wait3A_136 = tpu.memref_squeeze %dma_wait3A_135 : memref<1x128x128xf32, #tpu.memory_space<vmem>> -> memref<128x128xf32, #tpu.memory_space<vmem>>
      %dma_wait3A_137 = arith.constant 0 : i32
      %dma_wait3A_138 = tpu.memref_slice %arg6[%add3A_129, %dma_wait3A_130, %dma_wait3A_137] : memref<40x2x128xi32, #tpu.memory_space<vmem>> -> memref<1x1x128xi32, #tpu.memory_space<vmem>>
      %dma_wait3A_139 = tpu.memref_squeeze %dma_wait3A_138 : memref<1x1x128xi32, #tpu.memory_space<vmem>> -> memref<128xi32, #tpu.memory_space<vmem>>
      %dma_wait3A_140 = arith.constant 0 : i32
      %dma_wait3A_141 = arith.constant 0 : i32
      %dma_wait3A_142 = tpu.memref_slice %arg2[%dma_wait3A_140, %dma_wait3A_141] : memref<10000x128xf32, #tpu.memory_space<hbm>> -> memref<10000x128xf32, #tpu.memory_space<hbm>>
      %dma_wait3A_143 = tpu.memref_slice %arg9[%dma_wait3A_132] : memref<2x!tpu.dma_semaphore, #tpu.memory_space<semaphore_mem>> -> memref<1x!tpu.dma_semaphore, #tpu.memory_space<semaphore_mem>>
      %dma_wait3A_144 = tpu.memref_squeeze %dma_wait3A_143 : memref<1x!tpu.dma_semaphore, #tpu.memory_space<semaphore_mem>> -> memref<!tpu.dma_semaphore, #tpu.memory_space<semaphore_mem>>
      tpu.wait_indirect_dma semaphore(%dma_wait3A_144 : memref<!tpu.dma_semaphore, #tpu.memory_space<semaphore_mem>>) src(%dma_wait3A_142 : memref<10000x128xf32, #tpu.memory_space<hbm>>) dst(%dma_wait3A_136 : memref<128x128xf32, #tpu.memory_space<vmem>>)
      %dma_start3A_145 = arith.constant 1 : i32
      %dma_start3A_146 = arith.constant 1 : i32
      %dma_start3A_147 = arith.constant 1 : i32
      %dma_start3A_148 = arith.constant 0 : i32
      %dma_start3A_149 = arith.constant 0 : i32
      %dma_start3A_150 = tpu.memref_slice %arg7[%dma_start3A_145, %dma_start3A_148, %dma_start3A_149] : memref<2x128x128xf32, #tpu.memory_space<vmem>> -> memref<1x128x128xf32, #tpu.memory_space<vmem>>
      %dma_start3A_151 = tpu.memref_squeeze %dma_start3A_150 : memref<1x128x128xf32, #tpu.memory_space<vmem>> -> memref<128x128xf32, #tpu.memory_space<vmem>>
      %dma_start3A_152 = arith.constant 0 : i32
      %dma_start3A_153 = tpu.memref_slice %arg6[%add3A_129, %dma_start3A_146, %dma_start3A_152] : memref<40x2x128xi32, #tpu.memory_space<vmem>> -> memref<1x1x128xi32, #tpu.memory_space<vmem>>
      %dma_start3A_154 = tpu.memref_squeeze %dma_start3A_153 : memref<1x1x128xi32, #tpu.memory_space<vmem>> -> memref<128xi32, #tpu.memory_space<vmem>>
      %dma_start3A_155 = arith.constant 0 : i32
      %dma_start3A_156 = arith.constant 0 : i32
      %dma_start3A_157 = tpu.memref_slice %arg8[%dma_start3A_155, %dma_start3A_156] : memref<10240x128xf32, #tpu.memory_space<vmem_shared>> -> memref<10240x128xf32, #tpu.memory_space<vmem_shared>>
      %dma_start3A_158 = tpu.memref_slice %arg10[%dma_start3A_147] : memref<2x!tpu.dma_semaphore, #tpu.memory_space<semaphore_mem>> -> memref<1x!tpu.dma_semaphore, #tpu.memory_space<semaphore_mem>>
      %dma_start3A_159 = tpu.memref_squeeze %dma_start3A_158 : memref<1x!tpu.dma_semaphore, #tpu.memory_space<semaphore_mem>> -> memref<!tpu.dma_semaphore, #tpu.memory_space<semaphore_mem>>
      tpu.enqueue_indirect_dma source(%dma_start3A_151 : memref<128x128xf32, #tpu.memory_space<vmem>>) target(%dma_start3A_157 : memref<10240x128xf32, #tpu.memory_space<vmem_shared>>) offsets(%dma_start3A_154 : memref<128xi32, #tpu.memory_space<vmem>>) semaphore(%dma_start3A_159 : memref<!tpu.dma_semaphore, #tpu.memory_space<semaphore_mem>>) {add = true}
      %dma_wait3A_160 = arith.constant 1 : i32
      %dma_wait3A_161 = arith.constant 1 : i32
      %dma_wait3A_162 = arith.constant 1 : i32
      %dma_wait3A_163 = arith.constant 0 : i32
      %dma_wait3A_164 = arith.constant 0 : i32
      %dma_wait3A_165 = tpu.memref_slice %arg7[%dma_wait3A_160, %dma_wait3A_163, %dma_wait3A_164] : memref<2x128x128xf32, #tpu.memory_space<vmem>> -> memref<1x128x128xf32, #tpu.memory_space<vmem>>
      %dma_wait3A_166 = tpu.memref_squeeze %dma_wait3A_165 : memref<1x128x128xf32, #tpu.memory_space<vmem>> -> memref<128x128xf32, #tpu.memory_space<vmem>>
      %dma_wait3A_167 = arith.constant 0 : i32
      %dma_wait3A_168 = tpu.memref_slice %arg6[%add3A_129, %dma_wait3A_161, %dma_wait3A_167] : memref<40x2x128xi32, #tpu.memory_space<vmem>> -> memref<1x1x128xi32, #tpu.memory_space<vmem>>
      %dma_wait3A_169 = tpu.memref_squeeze %dma_wait3A_168 : memref<1x1x128xi32, #tpu.memory_space<vmem>> -> memref<128xi32, #tpu.memory_space<vmem>>
      %dma_wait3A_170 = arith.constant 0 : i32
      %dma_wait3A_171 = arith.constant 0 : i32
      %dma_wait3A_172 = tpu.memref_slice %arg8[%dma_wait3A_170, %dma_wait3A_171] : memref<10240x128xf32, #tpu.memory_space<vmem_shared>> -> memref<10240x128xf32, #tpu.memory_space<vmem_shared>>
      %dma_wait3A_173 = tpu.memref_slice %arg10[%dma_wait3A_162] : memref<2x!tpu.dma_semaphore, #tpu.memory_space<semaphore_mem>> -> memref<1x!tpu.dma_semaphore, #tpu.memory_space<semaphore_mem>>
      %dma_wait3A_174 = tpu.memref_squeeze %dma_wait3A_173 : memref<1x!tpu.dma_semaphore, #tpu.memory_space<semaphore_mem>> -> memref<!tpu.dma_semaphore, #tpu.memory_space<semaphore_mem>>
      tpu.wait_indirect_dma semaphore(%dma_wait3A_174 : memref<!tpu.dma_semaphore, #tpu.memory_space<semaphore_mem>>) src(%dma_wait3A_166 : memref<128x128xf32, #tpu.memory_space<vmem>>) dst(%dma_wait3A_172 : memref<10240x128xf32, #tpu.memory_space<vmem_shared>>)
      %add3A_175 = arith.constant 2 : i32
      %add3A_176 = arith.addi %add3A_129, %add3A_175 : i32
      %lt3A_177 = arith.constant 40 : i32
      %lt3A_178 = arith.cmpi slt, %add3A_176, %lt3A_177 : i32
      %convert_element_type3A_179 = arith.extui %lt3A_178 : i1 to i32
      %cond3A_180 = arith.constant 0 : i32
      %cond3A_181 = arith.cmpi ne, %convert_element_type3A_179, %cond3A_180 : i32
      scf.if %cond3A_181 {
        %add3A_182 = arith.constant 2 : i32
        %add3A_183 = arith.addi %add3A_129, %add3A_182 : i32
        %dma_start3A_184 = arith.constant 0 : i32
        %dma_start3A_185 = arith.constant 1 : i32
        %dma_start3A_186 = arith.constant 1 : i32
        %dma_start3A_187 = arith.constant 0 : i32
        %dma_start3A_188 = arith.constant 0 : i32
        %dma_start3A_189 = tpu.memref_slice %arg7[%dma_start3A_185, %dma_start3A_187, %dma_start3A_188] : memref<2x128x128xf32, #tpu.memory_space<vmem>> -> memref<1x128x128xf32, #tpu.memory_space<vmem>>
        %dma_start3A_190 = tpu.memref_squeeze %dma_start3A_189 : memref<1x128x128xf32, #tpu.memory_space<vmem>> -> memref<128x128xf32, #tpu.memory_space<vmem>>
        %dma_start3A_191 = arith.constant 0 : i32
        %dma_start3A_192 = tpu.memref_slice %arg6[%add3A_183, %dma_start3A_184, %dma_start3A_191] : memref<40x2x128xi32, #tpu.memory_space<vmem>> -> memref<1x1x128xi32, #tpu.memory_space<vmem>>
        %dma_start3A_193 = tpu.memref_squeeze %dma_start3A_192 : memref<1x1x128xi32, #tpu.memory_space<vmem>> -> memref<128xi32, #tpu.memory_space<vmem>>
        %dma_start3A_194 = arith.constant 0 : i32
        %dma_start3A_195 = arith.constant 0 : i32
        %dma_start3A_196 = tpu.memref_slice %arg2[%dma_start3A_194, %dma_start3A_195] : memref<10000x128xf32, #tpu.memory_space<hbm>> -> memref<10000x128xf32, #tpu.memory_space<hbm>>
        %dma_start3A_197 = tpu.memref_slice %arg9[%dma_start3A_186] : memref<2x!tpu.dma_semaphore, #tpu.memory_space<semaphore_mem>> -> memref<1x!tpu.dma_semaphore, #tpu.memory_space<semaphore_mem>>
        %dma_start3A_198 = tpu.memref_squeeze %dma_start3A_197 : memref<1x!tpu.dma_semaphore, #tpu.memory_space<semaphore_mem>> -> memref<!tpu.dma_semaphore, #tpu.memory_space<semaphore_mem>>
        tpu.enqueue_indirect_dma source(%dma_start3A_196 : memref<10000x128xf32, #tpu.memory_space<hbm>>) target(%dma_start3A_190 : memref<128x128xf32, #tpu.memory_space<vmem>>) offsets(%dma_start3A_193 : memref<128xi32, #tpu.memory_space<vmem>>) semaphore(%dma_start3A_198 : memref<!tpu.dma_semaphore, #tpu.memory_space<semaphore_mem>>)
      } else {
      }
    }
    %scan3A_74 = arith.constant 20 : i32
    %barrier3A_75 = arith.constant 0 : index
    tpu.barrier barrier_id(%barrier3A_75)
    "tpu.region"() ({
      %run_scoped3A = tpu.sem_alloc : memref<!tpu.dma_semaphore, #tpu.memory_space<semaphore_mem>>
      %dma_start3A_76 = arith.constant 0 : i32
      %dma_start3A_77 = tpu.memref_slice %arg5[%arg0, %mul3A_0, %dma_start3A_76] : memref<2x10240x128xf32, #tpu.memory_space<hbm>> -> memref<1x640x128xf32, #tpu.memory_space<hbm>>
      %dma_start3A_78 = tpu.memref_squeeze %dma_start3A_77 : memref<1x640x128xf32, #tpu.memory_space<hbm>> -> memref<640x128xf32, #tpu.memory_space<hbm>>
      %dma_start3A_79 = arith.constant 0 : i32
      %dma_start3A_80 = tpu.memref_slice %arg8[%mul3A_0, %dma_start3A_79] : memref<10240x128xf32, #tpu.memory_space<vmem_shared>> -> memref<640x128xf32, #tpu.memory_space<vmem_shared>>
      tpu.enqueue_dma source(%dma_start3A_80 : memref<640x128xf32, #tpu.memory_space<vmem_shared>>) target(%dma_start3A_78 : memref<640x128xf32, #tpu.memory_space<hbm>>) target_semaphore(%run_scoped3A : memref<!tpu.dma_semaphore, #tpu.memory_space<semaphore_mem>>)
      %dma_wait3A = arith.constant 0 : i32
      %dma_wait3A_81 = tpu.memref_slice %arg5[%arg0, %mul3A_0, %dma_wait3A] : memref<2x10240x128xf32, #tpu.memory_space<hbm>> -> memref<1x640x128xf32, #tpu.memory_space<hbm>>
      %dma_wait3A_82 = tpu.memref_squeeze %dma_wait3A_81 : memref<1x640x128xf32, #tpu.memory_space<hbm>> -> memref<640x128xf32, #tpu.memory_space<hbm>>
      %dma_wait3A_83 = arith.constant 0 : i32
      %dma_wait3A_84 = tpu.memref_slice %arg8[%mul3A_0, %dma_wait3A_83] : memref<10240x128xf32, #tpu.memory_space<vmem_shared>> -> memref<640x128xf32, #tpu.memory_space<vmem_shared>>
      tpu.wait_dma2 semaphore(%run_scoped3A : memref<!tpu.dma_semaphore, #tpu.memory_space<semaphore_mem>>) src(%dma_wait3A_84 : memref<640x128xf32, #tpu.memory_space<vmem_shared>>) dst(%dma_wait3A_82 : memref<640x128xf32, #tpu.memory_space<hbm>>)
      tpu.yield
    }) : () -> ()
    return
  }
}

#map = affine_map<(d0, d1) -> (0, 0, 0, 0)>
#map1 = affine_map<(d0, d1) -> (0, 0)>
#map2 = affine_map<(d0, d1) -> (0, 0, 0)>
module attributes {stable_mosaic.version = 14 : i64} {
  func.func @_deg_body(%arg0: i32, %arg1: i32, %arg2: memref<2x16x80x128xi32, #tpu.memory_space<hbm>>, %arg3: memref<10240x128xf32, #tpu.memory_space<hbm>>, %arg4: memref<128x128xf32, #tpu.memory_space<hbm>>, %arg5: memref<2x10240x128xf32, #tpu.memory_space<hbm>>, %arg6: memref<80x128xi32, #tpu.memory_space<vmem>>, %arg7: memref<128x128xf32, #tpu.memory_space<vmem>>, %arg8: memref<10240x128xf32, #tpu.memory_space<vmem_shared>>, %arg9: memref<!tpu.dma_semaphore, #tpu.memory_space<semaphore_mem>>) attributes {dimension_semantics = [#tpu.dimension_semantics<core_parallel>, #tpu.dimension_semantics<subcore_parallel>], iteration_bounds = array<i64: 2, 16>, scalar_prefetch = 0 : i64, scratch_operands = 4 : i64, tpu.core_type = #tpu.core_type<sc_vector_subcore>, window_params = [{transform_indices = #map}, {transform_indices = #map1}, {transform_indices = #map1}, {transform_indices = #map2}]} {
    %mul3A = arith.constant 640 : i32
    %mul3A_0 = arith.muli %arg1, %mul3A : i32
    "tpu.region"() ({
      %run_scoped3A = tpu.sem_alloc : memref<!tpu.dma_semaphore, #tpu.memory_space<semaphore_mem>>
      %dma_start3A = arith.constant 0 : i32
      %dma_start3A_7 = tpu.memref_slice %arg8[%mul3A_0, %dma_start3A] : memref<10240x128xf32, #tpu.memory_space<vmem_shared>> -> memref<640x128xf32, #tpu.memory_space<vmem_shared>>
      %dma_start3A_8 = arith.constant 0 : i32
      %dma_start3A_9 = tpu.memref_slice %arg3[%mul3A_0, %dma_start3A_8] : memref<10240x128xf32, #tpu.memory_space<hbm>> -> memref<640x128xf32, #tpu.memory_space<hbm>>
      tpu.enqueue_dma source(%dma_start3A_9 : memref<640x128xf32, #tpu.memory_space<hbm>>) target(%dma_start3A_7 : memref<640x128xf32, #tpu.memory_space<vmem_shared>>) target_semaphore(%run_scoped3A : memref<!tpu.dma_semaphore, #tpu.memory_space<semaphore_mem>>)
      %dma_wait3A = arith.constant 0 : i32
      %dma_wait3A_10 = tpu.memref_slice %arg8[%mul3A_0, %dma_wait3A] : memref<10240x128xf32, #tpu.memory_space<vmem_shared>> -> memref<640x128xf32, #tpu.memory_space<vmem_shared>>
      %dma_wait3A_11 = arith.constant 0 : i32
      %dma_wait3A_12 = tpu.memref_slice %arg3[%mul3A_0, %dma_wait3A_11] : memref<10240x128xf32, #tpu.memory_space<hbm>> -> memref<640x128xf32, #tpu.memory_space<hbm>>
      tpu.wait_dma2 semaphore(%run_scoped3A : memref<!tpu.dma_semaphore, #tpu.memory_space<semaphore_mem>>) src(%dma_wait3A_12 : memref<640x128xf32, #tpu.memory_space<hbm>>) dst(%dma_wait3A_10 : memref<640x128xf32, #tpu.memory_space<vmem_shared>>)
      tpu.yield
    }) : () -> ()
    "tpu.region"() ({
      %run_scoped3A = tpu.sem_alloc : memref<!tpu.dma_semaphore, #tpu.memory_space<semaphore_mem>>
      %dma_start3A = arith.constant 0 : i32
      %dma_start3A_7 = arith.constant 0 : i32
      %dma_start3A_8 = tpu.memref_slice %arg2[%arg0, %arg1, %dma_start3A, %dma_start3A_7] : memref<2x16x80x128xi32, #tpu.memory_space<hbm>> -> memref<1x1x80x128xi32, #tpu.memory_space<hbm>>
      %dma_start3A_9 = tpu.memref_squeeze %dma_start3A_8 : memref<1x1x80x128xi32, #tpu.memory_space<hbm>> -> memref<80x128xi32, #tpu.memory_space<hbm>>
      %dma_start3A_10 = arith.constant 0 : i32
      %dma_start3A_11 = arith.constant 0 : i32
      %dma_start3A_12 = tpu.memref_slice %arg2[%arg0, %arg1, %dma_start3A_10, %dma_start3A_11] : memref<2x16x80x128xi32, #tpu.memory_space<hbm>> -> memref<1x1x80x128xi32, #tpu.memory_space<hbm>>
      %dma_start3A_13 = tpu.memref_squeeze %dma_start3A_12 : memref<1x1x80x128xi32, #tpu.memory_space<hbm>> -> memref<80x128xi32, #tpu.memory_space<hbm>>
      tpu.enqueue_dma source(%dma_start3A_13 : memref<80x128xi32, #tpu.memory_space<hbm>>) target(%arg6 : memref<80x128xi32, #tpu.memory_space<vmem>>) target_semaphore(%run_scoped3A : memref<!tpu.dma_semaphore, #tpu.memory_space<semaphore_mem>>)
      %dma_wait3A = arith.constant 0 : i32
      %dma_wait3A_14 = arith.constant 0 : i32
      %dma_wait3A_15 = tpu.memref_slice %arg2[%arg0, %arg1, %dma_wait3A, %dma_wait3A_14] : memref<2x16x80x128xi32, #tpu.memory_space<hbm>> -> memref<1x1x80x128xi32, #tpu.memory_space<hbm>>
      %dma_wait3A_16 = tpu.memref_squeeze %dma_wait3A_15 : memref<1x1x80x128xi32, #tpu.memory_space<hbm>> -> memref<80x128xi32, #tpu.memory_space<hbm>>
      %dma_wait3A_17 = arith.constant 0 : i32
      %dma_wait3A_18 = arith.constant 0 : i32
      %dma_wait3A_19 = tpu.memref_slice %arg2[%arg0, %arg1, %dma_wait3A_17, %dma_wait3A_18] : memref<2x16x80x128xi32, #tpu.memory_space<hbm>> -> memref<1x1x80x128xi32, #tpu.memory_space<hbm>>
      %dma_wait3A_20 = tpu.memref_squeeze %dma_wait3A_19 : memref<1x1x80x128xi32, #tpu.memory_space<hbm>> -> memref<80x128xi32, #tpu.memory_space<hbm>>
      tpu.wait_dma2 semaphore(%run_scoped3A : memref<!tpu.dma_semaphore, #tpu.memory_space<semaphore_mem>>) src(%dma_wait3A_20 : memref<80x128xi32, #tpu.memory_space<hbm>>) dst(%arg6 : memref<80x128xi32, #tpu.memory_space<vmem>>)
      tpu.yield
    }) : () -> ()
    "tpu.region"() ({
      %run_scoped3A = tpu.sem_alloc : memref<!tpu.dma_semaphore, #tpu.memory_space<semaphore_mem>>
      tpu.enqueue_dma source(%arg4 : memref<128x128xf32, #tpu.memory_space<hbm>>) target(%arg7 : memref<128x128xf32, #tpu.memory_space<vmem>>) target_semaphore(%run_scoped3A : memref<!tpu.dma_semaphore, #tpu.memory_space<semaphore_mem>>)
      tpu.wait_dma2 semaphore(%run_scoped3A : memref<!tpu.dma_semaphore, #tpu.memory_space<semaphore_mem>>) src(%arg4 : memref<128x128xf32, #tpu.memory_space<hbm>>) dst(%arg7 : memref<128x128xf32, #tpu.memory_space<vmem>>)
      tpu.yield
    }) : () -> ()
    %barrier3A = arith.constant 0 : index
    tpu.barrier barrier_id(%barrier3A)
    %scan3A = arith.constant 0 : i32
    %scan3A_1 = arith.constant 0 : i32
    %scan3A_2 = arith.constant 80 : i32
    %scan3A_3 = arith.addi %scan3A_1, %scan3A_2 : i32
    %scan3A_4 = arith.constant 1 : i32
    scf.for %scan3A_7 = %scan3A_1 to %scan3A_3 step %scan3A_4  : i32 {
      %dma_start3A = arith.constant 0 : i32
      %dma_start3A_8 = tpu.memref_slice %arg6[%scan3A_7, %dma_start3A] : memref<80x128xi32, #tpu.memory_space<vmem>> -> memref<1x128xi32, #tpu.memory_space<vmem>>
      %dma_start3A_9 = tpu.memref_squeeze %dma_start3A_8 : memref<1x128xi32, #tpu.memory_space<vmem>> -> memref<128xi32, #tpu.memory_space<vmem>>
      %dma_start3A_10 = arith.constant 0 : i32
      %dma_start3A_11 = arith.constant 0 : i32
      %dma_start3A_12 = tpu.memref_slice %arg8[%dma_start3A_10, %dma_start3A_11] : memref<10240x128xf32, #tpu.memory_space<vmem_shared>> -> memref<10240x128xf32, #tpu.memory_space<vmem_shared>>
      tpu.enqueue_indirect_dma source(%arg7 : memref<128x128xf32, #tpu.memory_space<vmem>>) target(%dma_start3A_12 : memref<10240x128xf32, #tpu.memory_space<vmem_shared>>) offsets(%dma_start3A_9 : memref<128xi32, #tpu.memory_space<vmem>>) semaphore(%arg9 : memref<!tpu.dma_semaphore, #tpu.memory_space<semaphore_mem>>) {add = true}
      %dma_wait3A = arith.constant 0 : i32
      %dma_wait3A_13 = tpu.memref_slice %arg6[%scan3A_7, %dma_wait3A] : memref<80x128xi32, #tpu.memory_space<vmem>> -> memref<1x128xi32, #tpu.memory_space<vmem>>
      %dma_wait3A_14 = tpu.memref_squeeze %dma_wait3A_13 : memref<1x128xi32, #tpu.memory_space<vmem>> -> memref<128xi32, #tpu.memory_space<vmem>>
      %dma_wait3A_15 = arith.constant 0 : i32
      %dma_wait3A_16 = arith.constant 0 : i32
      %dma_wait3A_17 = tpu.memref_slice %arg8[%dma_wait3A_15, %dma_wait3A_16] : memref<10240x128xf32, #tpu.memory_space<vmem_shared>> -> memref<10240x128xf32, #tpu.memory_space<vmem_shared>>
      tpu.wait_indirect_dma semaphore(%arg9 : memref<!tpu.dma_semaphore, #tpu.memory_space<semaphore_mem>>) src(%arg7 : memref<128x128xf32, #tpu.memory_space<vmem>>) dst(%dma_wait3A_17 : memref<10240x128xf32, #tpu.memory_space<vmem_shared>>)
    }
    %scan3A_5 = arith.constant 80 : i32
    %barrier3A_6 = arith.constant 0 : index
    tpu.barrier barrier_id(%barrier3A_6)
    "tpu.region"() ({
      %run_scoped3A = tpu.sem_alloc : memref<!tpu.dma_semaphore, #tpu.memory_space<semaphore_mem>>
      %dma_start3A = arith.constant 0 : i32
      %dma_start3A_7 = tpu.memref_slice %arg5[%arg0, %mul3A_0, %dma_start3A] : memref<2x10240x128xf32, #tpu.memory_space<hbm>> -> memref<1x640x128xf32, #tpu.memory_space<hbm>>
      %dma_start3A_8 = tpu.memref_squeeze %dma_start3A_7 : memref<1x640x128xf32, #tpu.memory_space<hbm>> -> memref<640x128xf32, #tpu.memory_space<hbm>>
      %dma_start3A_9 = arith.constant 0 : i32
      %dma_start3A_10 = tpu.memref_slice %arg8[%mul3A_0, %dma_start3A_9] : memref<10240x128xf32, #tpu.memory_space<vmem_shared>> -> memref<640x128xf32, #tpu.memory_space<vmem_shared>>
      tpu.enqueue_dma source(%dma_start3A_10 : memref<640x128xf32, #tpu.memory_space<vmem_shared>>) target(%dma_start3A_8 : memref<640x128xf32, #tpu.memory_space<hbm>>) target_semaphore(%run_scoped3A : memref<!tpu.dma_semaphore, #tpu.memory_space<semaphore_mem>>)
      %dma_wait3A = arith.constant 0 : i32
      %dma_wait3A_11 = tpu.memref_slice %arg5[%arg0, %mul3A_0, %dma_wait3A] : memref<2x10240x128xf32, #tpu.memory_space<hbm>> -> memref<1x640x128xf32, #tpu.memory_space<hbm>>
      %dma_wait3A_12 = tpu.memref_squeeze %dma_wait3A_11 : memref<1x640x128xf32, #tpu.memory_space<hbm>> -> memref<640x128xf32, #tpu.memory_space<hbm>>
      %dma_wait3A_13 = arith.constant 0 : i32
      %dma_wait3A_14 = tpu.memref_slice %arg8[%mul3A_0, %dma_wait3A_13] : memref<10240x128xf32, #tpu.memory_space<vmem_shared>> -> memref<640x128xf32, #tpu.memory_space<vmem_shared>>
      tpu.wait_dma2 semaphore(%run_scoped3A : memref<!tpu.dma_semaphore, #tpu.memory_space<semaphore_mem>>) src(%dma_wait3A_14 : memref<640x128xf32, #tpu.memory_space<vmem_shared>>) dst(%dma_wait3A_12 : memref<640x128xf32, #tpu.memory_space<hbm>>)
      tpu.yield
    }) : () -> ()
    return
  }
}

#map = affine_map<(d0, d1) -> (0, 0)>
#map1 = affine_map<(d0, d1) -> (0, 0, 0, 0, 0)>
#map2 = affine_map<(d0, d1) -> (0, 0, 0)>
module attributes {stable_mosaic.version = 14 : i64} {
  func.func @_agg_body(%arg0: i32, %arg1: i32, %arg2: memref<10000x128xf32, #tpu.memory_space<hbm>>, %arg3: memref<2x16x80x2x128xi32, #tpu.memory_space<hbm>>, %arg4: memref<10240x128xf32, #tpu.memory_space<hbm>>, %arg5: memref<2x10240x128xf32, #tpu.memory_space<hbm>>, %arg6: memref<40x2x128xi32, #tpu.memory_space<vmem>>, %arg7: memref<2x128x128xf32, #tpu.memory_space<vmem>>, %arg8: memref<10240x128xf32, #tpu.memory_space<vmem_shared>>, %arg9: memref<2x!tpu.dma_semaphore, #tpu.memory_space<semaphore_mem>>, %arg10: memref<2x!tpu.dma_semaphore, #tpu.memory_space<semaphore_mem>>) attributes {dimension_semantics = [#tpu.dimension_semantics<core_parallel>, #tpu.dimension_semantics<subcore_parallel>], iteration_bounds = array<i64: 2, 16>, scalar_prefetch = 0 : i64, scratch_operands = 5 : i64, tpu.core_type = #tpu.core_type<sc_vector_subcore>, window_params = [{transform_indices = #map}, {transform_indices = #map1}, {transform_indices = #map}, {transform_indices = #map2}]} {
    %mul3A = arith.constant 640 : i32
    %mul3A_0 = arith.muli %arg1, %mul3A : i32
    "tpu.region"() ({
      %run_scoped3A = tpu.sem_alloc : memref<!tpu.dma_semaphore, #tpu.memory_space<semaphore_mem>>
      %dma_start3A_76 = arith.constant 0 : i32
      %dma_start3A_77 = tpu.memref_slice %arg8[%mul3A_0, %dma_start3A_76] : memref<10240x128xf32, #tpu.memory_space<vmem_shared>> -> memref<640x128xf32, #tpu.memory_space<vmem_shared>>
      %dma_start3A_78 = arith.constant 0 : i32
      %dma_start3A_79 = tpu.memref_slice %arg4[%mul3A_0, %dma_start3A_78] : memref<10240x128xf32, #tpu.memory_space<hbm>> -> memref<640x128xf32, #tpu.memory_space<hbm>>
      tpu.enqueue_dma source(%dma_start3A_79 : memref<640x128xf32, #tpu.memory_space<hbm>>) target(%dma_start3A_77 : memref<640x128xf32, #tpu.memory_space<vmem_shared>>) target_semaphore(%run_scoped3A : memref<!tpu.dma_semaphore, #tpu.memory_space<semaphore_mem>>)
      %dma_wait3A = arith.constant 0 : i32
      %dma_wait3A_80 = tpu.memref_slice %arg8[%mul3A_0, %dma_wait3A] : memref<10240x128xf32, #tpu.memory_space<vmem_shared>> -> memref<640x128xf32, #tpu.memory_space<vmem_shared>>
      %dma_wait3A_81 = arith.constant 0 : i32
      %dma_wait3A_82 = tpu.memref_slice %arg4[%mul3A_0, %dma_wait3A_81] : memref<10240x128xf32, #tpu.memory_space<hbm>> -> memref<640x128xf32, #tpu.memory_space<hbm>>
      tpu.wait_dma2 semaphore(%run_scoped3A : memref<!tpu.dma_semaphore, #tpu.memory_space<semaphore_mem>>) src(%dma_wait3A_82 : memref<640x128xf32, #tpu.memory_space<hbm>>) dst(%dma_wait3A_80 : memref<640x128xf32, #tpu.memory_space<vmem_shared>>)
      tpu.yield
    }) : () -> ()
    %barrier3A = arith.constant 0 : index
    tpu.barrier barrier_id(%barrier3A)
    "tpu.region"() ({
      %run_scoped3A = tpu.sem_alloc : memref<!tpu.dma_semaphore, #tpu.memory_space<semaphore_mem>>
      %dma_start3A_76 = arith.constant 0 : i32
      %dma_start3A_77 = arith.constant 0 : i32
      %dma_start3A_78 = arith.constant 0 : i32
      %dma_start3A_79 = tpu.memref_slice %arg3[%arg0, %arg1, %dma_start3A_76, %dma_start3A_77, %dma_start3A_78] : memref<2x16x80x2x128xi32, #tpu.memory_space<hbm>> -> memref<1x1x40x2x128xi32, #tpu.memory_space<hbm>>
      %dma_start3A_80 = tpu.memref_squeeze %dma_start3A_79 : memref<1x1x40x2x128xi32, #tpu.memory_space<hbm>> -> memref<40x2x128xi32, #tpu.memory_space<hbm>>
      %dma_start3A_81 = arith.constant 0 : i32
      %dma_start3A_82 = arith.constant 0 : i32
      %dma_start3A_83 = arith.constant 0 : i32
      %dma_start3A_84 = tpu.memref_slice %arg3[%arg0, %arg1, %dma_start3A_81, %dma_start3A_82, %dma_start3A_83] : memref<2x16x80x2x128xi32, #tpu.memory_space<hbm>> -> memref<1x1x40x2x128xi32, #tpu.memory_space<hbm>>
      %dma_start3A_85 = tpu.memref_squeeze %dma_start3A_84 : memref<1x1x40x2x128xi32, #tpu.memory_space<hbm>> -> memref<40x2x128xi32, #tpu.memory_space<hbm>>
      tpu.enqueue_dma source(%dma_start3A_85 : memref<40x2x128xi32, #tpu.memory_space<hbm>>) target(%arg6 : memref<40x2x128xi32, #tpu.memory_space<vmem>>) target_semaphore(%run_scoped3A : memref<!tpu.dma_semaphore, #tpu.memory_space<semaphore_mem>>)
      %dma_wait3A = arith.constant 0 : i32
      %dma_wait3A_86 = arith.constant 0 : i32
      %dma_wait3A_87 = arith.constant 0 : i32
      %dma_wait3A_88 = tpu.memref_slice %arg3[%arg0, %arg1, %dma_wait3A, %dma_wait3A_86, %dma_wait3A_87] : memref<2x16x80x2x128xi32, #tpu.memory_space<hbm>> -> memref<1x1x40x2x128xi32, #tpu.memory_space<hbm>>
      %dma_wait3A_89 = tpu.memref_squeeze %dma_wait3A_88 : memref<1x1x40x2x128xi32, #tpu.memory_space<hbm>> -> memref<40x2x128xi32, #tpu.memory_space<hbm>>
      %dma_wait3A_90 = arith.constant 0 : i32
      %dma_wait3A_91 = arith.constant 0 : i32
      %dma_wait3A_92 = arith.constant 0 : i32
      %dma_wait3A_93 = tpu.memref_slice %arg3[%arg0, %arg1, %dma_wait3A_90, %dma_wait3A_91, %dma_wait3A_92] : memref<2x16x80x2x128xi32, #tpu.memory_space<hbm>> -> memref<1x1x40x2x128xi32, #tpu.memory_space<hbm>>
      %dma_wait3A_94 = tpu.memref_squeeze %dma_wait3A_93 : memref<1x1x40x2x128xi32, #tpu.memory_space<hbm>> -> memref<40x2x128xi32, #tpu.memory_space<hbm>>
      tpu.wait_dma2 semaphore(%run_scoped3A : memref<!tpu.dma_semaphore, #tpu.memory_space<semaphore_mem>>) src(%dma_wait3A_94 : memref<40x2x128xi32, #tpu.memory_space<hbm>>) dst(%arg6 : memref<40x2x128xi32, #tpu.memory_space<vmem>>)
      tpu.yield
    }) : () -> ()
    %dma_start3A = arith.constant 0 : i32
    %dma_start3A_1 = arith.constant 0 : i32
    %dma_start3A_2 = arith.constant 0 : i32
    %dma_start3A_3 = arith.constant 0 : i32
    %dma_start3A_4 = arith.constant 0 : i32
    %dma_start3A_5 = arith.constant 0 : i32
    %dma_start3A_6 = tpu.memref_slice %arg7[%dma_start3A_2, %dma_start3A_4, %dma_start3A_5] : memref<2x128x128xf32, #tpu.memory_space<vmem>> -> memref<1x128x128xf32, #tpu.memory_space<vmem>>
    %dma_start3A_7 = tpu.memref_squeeze %dma_start3A_6 : memref<1x128x128xf32, #tpu.memory_space<vmem>> -> memref<128x128xf32, #tpu.memory_space<vmem>>
    %dma_start3A_8 = arith.constant 0 : i32
    %dma_start3A_9 = tpu.memref_slice %arg6[%dma_start3A, %dma_start3A_1, %dma_start3A_8] : memref<40x2x128xi32, #tpu.memory_space<vmem>> -> memref<1x1x128xi32, #tpu.memory_space<vmem>>
    %dma_start3A_10 = tpu.memref_squeeze %dma_start3A_9 : memref<1x1x128xi32, #tpu.memory_space<vmem>> -> memref<128xi32, #tpu.memory_space<vmem>>
    %dma_start3A_11 = arith.constant 0 : i32
    %dma_start3A_12 = arith.constant 0 : i32
    %dma_start3A_13 = tpu.memref_slice %arg2[%dma_start3A_11, %dma_start3A_12] : memref<10000x128xf32, #tpu.memory_space<hbm>> -> memref<10000x128xf32, #tpu.memory_space<hbm>>
    %dma_start3A_14 = tpu.memref_slice %arg9[%dma_start3A_3] : memref<2x!tpu.dma_semaphore, #tpu.memory_space<semaphore_mem>> -> memref<1x!tpu.dma_semaphore, #tpu.memory_space<semaphore_mem>>
    %dma_start3A_15 = tpu.memref_squeeze %dma_start3A_14 : memref<1x!tpu.dma_semaphore, #tpu.memory_space<semaphore_mem>> -> memref<!tpu.dma_semaphore, #tpu.memory_space<semaphore_mem>>
    tpu.enqueue_indirect_dma source(%dma_start3A_13 : memref<10000x128xf32, #tpu.memory_space<hbm>>) target(%dma_start3A_7 : memref<128x128xf32, #tpu.memory_space<vmem>>) offsets(%dma_start3A_10 : memref<128xi32, #tpu.memory_space<vmem>>) semaphore(%dma_start3A_15 : memref<!tpu.dma_semaphore, #tpu.memory_space<semaphore_mem>>)
    %dma_start3A_16 = arith.constant 1 : i32
    %dma_start3A_17 = arith.constant 0 : i32
    %dma_start3A_18 = arith.constant 1 : i32
    %dma_start3A_19 = arith.constant 1 : i32
    %dma_start3A_20 = arith.constant 0 : i32
    %dma_start3A_21 = arith.constant 0 : i32
    %dma_start3A_22 = tpu.memref_slice %arg7[%dma_start3A_18, %dma_start3A_20, %dma_start3A_21] : memref<2x128x128xf32, #tpu.memory_space<vmem>> -> memref<1x128x128xf32, #tpu.memory_space<vmem>>
    %dma_start3A_23 = tpu.memref_squeeze %dma_start3A_22 : memref<1x128x128xf32, #tpu.memory_space<vmem>> -> memref<128x128xf32, #tpu.memory_space<vmem>>
    %dma_start3A_24 = arith.constant 0 : i32
    %dma_start3A_25 = tpu.memref_slice %arg6[%dma_start3A_16, %dma_start3A_17, %dma_start3A_24] : memref<40x2x128xi32, #tpu.memory_space<vmem>> -> memref<1x1x128xi32, #tpu.memory_space<vmem>>
    %dma_start3A_26 = tpu.memref_squeeze %dma_start3A_25 : memref<1x1x128xi32, #tpu.memory_space<vmem>> -> memref<128xi32, #tpu.memory_space<vmem>>
    %dma_start3A_27 = arith.constant 0 : i32
    %dma_start3A_28 = arith.constant 0 : i32
    %dma_start3A_29 = tpu.memref_slice %arg2[%dma_start3A_27, %dma_start3A_28] : memref<10000x128xf32, #tpu.memory_space<hbm>> -> memref<10000x128xf32, #tpu.memory_space<hbm>>
    %dma_start3A_30 = tpu.memref_slice %arg9[%dma_start3A_19] : memref<2x!tpu.dma_semaphore, #tpu.memory_space<semaphore_mem>> -> memref<1x!tpu.dma_semaphore, #tpu.memory_space<semaphore_mem>>
    %dma_start3A_31 = tpu.memref_squeeze %dma_start3A_30 : memref<1x!tpu.dma_semaphore, #tpu.memory_space<semaphore_mem>> -> memref<!tpu.dma_semaphore, #tpu.memory_space<semaphore_mem>>
    tpu.enqueue_indirect_dma source(%dma_start3A_29 : memref<10000x128xf32, #tpu.memory_space<hbm>>) target(%dma_start3A_23 : memref<128x128xf32, #tpu.memory_space<vmem>>) offsets(%dma_start3A_26 : memref<128xi32, #tpu.memory_space<vmem>>) semaphore(%dma_start3A_31 : memref<!tpu.dma_semaphore, #tpu.memory_space<semaphore_mem>>)
    %scan3A = arith.constant 0 : i32
    %scan3A_32 = arith.constant 0 : i32
    %scan3A_33 = arith.constant 20 : i32
    %scan3A_34 = arith.addi %scan3A_32, %scan3A_33 : i32
    %scan3A_35 = arith.constant 1 : i32
    scf.for %scan3A_76 = %scan3A_32 to %scan3A_34 step %scan3A_35  : i32 {
      %mul3A_77 = arith.constant 2 : i32
      %mul3A_78 = arith.muli %scan3A_76, %mul3A_77 : i32
      %add3A = arith.constant 0 : i32
      %add3A_79 = arith.addi %mul3A_78, %add3A : i32
      %dma_wait3A = arith.constant 0 : i32
      %dma_wait3A_80 = arith.constant 0 : i32
      %dma_wait3A_81 = arith.constant 0 : i32
      %dma_wait3A_82 = arith.constant 0 : i32
      %dma_wait3A_83 = arith.constant 0 : i32
      %dma_wait3A_84 = tpu.memref_slice %arg7[%dma_wait3A_80, %dma_wait3A_82, %dma_wait3A_83] : memref<2x128x128xf32, #tpu.memory_space<vmem>> -> memref<1x128x128xf32, #tpu.memory_space<vmem>>
      %dma_wait3A_85 = tpu.memref_squeeze %dma_wait3A_84 : memref<1x128x128xf32, #tpu.memory_space<vmem>> -> memref<128x128xf32, #tpu.memory_space<vmem>>
      %dma_wait3A_86 = arith.constant 0 : i32
      %dma_wait3A_87 = tpu.memref_slice %arg6[%add3A_79, %dma_wait3A, %dma_wait3A_86] : memref<40x2x128xi32, #tpu.memory_space<vmem>> -> memref<1x1x128xi32, #tpu.memory_space<vmem>>
      %dma_wait3A_88 = tpu.memref_squeeze %dma_wait3A_87 : memref<1x1x128xi32, #tpu.memory_space<vmem>> -> memref<128xi32, #tpu.memory_space<vmem>>
      %dma_wait3A_89 = arith.constant 0 : i32
      %dma_wait3A_90 = arith.constant 0 : i32
      %dma_wait3A_91 = tpu.memref_slice %arg2[%dma_wait3A_89, %dma_wait3A_90] : memref<10000x128xf32, #tpu.memory_space<hbm>> -> memref<10000x128xf32, #tpu.memory_space<hbm>>
      %dma_wait3A_92 = tpu.memref_slice %arg9[%dma_wait3A_81] : memref<2x!tpu.dma_semaphore, #tpu.memory_space<semaphore_mem>> -> memref<1x!tpu.dma_semaphore, #tpu.memory_space<semaphore_mem>>
      %dma_wait3A_93 = tpu.memref_squeeze %dma_wait3A_92 : memref<1x!tpu.dma_semaphore, #tpu.memory_space<semaphore_mem>> -> memref<!tpu.dma_semaphore, #tpu.memory_space<semaphore_mem>>
      tpu.wait_indirect_dma semaphore(%dma_wait3A_93 : memref<!tpu.dma_semaphore, #tpu.memory_space<semaphore_mem>>) src(%dma_wait3A_91 : memref<10000x128xf32, #tpu.memory_space<hbm>>) dst(%dma_wait3A_85 : memref<128x128xf32, #tpu.memory_space<vmem>>)
      %dma_start3A_94 = arith.constant 0 : i32
      %dma_start3A_95 = arith.constant 1 : i32
      %dma_start3A_96 = arith.constant 0 : i32
      %dma_start3A_97 = arith.constant 0 : i32
      %dma_start3A_98 = arith.constant 0 : i32
      %dma_start3A_99 = tpu.memref_slice %arg7[%dma_start3A_94, %dma_start3A_97, %dma_start3A_98] : memref<2x128x128xf32, #tpu.memory_space<vmem>> -> memref<1x128x128xf32, #tpu.memory_space<vmem>>
      %dma_start3A_100 = tpu.memref_squeeze %dma_start3A_99 : memref<1x128x128xf32, #tpu.memory_space<vmem>> -> memref<128x128xf32, #tpu.memory_space<vmem>>
      %dma_start3A_101 = arith.constant 0 : i32
      %dma_start3A_102 = tpu.memref_slice %arg6[%add3A_79, %dma_start3A_95, %dma_start3A_101] : memref<40x2x128xi32, #tpu.memory_space<vmem>> -> memref<1x1x128xi32, #tpu.memory_space<vmem>>
      %dma_start3A_103 = tpu.memref_squeeze %dma_start3A_102 : memref<1x1x128xi32, #tpu.memory_space<vmem>> -> memref<128xi32, #tpu.memory_space<vmem>>
      %dma_start3A_104 = arith.constant 0 : i32
      %dma_start3A_105 = arith.constant 0 : i32
      %dma_start3A_106 = tpu.memref_slice %arg8[%dma_start3A_104, %dma_start3A_105] : memref<10240x128xf32, #tpu.memory_space<vmem_shared>> -> memref<10240x128xf32, #tpu.memory_space<vmem_shared>>
      %dma_start3A_107 = tpu.memref_slice %arg10[%dma_start3A_96] : memref<2x!tpu.dma_semaphore, #tpu.memory_space<semaphore_mem>> -> memref<1x!tpu.dma_semaphore, #tpu.memory_space<semaphore_mem>>
      %dma_start3A_108 = tpu.memref_squeeze %dma_start3A_107 : memref<1x!tpu.dma_semaphore, #tpu.memory_space<semaphore_mem>> -> memref<!tpu.dma_semaphore, #tpu.memory_space<semaphore_mem>>
      tpu.enqueue_indirect_dma source(%dma_start3A_100 : memref<128x128xf32, #tpu.memory_space<vmem>>) target(%dma_start3A_106 : memref<10240x128xf32, #tpu.memory_space<vmem_shared>>) offsets(%dma_start3A_103 : memref<128xi32, #tpu.memory_space<vmem>>) semaphore(%dma_start3A_108 : memref<!tpu.dma_semaphore, #tpu.memory_space<semaphore_mem>>) {add = true}
      %dma_wait3A_109 = arith.constant 0 : i32
      %dma_wait3A_110 = arith.constant 1 : i32
      %dma_wait3A_111 = arith.constant 0 : i32
      %dma_wait3A_112 = arith.constant 0 : i32
      %dma_wait3A_113 = arith.constant 0 : i32
      %dma_wait3A_114 = tpu.memref_slice %arg7[%dma_wait3A_109, %dma_wait3A_112, %dma_wait3A_113] : memref<2x128x128xf32, #tpu.memory_space<vmem>> -> memref<1x128x128xf32, #tpu.memory_space<vmem>>
      %dma_wait3A_115 = tpu.memref_squeeze %dma_wait3A_114 : memref<1x128x128xf32, #tpu.memory_space<vmem>> -> memref<128x128xf32, #tpu.memory_space<vmem>>
      %dma_wait3A_116 = arith.constant 0 : i32
      %dma_wait3A_117 = tpu.memref_slice %arg6[%add3A_79, %dma_wait3A_110, %dma_wait3A_116] : memref<40x2x128xi32, #tpu.memory_space<vmem>> -> memref<1x1x128xi32, #tpu.memory_space<vmem>>
      %dma_wait3A_118 = tpu.memref_squeeze %dma_wait3A_117 : memref<1x1x128xi32, #tpu.memory_space<vmem>> -> memref<128xi32, #tpu.memory_space<vmem>>
      %dma_wait3A_119 = arith.constant 0 : i32
      %dma_wait3A_120 = arith.constant 0 : i32
      %dma_wait3A_121 = tpu.memref_slice %arg8[%dma_wait3A_119, %dma_wait3A_120] : memref<10240x128xf32, #tpu.memory_space<vmem_shared>> -> memref<10240x128xf32, #tpu.memory_space<vmem_shared>>
      %dma_wait3A_122 = tpu.memref_slice %arg10[%dma_wait3A_111] : memref<2x!tpu.dma_semaphore, #tpu.memory_space<semaphore_mem>> -> memref<1x!tpu.dma_semaphore, #tpu.memory_space<semaphore_mem>>
      %dma_wait3A_123 = tpu.memref_squeeze %dma_wait3A_122 : memref<1x!tpu.dma_semaphore, #tpu.memory_space<semaphore_mem>> -> memref<!tpu.dma_semaphore, #tpu.memory_space<semaphore_mem>>
      tpu.wait_indirect_dma semaphore(%dma_wait3A_123 : memref<!tpu.dma_semaphore, #tpu.memory_space<semaphore_mem>>) src(%dma_wait3A_115 : memref<128x128xf32, #tpu.memory_space<vmem>>) dst(%dma_wait3A_121 : memref<10240x128xf32, #tpu.memory_space<vmem_shared>>)
      %add3A_124 = arith.constant 2 : i32
      %add3A_125 = arith.addi %add3A_79, %add3A_124 : i32
      %lt3A = arith.constant 40 : i32
      %lt3A_126 = arith.cmpi slt, %add3A_125, %lt3A : i32
      %convert_element_type3A = arith.extui %lt3A_126 : i1 to i32
      %cond3A = arith.constant 0 : i32
      %cond3A_127 = arith.cmpi ne, %convert_element_type3A, %cond3A : i32
      scf.if %cond3A_127 {
        %add3A_182 = arith.constant 2 : i32
        %add3A_183 = arith.addi %add3A_79, %add3A_182 : i32
        %dma_start3A_184 = arith.constant 0 : i32
        %dma_start3A_185 = arith.constant 0 : i32
        %dma_start3A_186 = arith.constant 0 : i32
        %dma_start3A_187 = arith.constant 0 : i32
        %dma_start3A_188 = arith.constant 0 : i32
        %dma_start3A_189 = tpu.memref_slice %arg7[%dma_start3A_185, %dma_start3A_187, %dma_start3A_188] : memref<2x128x128xf32, #tpu.memory_space<vmem>> -> memref<1x128x128xf32, #tpu.memory_space<vmem>>
        %dma_start3A_190 = tpu.memref_squeeze %dma_start3A_189 : memref<1x128x128xf32, #tpu.memory_space<vmem>> -> memref<128x128xf32, #tpu.memory_space<vmem>>
        %dma_start3A_191 = arith.constant 0 : i32
        %dma_start3A_192 = tpu.memref_slice %arg6[%add3A_183, %dma_start3A_184, %dma_start3A_191] : memref<40x2x128xi32, #tpu.memory_space<vmem>> -> memref<1x1x128xi32, #tpu.memory_space<vmem>>
        %dma_start3A_193 = tpu.memref_squeeze %dma_start3A_192 : memref<1x1x128xi32, #tpu.memory_space<vmem>> -> memref<128xi32, #tpu.memory_space<vmem>>
        %dma_start3A_194 = arith.constant 0 : i32
        %dma_start3A_195 = arith.constant 0 : i32
        %dma_start3A_196 = tpu.memref_slice %arg2[%dma_start3A_194, %dma_start3A_195] : memref<10000x128xf32, #tpu.memory_space<hbm>> -> memref<10000x128xf32, #tpu.memory_space<hbm>>
        %dma_start3A_197 = tpu.memref_slice %arg9[%dma_start3A_186] : memref<2x!tpu.dma_semaphore, #tpu.memory_space<semaphore_mem>> -> memref<1x!tpu.dma_semaphore, #tpu.memory_space<semaphore_mem>>
        %dma_start3A_198 = tpu.memref_squeeze %dma_start3A_197 : memref<1x!tpu.dma_semaphore, #tpu.memory_space<semaphore_mem>> -> memref<!tpu.dma_semaphore, #tpu.memory_space<semaphore_mem>>
        tpu.enqueue_indirect_dma source(%dma_start3A_196 : memref<10000x128xf32, #tpu.memory_space<hbm>>) target(%dma_start3A_190 : memref<128x128xf32, #tpu.memory_space<vmem>>) offsets(%dma_start3A_193 : memref<128xi32, #tpu.memory_space<vmem>>) semaphore(%dma_start3A_198 : memref<!tpu.dma_semaphore, #tpu.memory_space<semaphore_mem>>)
      } else {
      }
      %add3A_128 = arith.constant 1 : i32
      %add3A_129 = arith.addi %mul3A_78, %add3A_128 : i32
      %dma_wait3A_130 = arith.constant 0 : i32
      %dma_wait3A_131 = arith.constant 1 : i32
      %dma_wait3A_132 = arith.constant 1 : i32
      %dma_wait3A_133 = arith.constant 0 : i32
      %dma_wait3A_134 = arith.constant 0 : i32
      %dma_wait3A_135 = tpu.memref_slice %arg7[%dma_wait3A_131, %dma_wait3A_133, %dma_wait3A_134] : memref<2x128x128xf32, #tpu.memory_space<vmem>> -> memref<1x128x128xf32, #tpu.memory_space<vmem>>
      %dma_wait3A_136 = tpu.memref_squeeze %dma_wait3A_135 : memref<1x128x128xf32, #tpu.memory_space<vmem>> -> memref<128x128xf32, #tpu.memory_space<vmem>>
      %dma_wait3A_137 = arith.constant 0 : i32
      %dma_wait3A_138 = tpu.memref_slice %arg6[%add3A_129, %dma_wait3A_130, %dma_wait3A_137] : memref<40x2x128xi32, #tpu.memory_space<vmem>> -> memref<1x1x128xi32, #tpu.memory_space<vmem>>
      %dma_wait3A_139 = tpu.memref_squeeze %dma_wait3A_138 : memref<1x1x128xi32, #tpu.memory_space<vmem>> -> memref<128xi32, #tpu.memory_space<vmem>>
      %dma_wait3A_140 = arith.constant 0 : i32
      %dma_wait3A_141 = arith.constant 0 : i32
      %dma_wait3A_142 = tpu.memref_slice %arg2[%dma_wait3A_140, %dma_wait3A_141] : memref<10000x128xf32, #tpu.memory_space<hbm>> -> memref<10000x128xf32, #tpu.memory_space<hbm>>
      %dma_wait3A_143 = tpu.memref_slice %arg9[%dma_wait3A_132] : memref<2x!tpu.dma_semaphore, #tpu.memory_space<semaphore_mem>> -> memref<1x!tpu.dma_semaphore, #tpu.memory_space<semaphore_mem>>
      %dma_wait3A_144 = tpu.memref_squeeze %dma_wait3A_143 : memref<1x!tpu.dma_semaphore, #tpu.memory_space<semaphore_mem>> -> memref<!tpu.dma_semaphore, #tpu.memory_space<semaphore_mem>>
      tpu.wait_indirect_dma semaphore(%dma_wait3A_144 : memref<!tpu.dma_semaphore, #tpu.memory_space<semaphore_mem>>) src(%dma_wait3A_142 : memref<10000x128xf32, #tpu.memory_space<hbm>>) dst(%dma_wait3A_136 : memref<128x128xf32, #tpu.memory_space<vmem>>)
      %dma_start3A_145 = arith.constant 1 : i32
      %dma_start3A_146 = arith.constant 1 : i32
      %dma_start3A_147 = arith.constant 1 : i32
      %dma_start3A_148 = arith.constant 0 : i32
      %dma_start3A_149 = arith.constant 0 : i32
      %dma_start3A_150 = tpu.memref_slice %arg7[%dma_start3A_145, %dma_start3A_148, %dma_start3A_149] : memref<2x128x128xf32, #tpu.memory_space<vmem>> -> memref<1x128x128xf32, #tpu.memory_space<vmem>>
      %dma_start3A_151 = tpu.memref_squeeze %dma_start3A_150 : memref<1x128x128xf32, #tpu.memory_space<vmem>> -> memref<128x128xf32, #tpu.memory_space<vmem>>
      %dma_start3A_152 = arith.constant 0 : i32
      %dma_start3A_153 = tpu.memref_slice %arg6[%add3A_129, %dma_start3A_146, %dma_start3A_152] : memref<40x2x128xi32, #tpu.memory_space<vmem>> -> memref<1x1x128xi32, #tpu.memory_space<vmem>>
      %dma_start3A_154 = tpu.memref_squeeze %dma_start3A_153 : memref<1x1x128xi32, #tpu.memory_space<vmem>> -> memref<128xi32, #tpu.memory_space<vmem>>
      %dma_start3A_155 = arith.constant 0 : i32
      %dma_start3A_156 = arith.constant 0 : i32
      %dma_start3A_157 = tpu.memref_slice %arg8[%dma_start3A_155, %dma_start3A_156] : memref<10240x128xf32, #tpu.memory_space<vmem_shared>> -> memref<10240x128xf32, #tpu.memory_space<vmem_shared>>
      %dma_start3A_158 = tpu.memref_slice %arg10[%dma_start3A_147] : memref<2x!tpu.dma_semaphore, #tpu.memory_space<semaphore_mem>> -> memref<1x!tpu.dma_semaphore, #tpu.memory_space<semaphore_mem>>
      %dma_start3A_159 = tpu.memref_squeeze %dma_start3A_158 : memref<1x!tpu.dma_semaphore, #tpu.memory_space<semaphore_mem>> -> memref<!tpu.dma_semaphore, #tpu.memory_space<semaphore_mem>>
      tpu.enqueue_indirect_dma source(%dma_start3A_151 : memref<128x128xf32, #tpu.memory_space<vmem>>) target(%dma_start3A_157 : memref<10240x128xf32, #tpu.memory_space<vmem_shared>>) offsets(%dma_start3A_154 : memref<128xi32, #tpu.memory_space<vmem>>) semaphore(%dma_start3A_159 : memref<!tpu.dma_semaphore, #tpu.memory_space<semaphore_mem>>) {add = true}
      %dma_wait3A_160 = arith.constant 1 : i32
      %dma_wait3A_161 = arith.constant 1 : i32
      %dma_wait3A_162 = arith.constant 1 : i32
      %dma_wait3A_163 = arith.constant 0 : i32
      %dma_wait3A_164 = arith.constant 0 : i32
      %dma_wait3A_165 = tpu.memref_slice %arg7[%dma_wait3A_160, %dma_wait3A_163, %dma_wait3A_164] : memref<2x128x128xf32, #tpu.memory_space<vmem>> -> memref<1x128x128xf32, #tpu.memory_space<vmem>>
      %dma_wait3A_166 = tpu.memref_squeeze %dma_wait3A_165 : memref<1x128x128xf32, #tpu.memory_space<vmem>> -> memref<128x128xf32, #tpu.memory_space<vmem>>
      %dma_wait3A_167 = arith.constant 0 : i32
      %dma_wait3A_168 = tpu.memref_slice %arg6[%add3A_129, %dma_wait3A_161, %dma_wait3A_167] : memref<40x2x128xi32, #tpu.memory_space<vmem>> -> memref<1x1x128xi32, #tpu.memory_space<vmem>>
      %dma_wait3A_169 = tpu.memref_squeeze %dma_wait3A_168 : memref<1x1x128xi32, #tpu.memory_space<vmem>> -> memref<128xi32, #tpu.memory_space<vmem>>
      %dma_wait3A_170 = arith.constant 0 : i32
      %dma_wait3A_171 = arith.constant 0 : i32
      %dma_wait3A_172 = tpu.memref_slice %arg8[%dma_wait3A_170, %dma_wait3A_171] : memref<10240x128xf32, #tpu.memory_space<vmem_shared>> -> memref<10240x128xf32, #tpu.memory_space<vmem_shared>>
      %dma_wait3A_173 = tpu.memref_slice %arg10[%dma_wait3A_162] : memref<2x!tpu.dma_semaphore, #tpu.memory_space<semaphore_mem>> -> memref<1x!tpu.dma_semaphore, #tpu.memory_space<semaphore_mem>>
      %dma_wait3A_174 = tpu.memref_squeeze %dma_wait3A_173 : memref<1x!tpu.dma_semaphore, #tpu.memory_space<semaphore_mem>> -> memref<!tpu.dma_semaphore, #tpu.memory_space<semaphore_mem>>
      tpu.wait_indirect_dma semaphore(%dma_wait3A_174 : memref<!tpu.dma_semaphore, #tpu.memory_space<semaphore_mem>>) src(%dma_wait3A_166 : memref<128x128xf32, #tpu.memory_space<vmem>>) dst(%dma_wait3A_172 : memref<10240x128xf32, #tpu.memory_space<vmem_shared>>)
      %add3A_175 = arith.constant 2 : i32
      %add3A_176 = arith.addi %add3A_129, %add3A_175 : i32
      %lt3A_177 = arith.constant 40 : i32
      %lt3A_178 = arith.cmpi slt, %add3A_176, %lt3A_177 : i32
      %convert_element_type3A_179 = arith.extui %lt3A_178 : i1 to i32
      %cond3A_180 = arith.constant 0 : i32
      %cond3A_181 = arith.cmpi ne, %convert_element_type3A_179, %cond3A_180 : i32
      scf.if %cond3A_181 {
        %add3A_182 = arith.constant 2 : i32
        %add3A_183 = arith.addi %add3A_129, %add3A_182 : i32
        %dma_start3A_184 = arith.constant 0 : i32
        %dma_start3A_185 = arith.constant 1 : i32
        %dma_start3A_186 = arith.constant 1 : i32
        %dma_start3A_187 = arith.constant 0 : i32
        %dma_start3A_188 = arith.constant 0 : i32
        %dma_start3A_189 = tpu.memref_slice %arg7[%dma_start3A_185, %dma_start3A_187, %dma_start3A_188] : memref<2x128x128xf32, #tpu.memory_space<vmem>> -> memref<1x128x128xf32, #tpu.memory_space<vmem>>
        %dma_start3A_190 = tpu.memref_squeeze %dma_start3A_189 : memref<1x128x128xf32, #tpu.memory_space<vmem>> -> memref<128x128xf32, #tpu.memory_space<vmem>>
        %dma_start3A_191 = arith.constant 0 : i32
        %dma_start3A_192 = tpu.memref_slice %arg6[%add3A_183, %dma_start3A_184, %dma_start3A_191] : memref<40x2x128xi32, #tpu.memory_space<vmem>> -> memref<1x1x128xi32, #tpu.memory_space<vmem>>
        %dma_start3A_193 = tpu.memref_squeeze %dma_start3A_192 : memref<1x1x128xi32, #tpu.memory_space<vmem>> -> memref<128xi32, #tpu.memory_space<vmem>>
        %dma_start3A_194 = arith.constant 0 : i32
        %dma_start3A_195 = arith.constant 0 : i32
        %dma_start3A_196 = tpu.memref_slice %arg2[%dma_start3A_194, %dma_start3A_195] : memref<10000x128xf32, #tpu.memory_space<hbm>> -> memref<10000x128xf32, #tpu.memory_space<hbm>>
        %dma_start3A_197 = tpu.memref_slice %arg9[%dma_start3A_186] : memref<2x!tpu.dma_semaphore, #tpu.memory_space<semaphore_mem>> -> memref<1x!tpu.dma_semaphore, #tpu.memory_space<semaphore_mem>>
        %dma_start3A_198 = tpu.memref_squeeze %dma_start3A_197 : memref<1x!tpu.dma_semaphore, #tpu.memory_space<semaphore_mem>> -> memref<!tpu.dma_semaphore, #tpu.memory_space<semaphore_mem>>
        tpu.enqueue_indirect_dma source(%dma_start3A_196 : memref<10000x128xf32, #tpu.memory_space<hbm>>) target(%dma_start3A_190 : memref<128x128xf32, #tpu.memory_space<vmem>>) offsets(%dma_start3A_193 : memref<128xi32, #tpu.memory_space<vmem>>) semaphore(%dma_start3A_198 : memref<!tpu.dma_semaphore, #tpu.memory_space<semaphore_mem>>)
      } else {
      }
    }
    %scan3A_36 = arith.constant 20 : i32
    "tpu.region"() ({
      %run_scoped3A = tpu.sem_alloc : memref<!tpu.dma_semaphore, #tpu.memory_space<semaphore_mem>>
      %dma_start3A_76 = arith.constant 40 : i32
      %dma_start3A_77 = arith.constant 0 : i32
      %dma_start3A_78 = arith.constant 0 : i32
      %dma_start3A_79 = tpu.memref_slice %arg3[%arg0, %arg1, %dma_start3A_76, %dma_start3A_77, %dma_start3A_78] : memref<2x16x80x2x128xi32, #tpu.memory_space<hbm>> -> memref<1x1x40x2x128xi32, #tpu.memory_space<hbm>>
      %dma_start3A_80 = tpu.memref_squeeze %dma_start3A_79 : memref<1x1x40x2x128xi32, #tpu.memory_space<hbm>> -> memref<40x2x128xi32, #tpu.memory_space<hbm>>
      %dma_start3A_81 = arith.constant 40 : i32
      %dma_start3A_82 = arith.constant 0 : i32
      %dma_start3A_83 = arith.constant 0 : i32
      %dma_start3A_84 = tpu.memref_slice %arg3[%arg0, %arg1, %dma_start3A_81, %dma_start3A_82, %dma_start3A_83] : memref<2x16x80x2x128xi32, #tpu.memory_space<hbm>> -> memref<1x1x40x2x128xi32, #tpu.memory_space<hbm>>
      %dma_start3A_85 = tpu.memref_squeeze %dma_start3A_84 : memref<1x1x40x2x128xi32, #tpu.memory_space<hbm>> -> memref<40x2x128xi32, #tpu.memory_space<hbm>>
      tpu.enqueue_dma source(%dma_start3A_85 : memref<40x2x128xi32, #tpu.memory_space<hbm>>) target(%arg6 : memref<40x2x128xi32, #tpu.memory_space<vmem>>) target_semaphore(%run_scoped3A : memref<!tpu.dma_semaphore, #tpu.memory_space<semaphore_mem>>)
      %dma_wait3A = arith.constant 40 : i32
      %dma_wait3A_86 = arith.constant 0 : i32
      %dma_wait3A_87 = arith.constant 0 : i32
      %dma_wait3A_88 = tpu.memref_slice %arg3[%arg0, %arg1, %dma_wait3A, %dma_wait3A_86, %dma_wait3A_87] : memref<2x16x80x2x128xi32, #tpu.memory_space<hbm>> -> memref<1x1x40x2x128xi32, #tpu.memory_space<hbm>>
      %dma_wait3A_89 = tpu.memref_squeeze %dma_wait3A_88 : memref<1x1x40x2x128xi32, #tpu.memory_space<hbm>> -> memref<40x2x128xi32, #tpu.memory_space<hbm>>
      %dma_wait3A_90 = arith.constant 40 : i32
      %dma_wait3A_91 = arith.constant 0 : i32
      %dma_wait3A_92 = arith.constant 0 : i32
      %dma_wait3A_93 = tpu.memref_slice %arg3[%arg0, %arg1, %dma_wait3A_90, %dma_wait3A_91, %dma_wait3A_92] : memref<2x16x80x2x128xi32, #tpu.memory_space<hbm>> -> memref<1x1x40x2x128xi32, #tpu.memory_space<hbm>>
      %dma_wait3A_94 = tpu.memref_squeeze %dma_wait3A_93 : memref<1x1x40x2x128xi32, #tpu.memory_space<hbm>> -> memref<40x2x128xi32, #tpu.memory_space<hbm>>
      tpu.wait_dma2 semaphore(%run_scoped3A : memref<!tpu.dma_semaphore, #tpu.memory_space<semaphore_mem>>) src(%dma_wait3A_94 : memref<40x2x128xi32, #tpu.memory_space<hbm>>) dst(%arg6 : memref<40x2x128xi32, #tpu.memory_space<vmem>>)
      tpu.yield
    }) : () -> ()
    %dma_start3A_37 = arith.constant 0 : i32
    %dma_start3A_38 = arith.constant 0 : i32
    %dma_start3A_39 = arith.constant 0 : i32
    %dma_start3A_40 = arith.constant 0 : i32
    %dma_start3A_41 = arith.constant 0 : i32
    %dma_start3A_42 = arith.constant 0 : i32
    %dma_start3A_43 = tpu.memref_slice %arg7[%dma_start3A_39, %dma_start3A_41, %dma_start3A_42] : memref<2x128x128xf32, #tpu.memory_space<vmem>> -> memref<1x128x128xf32, #tpu.memory_space<vmem>>
    %dma_start3A_44 = tpu.memref_squeeze %dma_start3A_43 : memref<1x128x128xf32, #tpu.memory_space<vmem>> -> memref<128x128xf32, #tpu.memory_space<vmem>>
    %dma_start3A_45 = arith.constant 0 : i32
    %dma_start3A_46 = tpu.memref_slice %arg6[%dma_start3A_37, %dma_start3A_38, %dma_start3A_45] : memref<40x2x128xi32, #tpu.memory_space<vmem>> -> memref<1x1x128xi32, #tpu.memory_space<vmem>>
    %dma_start3A_47 = tpu.memref_squeeze %dma_start3A_46 : memref<1x1x128xi32, #tpu.memory_space<vmem>> -> memref<128xi32, #tpu.memory_space<vmem>>
    %dma_start3A_48 = arith.constant 0 : i32
    %dma_start3A_49 = arith.constant 0 : i32
    %dma_start3A_50 = tpu.memref_slice %arg2[%dma_start3A_48, %dma_start3A_49] : memref<10000x128xf32, #tpu.memory_space<hbm>> -> memref<10000x128xf32, #tpu.memory_space<hbm>>
    %dma_start3A_51 = tpu.memref_slice %arg9[%dma_start3A_40] : memref<2x!tpu.dma_semaphore, #tpu.memory_space<semaphore_mem>> -> memref<1x!tpu.dma_semaphore, #tpu.memory_space<semaphore_mem>>
    %dma_start3A_52 = tpu.memref_squeeze %dma_start3A_51 : memref<1x!tpu.dma_semaphore, #tpu.memory_space<semaphore_mem>> -> memref<!tpu.dma_semaphore, #tpu.memory_space<semaphore_mem>>
    tpu.enqueue_indirect_dma source(%dma_start3A_50 : memref<10000x128xf32, #tpu.memory_space<hbm>>) target(%dma_start3A_44 : memref<128x128xf32, #tpu.memory_space<vmem>>) offsets(%dma_start3A_47 : memref<128xi32, #tpu.memory_space<vmem>>) semaphore(%dma_start3A_52 : memref<!tpu.dma_semaphore, #tpu.memory_space<semaphore_mem>>)
    %dma_start3A_53 = arith.constant 1 : i32
    %dma_start3A_54 = arith.constant 0 : i32
    %dma_start3A_55 = arith.constant 1 : i32
    %dma_start3A_56 = arith.constant 1 : i32
    %dma_start3A_57 = arith.constant 0 : i32
    %dma_start3A_58 = arith.constant 0 : i32
    %dma_start3A_59 = tpu.memref_slice %arg7[%dma_start3A_55, %dma_start3A_57, %dma_start3A_58] : memref<2x128x128xf32, #tpu.memory_space<vmem>> -> memref<1x128x128xf32, #tpu.memory_space<vmem>>
    %dma_start3A_60 = tpu.memref_squeeze %dma_start3A_59 : memref<1x128x128xf32, #tpu.memory_space<vmem>> -> memref<128x128xf32, #tpu.memory_space<vmem>>
    %dma_start3A_61 = arith.constant 0 : i32
    %dma_start3A_62 = tpu.memref_slice %arg6[%dma_start3A_53, %dma_start3A_54, %dma_start3A_61] : memref<40x2x128xi32, #tpu.memory_space<vmem>> -> memref<1x1x128xi32, #tpu.memory_space<vmem>>
    %dma_start3A_63 = tpu.memref_squeeze %dma_start3A_62 : memref<1x1x128xi32, #tpu.memory_space<vmem>> -> memref<128xi32, #tpu.memory_space<vmem>>
    %dma_start3A_64 = arith.constant 0 : i32
    %dma_start3A_65 = arith.constant 0 : i32
    %dma_start3A_66 = tpu.memref_slice %arg2[%dma_start3A_64, %dma_start3A_65] : memref<10000x128xf32, #tpu.memory_space<hbm>> -> memref<10000x128xf32, #tpu.memory_space<hbm>>
    %dma_start3A_67 = tpu.memref_slice %arg9[%dma_start3A_56] : memref<2x!tpu.dma_semaphore, #tpu.memory_space<semaphore_mem>> -> memref<1x!tpu.dma_semaphore, #tpu.memory_space<semaphore_mem>>
    %dma_start3A_68 = tpu.memref_squeeze %dma_start3A_67 : memref<1x!tpu.dma_semaphore, #tpu.memory_space<semaphore_mem>> -> memref<!tpu.dma_semaphore, #tpu.memory_space<semaphore_mem>>
    tpu.enqueue_indirect_dma source(%dma_start3A_66 : memref<10000x128xf32, #tpu.memory_space<hbm>>) target(%dma_start3A_60 : memref<128x128xf32, #tpu.memory_space<vmem>>) offsets(%dma_start3A_63 : memref<128xi32, #tpu.memory_space<vmem>>) semaphore(%dma_start3A_68 : memref<!tpu.dma_semaphore, #tpu.memory_space<semaphore_mem>>)
    %scan3A_69 = arith.constant 0 : i32
    %scan3A_70 = arith.constant 0 : i32
    %scan3A_71 = arith.constant 20 : i32
    %scan3A_72 = arith.addi %scan3A_70, %scan3A_71 : i32
    %scan3A_73 = arith.constant 1 : i32
    scf.for %scan3A_76 = %scan3A_70 to %scan3A_72 step %scan3A_73  : i32 {
      %mul3A_77 = arith.constant 2 : i32
      %mul3A_78 = arith.muli %scan3A_76, %mul3A_77 : i32
      %add3A = arith.constant 0 : i32
      %add3A_79 = arith.addi %mul3A_78, %add3A : i32
      %dma_wait3A = arith.constant 0 : i32
      %dma_wait3A_80 = arith.constant 0 : i32
      %dma_wait3A_81 = arith.constant 0 : i32
      %dma_wait3A_82 = arith.constant 0 : i32
      %dma_wait3A_83 = arith.constant 0 : i32
      %dma_wait3A_84 = tpu.memref_slice %arg7[%dma_wait3A_80, %dma_wait3A_82, %dma_wait3A_83] : memref<2x128x128xf32, #tpu.memory_space<vmem>> -> memref<1x128x128xf32, #tpu.memory_space<vmem>>
      %dma_wait3A_85 = tpu.memref_squeeze %dma_wait3A_84 : memref<1x128x128xf32, #tpu.memory_space<vmem>> -> memref<128x128xf32, #tpu.memory_space<vmem>>
      %dma_wait3A_86 = arith.constant 0 : i32
      %dma_wait3A_87 = tpu.memref_slice %arg6[%add3A_79, %dma_wait3A, %dma_wait3A_86] : memref<40x2x128xi32, #tpu.memory_space<vmem>> -> memref<1x1x128xi32, #tpu.memory_space<vmem>>
      %dma_wait3A_88 = tpu.memref_squeeze %dma_wait3A_87 : memref<1x1x128xi32, #tpu.memory_space<vmem>> -> memref<128xi32, #tpu.memory_space<vmem>>
      %dma_wait3A_89 = arith.constant 0 : i32
      %dma_wait3A_90 = arith.constant 0 : i32
      %dma_wait3A_91 = tpu.memref_slice %arg2[%dma_wait3A_89, %dma_wait3A_90] : memref<10000x128xf32, #tpu.memory_space<hbm>> -> memref<10000x128xf32, #tpu.memory_space<hbm>>
      %dma_wait3A_92 = tpu.memref_slice %arg9[%dma_wait3A_81] : memref<2x!tpu.dma_semaphore, #tpu.memory_space<semaphore_mem>> -> memref<1x!tpu.dma_semaphore, #tpu.memory_space<semaphore_mem>>
      %dma_wait3A_93 = tpu.memref_squeeze %dma_wait3A_92 : memref<1x!tpu.dma_semaphore, #tpu.memory_space<semaphore_mem>> -> memref<!tpu.dma_semaphore, #tpu.memory_space<semaphore_mem>>
      tpu.wait_indirect_dma semaphore(%dma_wait3A_93 : memref<!tpu.dma_semaphore, #tpu.memory_space<semaphore_mem>>) src(%dma_wait3A_91 : memref<10000x128xf32, #tpu.memory_space<hbm>>) dst(%dma_wait3A_85 : memref<128x128xf32, #tpu.memory_space<vmem>>)
      %dma_start3A_94 = arith.constant 0 : i32
      %dma_start3A_95 = arith.constant 1 : i32
      %dma_start3A_96 = arith.constant 0 : i32
      %dma_start3A_97 = arith.constant 0 : i32
      %dma_start3A_98 = arith.constant 0 : i32
      %dma_start3A_99 = tpu.memref_slice %arg7[%dma_start3A_94, %dma_start3A_97, %dma_start3A_98] : memref<2x128x128xf32, #tpu.memory_space<vmem>> -> memref<1x128x128xf32, #tpu.memory_space<vmem>>
      %dma_start3A_100 = tpu.memref_squeeze %dma_start3A_99 : memref<1x128x128xf32, #tpu.memory_space<vmem>> -> memref<128x128xf32, #tpu.memory_space<vmem>>
      %dma_start3A_101 = arith.constant 0 : i32
      %dma_start3A_102 = tpu.memref_slice %arg6[%add3A_79, %dma_start3A_95, %dma_start3A_101] : memref<40x2x128xi32, #tpu.memory_space<vmem>> -> memref<1x1x128xi32, #tpu.memory_space<vmem>>
      %dma_start3A_103 = tpu.memref_squeeze %dma_start3A_102 : memref<1x1x128xi32, #tpu.memory_space<vmem>> -> memref<128xi32, #tpu.memory_space<vmem>>
      %dma_start3A_104 = arith.constant 0 : i32
      %dma_start3A_105 = arith.constant 0 : i32
      %dma_start3A_106 = tpu.memref_slice %arg8[%dma_start3A_104, %dma_start3A_105] : memref<10240x128xf32, #tpu.memory_space<vmem_shared>> -> memref<10240x128xf32, #tpu.memory_space<vmem_shared>>
      %dma_start3A_107 = tpu.memref_slice %arg10[%dma_start3A_96] : memref<2x!tpu.dma_semaphore, #tpu.memory_space<semaphore_mem>> -> memref<1x!tpu.dma_semaphore, #tpu.memory_space<semaphore_mem>>
      %dma_start3A_108 = tpu.memref_squeeze %dma_start3A_107 : memref<1x!tpu.dma_semaphore, #tpu.memory_space<semaphore_mem>> -> memref<!tpu.dma_semaphore, #tpu.memory_space<semaphore_mem>>
      tpu.enqueue_indirect_dma source(%dma_start3A_100 : memref<128x128xf32, #tpu.memory_space<vmem>>) target(%dma_start3A_106 : memref<10240x128xf32, #tpu.memory_space<vmem_shared>>) offsets(%dma_start3A_103 : memref<128xi32, #tpu.memory_space<vmem>>) semaphore(%dma_start3A_108 : memref<!tpu.dma_semaphore, #tpu.memory_space<semaphore_mem>>) {add = true}
      %dma_wait3A_109 = arith.constant 0 : i32
      %dma_wait3A_110 = arith.constant 1 : i32
      %dma_wait3A_111 = arith.constant 0 : i32
      %dma_wait3A_112 = arith.constant 0 : i32
      %dma_wait3A_113 = arith.constant 0 : i32
      %dma_wait3A_114 = tpu.memref_slice %arg7[%dma_wait3A_109, %dma_wait3A_112, %dma_wait3A_113] : memref<2x128x128xf32, #tpu.memory_space<vmem>> -> memref<1x128x128xf32, #tpu.memory_space<vmem>>
      %dma_wait3A_115 = tpu.memref_squeeze %dma_wait3A_114 : memref<1x128x128xf32, #tpu.memory_space<vmem>> -> memref<128x128xf32, #tpu.memory_space<vmem>>
      %dma_wait3A_116 = arith.constant 0 : i32
      %dma_wait3A_117 = tpu.memref_slice %arg6[%add3A_79, %dma_wait3A_110, %dma_wait3A_116] : memref<40x2x128xi32, #tpu.memory_space<vmem>> -> memref<1x1x128xi32, #tpu.memory_space<vmem>>
      %dma_wait3A_118 = tpu.memref_squeeze %dma_wait3A_117 : memref<1x1x128xi32, #tpu.memory_space<vmem>> -> memref<128xi32, #tpu.memory_space<vmem>>
      %dma_wait3A_119 = arith.constant 0 : i32
      %dma_wait3A_120 = arith.constant 0 : i32
      %dma_wait3A_121 = tpu.memref_slice %arg8[%dma_wait3A_119, %dma_wait3A_120] : memref<10240x128xf32, #tpu.memory_space<vmem_shared>> -> memref<10240x128xf32, #tpu.memory_space<vmem_shared>>
      %dma_wait3A_122 = tpu.memref_slice %arg10[%dma_wait3A_111] : memref<2x!tpu.dma_semaphore, #tpu.memory_space<semaphore_mem>> -> memref<1x!tpu.dma_semaphore, #tpu.memory_space<semaphore_mem>>
      %dma_wait3A_123 = tpu.memref_squeeze %dma_wait3A_122 : memref<1x!tpu.dma_semaphore, #tpu.memory_space<semaphore_mem>> -> memref<!tpu.dma_semaphore, #tpu.memory_space<semaphore_mem>>
      tpu.wait_indirect_dma semaphore(%dma_wait3A_123 : memref<!tpu.dma_semaphore, #tpu.memory_space<semaphore_mem>>) src(%dma_wait3A_115 : memref<128x128xf32, #tpu.memory_space<vmem>>) dst(%dma_wait3A_121 : memref<10240x128xf32, #tpu.memory_space<vmem_shared>>)
      %add3A_124 = arith.constant 2 : i32
      %add3A_125 = arith.addi %add3A_79, %add3A_124 : i32
      %lt3A = arith.constant 40 : i32
      %lt3A_126 = arith.cmpi slt, %add3A_125, %lt3A : i32
      %convert_element_type3A = arith.extui %lt3A_126 : i1 to i32
      %cond3A = arith.constant 0 : i32
      %cond3A_127 = arith.cmpi ne, %convert_element_type3A, %cond3A : i32
      scf.if %cond3A_127 {
        %add3A_182 = arith.constant 2 : i32
        %add3A_183 = arith.addi %add3A_79, %add3A_182 : i32
        %dma_start3A_184 = arith.constant 0 : i32
        %dma_start3A_185 = arith.constant 0 : i32
        %dma_start3A_186 = arith.constant 0 : i32
        %dma_start3A_187 = arith.constant 0 : i32
        %dma_start3A_188 = arith.constant 0 : i32
        %dma_start3A_189 = tpu.memref_slice %arg7[%dma_start3A_185, %dma_start3A_187, %dma_start3A_188] : memref<2x128x128xf32, #tpu.memory_space<vmem>> -> memref<1x128x128xf32, #tpu.memory_space<vmem>>
        %dma_start3A_190 = tpu.memref_squeeze %dma_start3A_189 : memref<1x128x128xf32, #tpu.memory_space<vmem>> -> memref<128x128xf32, #tpu.memory_space<vmem>>
        %dma_start3A_191 = arith.constant 0 : i32
        %dma_start3A_192 = tpu.memref_slice %arg6[%add3A_183, %dma_start3A_184, %dma_start3A_191] : memref<40x2x128xi32, #tpu.memory_space<vmem>> -> memref<1x1x128xi32, #tpu.memory_space<vmem>>
        %dma_start3A_193 = tpu.memref_squeeze %dma_start3A_192 : memref<1x1x128xi32, #tpu.memory_space<vmem>> -> memref<128xi32, #tpu.memory_space<vmem>>
        %dma_start3A_194 = arith.constant 0 : i32
        %dma_start3A_195 = arith.constant 0 : i32
        %dma_start3A_196 = tpu.memref_slice %arg2[%dma_start3A_194, %dma_start3A_195] : memref<10000x128xf32, #tpu.memory_space<hbm>> -> memref<10000x128xf32, #tpu.memory_space<hbm>>
        %dma_start3A_197 = tpu.memref_slice %arg9[%dma_start3A_186] : memref<2x!tpu.dma_semaphore, #tpu.memory_space<semaphore_mem>> -> memref<1x!tpu.dma_semaphore, #tpu.memory_space<semaphore_mem>>
        %dma_start3A_198 = tpu.memref_squeeze %dma_start3A_197 : memref<1x!tpu.dma_semaphore, #tpu.memory_space<semaphore_mem>> -> memref<!tpu.dma_semaphore, #tpu.memory_space<semaphore_mem>>
        tpu.enqueue_indirect_dma source(%dma_start3A_196 : memref<10000x128xf32, #tpu.memory_space<hbm>>) target(%dma_start3A_190 : memref<128x128xf32, #tpu.memory_space<vmem>>) offsets(%dma_start3A_193 : memref<128xi32, #tpu.memory_space<vmem>>) semaphore(%dma_start3A_198 : memref<!tpu.dma_semaphore, #tpu.memory_space<semaphore_mem>>)
      } else {
      }
      %add3A_128 = arith.constant 1 : i32
      %add3A_129 = arith.addi %mul3A_78, %add3A_128 : i32
      %dma_wait3A_130 = arith.constant 0 : i32
      %dma_wait3A_131 = arith.constant 1 : i32
      %dma_wait3A_132 = arith.constant 1 : i32
      %dma_wait3A_133 = arith.constant 0 : i32
      %dma_wait3A_134 = arith.constant 0 : i32
      %dma_wait3A_135 = tpu.memref_slice %arg7[%dma_wait3A_131, %dma_wait3A_133, %dma_wait3A_134] : memref<2x128x128xf32, #tpu.memory_space<vmem>> -> memref<1x128x128xf32, #tpu.memory_space<vmem>>
      %dma_wait3A_136 = tpu.memref_squeeze %dma_wait3A_135 : memref<1x128x128xf32, #tpu.memory_space<vmem>> -> memref<128x128xf32, #tpu.memory_space<vmem>>
      %dma_wait3A_137 = arith.constant 0 : i32
      %dma_wait3A_138 = tpu.memref_slice %arg6[%add3A_129, %dma_wait3A_130, %dma_wait3A_137] : memref<40x2x128xi32, #tpu.memory_space<vmem>> -> memref<1x1x128xi32, #tpu.memory_space<vmem>>
      %dma_wait3A_139 = tpu.memref_squeeze %dma_wait3A_138 : memref<1x1x128xi32, #tpu.memory_space<vmem>> -> memref<128xi32, #tpu.memory_space<vmem>>
      %dma_wait3A_140 = arith.constant 0 : i32
      %dma_wait3A_141 = arith.constant 0 : i32
      %dma_wait3A_142 = tpu.memref_slice %arg2[%dma_wait3A_140, %dma_wait3A_141] : memref<10000x128xf32, #tpu.memory_space<hbm>> -> memref<10000x128xf32, #tpu.memory_space<hbm>>
      %dma_wait3A_143 = tpu.memref_slice %arg9[%dma_wait3A_132] : memref<2x!tpu.dma_semaphore, #tpu.memory_space<semaphore_mem>> -> memref<1x!tpu.dma_semaphore, #tpu.memory_space<semaphore_mem>>
      %dma_wait3A_144 = tpu.memref_squeeze %dma_wait3A_143 : memref<1x!tpu.dma_semaphore, #tpu.memory_space<semaphore_mem>> -> memref<!tpu.dma_semaphore, #tpu.memory_space<semaphore_mem>>
      tpu.wait_indirect_dma semaphore(%dma_wait3A_144 : memref<!tpu.dma_semaphore, #tpu.memory_space<semaphore_mem>>) src(%dma_wait3A_142 : memref<10000x128xf32, #tpu.memory_space<hbm>>) dst(%dma_wait3A_136 : memref<128x128xf32, #tpu.memory_space<vmem>>)
      %dma_start3A_145 = arith.constant 1 : i32
      %dma_start3A_146 = arith.constant 1 : i32
      %dma_start3A_147 = arith.constant 1 : i32
      %dma_start3A_148 = arith.constant 0 : i32
      %dma_start3A_149 = arith.constant 0 : i32
      %dma_start3A_150 = tpu.memref_slice %arg7[%dma_start3A_145, %dma_start3A_148, %dma_start3A_149] : memref<2x128x128xf32, #tpu.memory_space<vmem>> -> memref<1x128x128xf32, #tpu.memory_space<vmem>>
      %dma_start3A_151 = tpu.memref_squeeze %dma_start3A_150 : memref<1x128x128xf32, #tpu.memory_space<vmem>> -> memref<128x128xf32, #tpu.memory_space<vmem>>
      %dma_start3A_152 = arith.constant 0 : i32
      %dma_start3A_153 = tpu.memref_slice %arg6[%add3A_129, %dma_start3A_146, %dma_start3A_152] : memref<40x2x128xi32, #tpu.memory_space<vmem>> -> memref<1x1x128xi32, #tpu.memory_space<vmem>>
      %dma_start3A_154 = tpu.memref_squeeze %dma_start3A_153 : memref<1x1x128xi32, #tpu.memory_space<vmem>> -> memref<128xi32, #tpu.memory_space<vmem>>
      %dma_start3A_155 = arith.constant 0 : i32
      %dma_start3A_156 = arith.constant 0 : i32
      %dma_start3A_157 = tpu.memref_slice %arg8[%dma_start3A_155, %dma_start3A_156] : memref<10240x128xf32, #tpu.memory_space<vmem_shared>> -> memref<10240x128xf32, #tpu.memory_space<vmem_shared>>
      %dma_start3A_158 = tpu.memref_slice %arg10[%dma_start3A_147] : memref<2x!tpu.dma_semaphore, #tpu.memory_space<semaphore_mem>> -> memref<1x!tpu.dma_semaphore, #tpu.memory_space<semaphore_mem>>
      %dma_start3A_159 = tpu.memref_squeeze %dma_start3A_158 : memref<1x!tpu.dma_semaphore, #tpu.memory_space<semaphore_mem>> -> memref<!tpu.dma_semaphore, #tpu.memory_space<semaphore_mem>>
      tpu.enqueue_indirect_dma source(%dma_start3A_151 : memref<128x128xf32, #tpu.memory_space<vmem>>) target(%dma_start3A_157 : memref<10240x128xf32, #tpu.memory_space<vmem_shared>>) offsets(%dma_start3A_154 : memref<128xi32, #tpu.memory_space<vmem>>) semaphore(%dma_start3A_159 : memref<!tpu.dma_semaphore, #tpu.memory_space<semaphore_mem>>) {add = true}
      %dma_wait3A_160 = arith.constant 1 : i32
      %dma_wait3A_161 = arith.constant 1 : i32
      %dma_wait3A_162 = arith.constant 1 : i32
      %dma_wait3A_163 = arith.constant 0 : i32
      %dma_wait3A_164 = arith.constant 0 : i32
      %dma_wait3A_165 = tpu.memref_slice %arg7[%dma_wait3A_160, %dma_wait3A_163, %dma_wait3A_164] : memref<2x128x128xf32, #tpu.memory_space<vmem>> -> memref<1x128x128xf32, #tpu.memory_space<vmem>>
      %dma_wait3A_166 = tpu.memref_squeeze %dma_wait3A_165 : memref<1x128x128xf32, #tpu.memory_space<vmem>> -> memref<128x128xf32, #tpu.memory_space<vmem>>
      %dma_wait3A_167 = arith.constant 0 : i32
      %dma_wait3A_168 = tpu.memref_slice %arg6[%add3A_129, %dma_wait3A_161, %dma_wait3A_167] : memref<40x2x128xi32, #tpu.memory_space<vmem>> -> memref<1x1x128xi32, #tpu.memory_space<vmem>>
      %dma_wait3A_169 = tpu.memref_squeeze %dma_wait3A_168 : memref<1x1x128xi32, #tpu.memory_space<vmem>> -> memref<128xi32, #tpu.memory_space<vmem>>
      %dma_wait3A_170 = arith.constant 0 : i32
      %dma_wait3A_171 = arith.constant 0 : i32
      %dma_wait3A_172 = tpu.memref_slice %arg8[%dma_wait3A_170, %dma_wait3A_171] : memref<10240x128xf32, #tpu.memory_space<vmem_shared>> -> memref<10240x128xf32, #tpu.memory_space<vmem_shared>>
      %dma_wait3A_173 = tpu.memref_slice %arg10[%dma_wait3A_162] : memref<2x!tpu.dma_semaphore, #tpu.memory_space<semaphore_mem>> -> memref<1x!tpu.dma_semaphore, #tpu.memory_space<semaphore_mem>>
      %dma_wait3A_174 = tpu.memref_squeeze %dma_wait3A_173 : memref<1x!tpu.dma_semaphore, #tpu.memory_space<semaphore_mem>> -> memref<!tpu.dma_semaphore, #tpu.memory_space<semaphore_mem>>
      tpu.wait_indirect_dma semaphore(%dma_wait3A_174 : memref<!tpu.dma_semaphore, #tpu.memory_space<semaphore_mem>>) src(%dma_wait3A_166 : memref<128x128xf32, #tpu.memory_space<vmem>>) dst(%dma_wait3A_172 : memref<10240x128xf32, #tpu.memory_space<vmem_shared>>)
      %add3A_175 = arith.constant 2 : i32
      %add3A_176 = arith.addi %add3A_129, %add3A_175 : i32
      %lt3A_177 = arith.constant 40 : i32
      %lt3A_178 = arith.cmpi slt, %add3A_176, %lt3A_177 : i32
      %convert_element_type3A_179 = arith.extui %lt3A_178 : i1 to i32
      %cond3A_180 = arith.constant 0 : i32
      %cond3A_181 = arith.cmpi ne, %convert_element_type3A_179, %cond3A_180 : i32
      scf.if %cond3A_181 {
        %add3A_182 = arith.constant 2 : i32
        %add3A_183 = arith.addi %add3A_129, %add3A_182 : i32
        %dma_start3A_184 = arith.constant 0 : i32
        %dma_start3A_185 = arith.constant 1 : i32
        %dma_start3A_186 = arith.constant 1 : i32
        %dma_start3A_187 = arith.constant 0 : i32
        %dma_start3A_188 = arith.constant 0 : i32
        %dma_start3A_189 = tpu.memref_slice %arg7[%dma_start3A_185, %dma_start3A_187, %dma_start3A_188] : memref<2x128x128xf32, #tpu.memory_space<vmem>> -> memref<1x128x128xf32, #tpu.memory_space<vmem>>
        %dma_start3A_190 = tpu.memref_squeeze %dma_start3A_189 : memref<1x128x128xf32, #tpu.memory_space<vmem>> -> memref<128x128xf32, #tpu.memory_space<vmem>>
        %dma_start3A_191 = arith.constant 0 : i32
        %dma_start3A_192 = tpu.memref_slice %arg6[%add3A_183, %dma_start3A_184, %dma_start3A_191] : memref<40x2x128xi32, #tpu.memory_space<vmem>> -> memref<1x1x128xi32, #tpu.memory_space<vmem>>
        %dma_start3A_193 = tpu.memref_squeeze %dma_start3A_192 : memref<1x1x128xi32, #tpu.memory_space<vmem>> -> memref<128xi32, #tpu.memory_space<vmem>>
        %dma_start3A_194 = arith.constant 0 : i32
        %dma_start3A_195 = arith.constant 0 : i32
        %dma_start3A_196 = tpu.memref_slice %arg2[%dma_start3A_194, %dma_start3A_195] : memref<10000x128xf32, #tpu.memory_space<hbm>> -> memref<10000x128xf32, #tpu.memory_space<hbm>>
        %dma_start3A_197 = tpu.memref_slice %arg9[%dma_start3A_186] : memref<2x!tpu.dma_semaphore, #tpu.memory_space<semaphore_mem>> -> memref<1x!tpu.dma_semaphore, #tpu.memory_space<semaphore_mem>>
        %dma_start3A_198 = tpu.memref_squeeze %dma_start3A_197 : memref<1x!tpu.dma_semaphore, #tpu.memory_space<semaphore_mem>> -> memref<!tpu.dma_semaphore, #tpu.memory_space<semaphore_mem>>
        tpu.enqueue_indirect_dma source(%dma_start3A_196 : memref<10000x128xf32, #tpu.memory_space<hbm>>) target(%dma_start3A_190 : memref<128x128xf32, #tpu.memory_space<vmem>>) offsets(%dma_start3A_193 : memref<128xi32, #tpu.memory_space<vmem>>) semaphore(%dma_start3A_198 : memref<!tpu.dma_semaphore, #tpu.memory_space<semaphore_mem>>)
      } else {
      }
    }
    %scan3A_74 = arith.constant 20 : i32
    %barrier3A_75 = arith.constant 0 : index
    tpu.barrier barrier_id(%barrier3A_75)
    "tpu.region"() ({
      %run_scoped3A = tpu.sem_alloc : memref<!tpu.dma_semaphore, #tpu.memory_space<semaphore_mem>>
      %dma_start3A_76 = arith.constant 0 : i32
      %dma_start3A_77 = tpu.memref_slice %arg5[%arg0, %mul3A_0, %dma_start3A_76] : memref<2x10240x128xf32, #tpu.memory_space<hbm>> -> memref<1x640x128xf32, #tpu.memory_space<hbm>>
      %dma_start3A_78 = tpu.memref_squeeze %dma_start3A_77 : memref<1x640x128xf32, #tpu.memory_space<hbm>> -> memref<640x128xf32, #tpu.memory_space<hbm>>
      %dma_start3A_79 = arith.constant 0 : i32
      %dma_start3A_80 = tpu.memref_slice %arg8[%mul3A_0, %dma_start3A_79] : memref<10240x128xf32, #tpu.memory_space<vmem_shared>> -> memref<640x128xf32, #tpu.memory_space<vmem_shared>>
      tpu.enqueue_dma source(%dma_start3A_80 : memref<640x128xf32, #tpu.memory_space<vmem_shared>>) target(%dma_start3A_78 : memref<640x128xf32, #tpu.memory_space<hbm>>) target_semaphore(%run_scoped3A : memref<!tpu.dma_semaphore, #tpu.memory_space<semaphore_mem>>)
      %dma_wait3A = arith.constant 0 : i32
      %dma_wait3A_81 = tpu.memref_slice %arg5[%arg0, %mul3A_0, %dma_wait3A] : memref<2x10240x128xf32, #tpu.memory_space<hbm>> -> memref<1x640x128xf32, #tpu.memory_space<hbm>>
      %dma_wait3A_82 = tpu.memref_squeeze %dma_wait3A_81 : memref<1x640x128xf32, #tpu.memory_space<hbm>> -> memref<640x128xf32, #tpu.memory_space<hbm>>
      %dma_wait3A_83 = arith.constant 0 : i32
      %dma_wait3A_84 = tpu.memref_slice %arg8[%mul3A_0, %dma_wait3A_83] : memref<10240x128xf32, #tpu.memory_space<vmem_shared>> -> memref<640x128xf32, #tpu.memory_space<vmem_shared>>
      tpu.wait_dma2 semaphore(%run_scoped3A : memref<!tpu.dma_semaphore, #tpu.memory_space<semaphore_mem>>) src(%dma_wait3A_84 : memref<640x128xf32, #tpu.memory_space<vmem_shared>>) dst(%dma_wait3A_82 : memref<640x128xf32, #tpu.memory_space<hbm>>)
      tpu.yield
    }) : () -> ()
    return
  }
}

module attributes {stable_mosaic.version = 14 : i64} {
  func.func @_prep_body(%arg0: i32, %arg1: memref<1000x128xf32, #tpu.memory_space<vmem>>, %arg2: memref<1000x128xf32, #tpu.memory_space<vmem>>, %arg3: memref<1000x128xf32, #tpu.memory_space<vmem>>, %arg4: memref<1000x1xf32, #tpu.memory_space<vmem>>, %arg5: memref<1000x1xf32, #tpu.memory_space<vmem>>, %arg6: memref<1000x128xf32, #tpu.memory_space<vmem>>) attributes {dimension_semantics = [#tpu.dimension_semantics<arbitrary>], iteration_bounds = array<i64: 10>, scalar_prefetch = 0 : i64, scratch_operands = 0 : i64, tpu.core_type = #tpu.core_type<tc>, window_params = [{transform_indices = @transform_0, window_bounds = array<i64: 1000, 128>}, {transform_indices = @transform_1, window_bounds = array<i64: 1000, 128>}, {transform_indices = @transform_2, window_bounds = array<i64: 1000, 128>}, {transform_indices = @transform_3, window_bounds = array<i64: 1000, 1>}, {transform_indices = @transform_4, window_bounds = array<i64: 1000, 1>}, {transform_indices = @transform_5, window_bounds = array<i64: 1000, 128>}]} {
    %get3A = arith.constant 0 : index
    %get3A_0 = arith.constant 0 : index
    %get3A_1 = vector.load %arg1[%get3A, %get3A_0] : memref<1000x128xf32, #tpu.memory_space<vmem>>, vector<1000x1xf32>
    %get3A_2 = arith.constant 0 : index
    %get3A_3 = arith.constant 0 : index
    %get3A_4 = vector.load %arg2[%get3A_2, %get3A_3] : memref<1000x128xf32, #tpu.memory_space<vmem>>, vector<1000x1xf32>
    %add3A = arith.addf %get3A_1, %get3A_4 : vector<1000x1xf32>
    %add3A_5 = arith.constant 1.000000e+00 : f32
    %add3A_6 = vector.broadcast %add3A_5 : f32 to vector<1000x1xf32>
    %add3A_7 = arith.addf %add3A, %add3A_6 : vector<1000x1xf32>
    %rsqrt3A = math.rsqrt %add3A_7 : vector<1000x1xf32>
    %swap3A = arith.constant 0 : index
    %swap3A_8 = arith.constant 0 : index
    %swap3A_9 = vector.load %arg4[%swap3A, %swap3A_8] : memref<1000x1xf32, #tpu.memory_space<vmem>>, vector<1000x1xf32>
    tpu.vector_store %arg4[%swap3A, %swap3A_8], %rsqrt3A {strides = array<i32>} : memref<1000x1xf32, #tpu.memory_space<vmem>>, vector<1000x1xf32>,
    %div3A = arith.constant 1.000000e+00 : f32
    %div3A_10 = vector.broadcast %div3A : f32 to vector<1000x1xf32>
    %div3A_11 = arith.divf %div3A_10, %add3A_7 : vector<1000x1xf32>
    %swap3A_12 = arith.constant 0 : index
    %swap3A_13 = arith.constant 0 : index
    %swap3A_14 = vector.load %arg5[%swap3A_12, %swap3A_13] : memref<1000x1xf32, #tpu.memory_space<vmem>>, vector<1000x1xf32>
    tpu.vector_store %arg5[%swap3A_12, %swap3A_13], %div3A_11 {strides = array<i32>} : memref<1000x1xf32, #tpu.memory_space<vmem>>, vector<1000x1xf32>,
    %get3A_15 = arith.constant 0 : index
    %get3A_16 = arith.constant 0 : index
    %get3A_17 = vector.load %arg3[%get3A_15, %get3A_16] : memref<1000x128xf32, #tpu.memory_space<vmem>>, vector<1000x128xf32>
    %mul3A = vector.broadcast %rsqrt3A : vector<1000x1xf32> to vector<1000x128xf32>
    %mul3A_18 = arith.mulf %get3A_17, %mul3A : vector<1000x128xf32>
    %swap3A_19 = arith.constant 0 : index
    %swap3A_20 = arith.constant 0 : index
    %swap3A_21 = vector.load %arg6[%swap3A_19, %swap3A_20] : memref<1000x128xf32, #tpu.memory_space<vmem>>, vector<1000x128xf32>
    tpu.vector_store %arg6[%swap3A_19, %swap3A_20], %mul3A_18 {strides = array<i32>} : memref<1000x128xf32, #tpu.memory_space<vmem>>, vector<1000x128xf32>,
    return
  }
  func.func @transform_0(%arg0: i32) -> (i32, i32) {
    %c0_i32 = arith.constant 0 : i32
    %c0_i32_0 = arith.constant 0 : i32
    return %arg0, %c0_i32 : i32, i32
  }
  func.func @transform_1(%arg0: i32) -> (i32, i32) {
    %c0_i32 = arith.constant 0 : i32
    %c0_i32_0 = arith.constant 0 : i32
    return %arg0, %c0_i32 : i32, i32
  }
  func.func @transform_2(%arg0: i32) -> (i32, i32) {
    %c0_i32 = arith.constant 0 : i32
    %c0_i32_0 = arith.constant 0 : i32
    return %arg0, %c0_i32 : i32, i32
  }
  func.func @transform_3(%arg0: i32) -> (i32, i32) {
    %c0_i32 = arith.constant 0 : i32
    %c0_i32_0 = arith.constant 0 : i32
    return %arg0, %c0_i32 : i32, i32
  }
  func.func @transform_4(%arg0: i32) -> (i32, i32) {
    %c0_i32 = arith.constant 0 : i32
    %c0_i32_0 = arith.constant 0 : i32
    return %arg0, %c0_i32 : i32, i32
  }
  func.func @transform_5(%arg0: i32) -> (i32, i32) {
    %c0_i32 = arith.constant 0 : i32
    %c0_i32_0 = arith.constant 0 : i32
    return %arg0, %c0_i32 : i32, i32
  }
}

module attributes {stable_mosaic.version = 14 : i64} {
  func.func @_layer1_body(%arg0: i32, %arg1: memref<2x1000x128xf32, #tpu.memory_space<vmem>>, %arg2: memref<1000x128xf32, #tpu.memory_space<vmem>>, %arg3: memref<1000x1xf32, #tpu.memory_space<vmem>>, %arg4: memref<1000x1xf32, #tpu.memory_space<vmem>>, %arg5: memref<128x256xf32, #tpu.memory_space<vmem>>, %arg6: memref<1x256xf32, #tpu.memory_space<vmem>>, %arg7: memref<1000x128xf32, #tpu.memory_space<vmem>>, %arg8: memref<1000x128xf32, #tpu.memory_space<vmem>>, %arg9: memref<1000x256xf32, #tpu.memory_space<vmem>>) attributes {dimension_semantics = [#tpu.dimension_semantics<arbitrary>], iteration_bounds = array<i64: 10>, scalar_prefetch = 0 : i64, scratch_operands = 0 : i64, tpu.core_type = #tpu.core_type<tc>, window_params = [{transform_indices = @transform_0, window_bounds = array<i64: 2, 1000, 128>}, {transform_indices = @transform_1, window_bounds = array<i64: 1000, 128>}, {transform_indices = @transform_2, window_bounds = array<i64: 1000, 1>}, {transform_indices = @transform_3, window_bounds = array<i64: 1000, 1>}, {pipeline_mode = #tpu.pipeline_mode<synchronous>, transform_indices = @transform_4, window_bounds = array<i64: 128, 256>}, {pipeline_mode = #tpu.pipeline_mode<synchronous>, transform_indices = @transform_5, window_bounds = array<i64: 1, 256>}, {transform_indices = @transform_6, window_bounds = array<i64: 1000, 128>}, {transform_indices = @transform_7, window_bounds = array<i64: 1000, 128>}, {transform_indices = @transform_8, window_bounds = array<i64: 1000, 256>}]} {
    %get3A = arith.constant 0 : index
    %get3A_0 = arith.constant 0 : index
    %get3A_1 = vector.load %arg3[%get3A, %get3A_0] : memref<1000x1xf32, #tpu.memory_space<vmem>>, vector<1000x1xf32>
    %get3A_2 = arith.constant 0 : index
    %get3A_3 = arith.constant 0 : index
    %get3A_4 = vector.load %arg4[%get3A_2, %get3A_3] : memref<1000x1xf32, #tpu.memory_space<vmem>>, vector<1000x1xf32>
    %get3A_5 = arith.constant 0 : index
    %get3A_6 = arith.constant 0 : index
    %get3A_7 = arith.constant 0 : index
    %get3A_8 = vector.load %arg1[%get3A_5, %get3A_6, %get3A_7] : memref<2x1000x128xf32, #tpu.memory_space<vmem>>, vector<1x1000x128xf32>
    %get3A_9 = vector.shape_cast %get3A_8 : vector<1x1000x128xf32> to vector<1000x128xf32>
    %get3A_10 = arith.constant 1 : index
    %get3A_11 = arith.constant 0 : index
    %get3A_12 = arith.constant 0 : index
    %get3A_13 = vector.load %arg1[%get3A_10, %get3A_11, %get3A_12] : memref<2x1000x128xf32, #tpu.memory_space<vmem>>, vector<1x1000x128xf32>
    %get3A_14 = vector.shape_cast %get3A_13 : vector<1x1000x128xf32> to vector<1000x128xf32>
    %add3A = arith.addf %get3A_9, %get3A_14 : vector<1000x128xf32>
    %mul3A = vector.broadcast %get3A_1 : vector<1000x1xf32> to vector<1000x128xf32>
    %mul3A_15 = arith.mulf %mul3A, %add3A : vector<1000x128xf32>
    %get3A_16 = arith.constant 0 : index
    %get3A_17 = arith.constant 0 : index
    %get3A_18 = vector.load %arg2[%get3A_16, %get3A_17] : memref<1000x128xf32, #tpu.memory_space<vmem>>, vector<1000x128xf32>
    %mul3A_19 = vector.broadcast %get3A_4 : vector<1000x1xf32> to vector<1000x128xf32>
    %mul3A_20 = arith.mulf %mul3A_19, %get3A_18 : vector<1000x128xf32>
    %add3A_21 = arith.addf %mul3A_15, %mul3A_20 : vector<1000x128xf32>
    %get3A_22 = arith.constant 0 : index
    %get3A_23 = arith.constant 0 : index
    %get3A_24 = vector.load %arg5[%get3A_22, %get3A_23] : memref<128x256xf32, #tpu.memory_space<vmem>>, vector<128x256xf32>
    %dot_general3A = arith.constant dense<0.000000e+00> : vector<1000x256xf32>
    %dot_general3A_25 = tpu.matmul %add3A_21, %get3A_24, %dot_general3A {dimension_numbers = #tpu.dot_dimension_numbers<[1], [0], [0], [1], [0, 0, 1, 1], [], []>, transpose_lhs_hint = false} : vector<1000x128xf32>, vector<128x256xf32>, vector<1000x256xf32> -> vector<1000x256xf32>
    %get3A_26 = arith.constant 0 : index
    %get3A_27 = arith.constant 0 : index
    %get3A_28 = vector.load %arg6[%get3A_26, %get3A_27] : memref<1x256xf32, #tpu.memory_space<vmem>>, vector<1x256xf32>
    %add3A_29 = vector.broadcast %get3A_28 : vector<1x256xf32> to vector<1000x256xf32>
    %add3A_30 = arith.addf %dot_general3A_25, %add3A_29 : vector<1000x256xf32>
    %max3A = arith.constant 0.000000e+00 : f32
    %max3A_31 = vector.broadcast %max3A : f32 to vector<1000x256xf32>
    %max3A_32 = arith.maximumf %add3A_30, %max3A_31 : vector<1000x256xf32>
    %mul3A_33 = vector.broadcast %get3A_1 : vector<1000x1xf32> to vector<1000x256xf32>
    %mul3A_34 = arith.mulf %max3A_32, %mul3A_33 : vector<1000x256xf32>
    %slice3A = vector.extract_strided_slice %mul3A_34 {offsets = [0, 0], sizes = [1000, 128], strides = [1, 1]} : vector<1000x256xf32> to vector<1000x128xf32>
    %swap3A = arith.constant 0 : index
    %swap3A_35 = arith.constant 0 : index
    %swap3A_36 = vector.load %arg7[%swap3A, %swap3A_35] : memref<1000x128xf32, #tpu.memory_space<vmem>>, vector<1000x128xf32>
    tpu.vector_store %arg7[%swap3A, %swap3A_35], %slice3A {strides = array<i32>} : memref<1000x128xf32, #tpu.memory_space<vmem>>, vector<1000x128xf32>,
    %slice3A_37 = vector.extract_strided_slice %mul3A_34 {offsets = [0, 128], sizes = [1000, 128], strides = [1, 1]} : vector<1000x256xf32> to vector<1000x128xf32>
    %swap3A_38 = arith.constant 0 : index
    %swap3A_39 = arith.constant 0 : index
    %swap3A_40 = vector.load %arg8[%swap3A_38, %swap3A_39] : memref<1000x128xf32, #tpu.memory_space<vmem>>, vector<1000x128xf32>
    tpu.vector_store %arg8[%swap3A_38, %swap3A_39], %slice3A_37 {strides = array<i32>} : memref<1000x128xf32, #tpu.memory_space<vmem>>, vector<1000x128xf32>,
    %mul3A_41 = vector.broadcast %get3A_4 : vector<1000x1xf32> to vector<1000x256xf32>
    %mul3A_42 = arith.mulf %max3A_32, %mul3A_41 : vector<1000x256xf32>
    %swap3A_43 = arith.constant 0 : index
    %swap3A_44 = arith.constant 0 : index
    %swap3A_45 = vector.load %arg9[%swap3A_43, %swap3A_44] : memref<1000x256xf32, #tpu.memory_space<vmem>>, vector<1000x256xf32>
    tpu.vector_store %arg9[%swap3A_43, %swap3A_44], %mul3A_42 {strides = array<i32>} : memref<1000x256xf32, #tpu.memory_space<vmem>>, vector<1000x256xf32>,
    return
  }
  func.func @transform_0(%arg0: i32) -> (i32, i32, i32) {
    %c0_i32 = arith.constant 0 : i32
    %c0_i32_0 = arith.constant 0 : i32
    %c0_i32_1 = arith.constant 0 : i32
    return %c0_i32, %arg0, %c0_i32_0 : i32, i32, i32
  }
  func.func @transform_1(%arg0: i32) -> (i32, i32) {
    %c0_i32 = arith.constant 0 : i32
    %c0_i32_0 = arith.constant 0 : i32
    return %arg0, %c0_i32 : i32, i32
  }
  func.func @transform_2(%arg0: i32) -> (i32, i32) {
    %c0_i32 = arith.constant 0 : i32
    %c0_i32_0 = arith.constant 0 : i32
    return %arg0, %c0_i32 : i32, i32
  }
  func.func @transform_3(%arg0: i32) -> (i32, i32) {
    %c0_i32 = arith.constant 0 : i32
    %c0_i32_0 = arith.constant 0 : i32
    return %arg0, %c0_i32 : i32, i32
  }
  func.func @transform_4(%arg0: i32) -> (i32, i32) {
    %c0_i32 = arith.constant 0 : i32
    %c0_i32_0 = arith.constant 0 : i32
    %c0_i32_1 = arith.constant 0 : i32
    return %c0_i32, %c0_i32_0 : i32, i32
  }
  func.func @transform_5(%arg0: i32) -> (i32, i32) {
    %c0_i32 = arith.constant 0 : i32
    %c0_i32_0 = arith.constant 0 : i32
    %c0_i32_1 = arith.constant 0 : i32
    return %c0_i32, %c0_i32_0 : i32, i32
  }
  func.func @transform_6(%arg0: i32) -> (i32, i32) {
    %c0_i32 = arith.constant 0 : i32
    %c0_i32_0 = arith.constant 0 : i32
    return %arg0, %c0_i32 : i32, i32
  }
  func.func @transform_7(%arg0: i32) -> (i32, i32) {
    %c0_i32 = arith.constant 0 : i32
    %c0_i32_0 = arith.constant 0 : i32
    return %arg0, %c0_i32 : i32, i32
  }
  func.func @transform_8(%arg0: i32) -> (i32, i32) {
    %c0_i32 = arith.constant 0 : i32
    %c0_i32_0 = arith.constant 0 : i32
    return %arg0, %c0_i32 : i32, i32
  }
}

module attributes {stable_mosaic.version = 14 : i64} {
  func.func @_layer2_body(%arg0: i32, %arg1: memref<2x1000x128xf32, #tpu.memory_space<vmem>>, %arg2: memref<2x1000x128xf32, #tpu.memory_space<vmem>>, %arg3: memref<1000x256xf32, #tpu.memory_space<vmem>>, %arg4: memref<1000x1xf32, #tpu.memory_space<vmem>>, %arg5: memref<256x256xf32, #tpu.memory_space<vmem>>, %arg6: memref<1x256xf32, #tpu.memory_space<vmem>>, %arg7: memref<256x128xf32, #tpu.memory_space<vmem>>, %arg8: memref<1x128xf32, #tpu.memory_space<vmem>>, %arg9: memref<1000x128xf32, #tpu.memory_space<vmem>>) attributes {dimension_semantics = [#tpu.dimension_semantics<arbitrary>], iteration_bounds = array<i64: 10>, scalar_prefetch = 0 : i64, scratch_operands = 0 : i64, tpu.core_type = #tpu.core_type<tc>, window_params = [{transform_indices = @transform_0, window_bounds = array<i64: 2, 1000, 128>}, {transform_indices = @transform_1, window_bounds = array<i64: 2, 1000, 128>}, {transform_indices = @transform_2, window_bounds = array<i64: 1000, 256>}, {transform_indices = @transform_3, window_bounds = array<i64: 1000, 1>}, {pipeline_mode = #tpu.pipeline_mode<synchronous>, transform_indices = @transform_4, window_bounds = array<i64: 256, 256>}, {pipeline_mode = #tpu.pipeline_mode<synchronous>, transform_indices = @transform_5, window_bounds = array<i64: 1, 256>}, {pipeline_mode = #tpu.pipeline_mode<synchronous>, transform_indices = @transform_6, window_bounds = array<i64: 256, 128>}, {pipeline_mode = #tpu.pipeline_mode<synchronous>, transform_indices = @transform_7, window_bounds = array<i64: 1, 128>}, {transform_indices = @transform_8, window_bounds = array<i64: 1000, 128>}]} {
    %get3A = arith.constant 0 : index
    %get3A_0 = arith.constant 0 : index
    %get3A_1 = vector.load %arg4[%get3A, %get3A_0] : memref<1000x1xf32, #tpu.memory_space<vmem>>, vector<1000x1xf32>
    %get3A_2 = arith.constant 0 : index
    %get3A_3 = arith.constant 0 : index
    %get3A_4 = arith.constant 0 : index
    %get3A_5 = vector.load %arg1[%get3A_2, %get3A_3, %get3A_4] : memref<2x1000x128xf32, #tpu.memory_space<vmem>>, vector<1x1000x128xf32>
    %get3A_6 = vector.shape_cast %get3A_5 : vector<1x1000x128xf32> to vector<1000x128xf32>
    %get3A_7 = arith.constant 1 : index
    %get3A_8 = arith.constant 0 : index
    %get3A_9 = arith.constant 0 : index
    %get3A_10 = vector.load %arg1[%get3A_7, %get3A_8, %get3A_9] : memref<2x1000x128xf32, #tpu.memory_space<vmem>>, vector<1x1000x128xf32>
    %get3A_11 = vector.shape_cast %get3A_10 : vector<1x1000x128xf32> to vector<1000x128xf32>
    %add3A = arith.addf %get3A_6, %get3A_11 : vector<1000x128xf32>
    %get3A_12 = arith.constant 0 : index
    %get3A_13 = arith.constant 0 : index
    %get3A_14 = arith.constant 0 : index
    %get3A_15 = vector.load %arg2[%get3A_12, %get3A_13, %get3A_14] : memref<2x1000x128xf32, #tpu.memory_space<vmem>>, vector<1x1000x128xf32>
    %get3A_16 = vector.shape_cast %get3A_15 : vector<1x1000x128xf32> to vector<1000x128xf32>
    %get3A_17 = arith.constant 1 : index
    %get3A_18 = arith.constant 0 : index
    %get3A_19 = arith.constant 0 : index
    %get3A_20 = vector.load %arg2[%get3A_17, %get3A_18, %get3A_19] : memref<2x1000x128xf32, #tpu.memory_space<vmem>>, vector<1x1000x128xf32>
    %get3A_21 = vector.shape_cast %get3A_20 : vector<1x1000x128xf32> to vector<1000x128xf32>
    %add3A_22 = arith.addf %get3A_16, %get3A_21 : vector<1000x128xf32>
    %concatenate3A = tpu.concatenate %add3A, %add3A_22 in 1 : vector<1000x128xf32>, vector<1000x128xf32> -> vector<1000x256xf32>
    %mul3A = vector.broadcast %get3A_1 : vector<1000x1xf32> to vector<1000x256xf32>
    %mul3A_23 = arith.mulf %mul3A, %concatenate3A : vector<1000x256xf32>
    %get3A_24 = arith.constant 0 : index
    %get3A_25 = arith.constant 0 : index
    %get3A_26 = vector.load %arg3[%get3A_24, %get3A_25] : memref<1000x256xf32, #tpu.memory_space<vmem>>, vector<1000x256xf32>
    %add3A_27 = arith.addf %mul3A_23, %get3A_26 : vector<1000x256xf32>
    %get3A_28 = arith.constant 0 : index
    %get3A_29 = arith.constant 0 : index
    %get3A_30 = vector.load %arg5[%get3A_28, %get3A_29] : memref<256x256xf32, #tpu.memory_space<vmem>>, vector<256x256xf32>
    %dot_general3A = arith.constant dense<0.000000e+00> : vector<1000x256xf32>
    %dot_general3A_31 = tpu.matmul %add3A_27, %get3A_30, %dot_general3A {dimension_numbers = #tpu.dot_dimension_numbers<[1], [0], [0], [1], [0, 0, 1, 1], [], []>, transpose_lhs_hint = false} : vector<1000x256xf32>, vector<256x256xf32>, vector<1000x256xf32> -> vector<1000x256xf32>
    %get3A_32 = arith.constant 0 : index
    %get3A_33 = arith.constant 0 : index
    %get3A_34 = vector.load %arg6[%get3A_32, %get3A_33] : memref<1x256xf32, #tpu.memory_space<vmem>>, vector<1x256xf32>
    %add3A_35 = vector.broadcast %get3A_34 : vector<1x256xf32> to vector<1000x256xf32>
    %add3A_36 = arith.addf %dot_general3A_31, %add3A_35 : vector<1000x256xf32>
    %max3A = arith.constant 0.000000e+00 : f32
    %max3A_37 = vector.broadcast %max3A : f32 to vector<1000x256xf32>
    %max3A_38 = arith.maximumf %add3A_36, %max3A_37 : vector<1000x256xf32>
    %get3A_39 = arith.constant 0 : index
    %get3A_40 = arith.constant 0 : index
    %get3A_41 = vector.load %arg7[%get3A_39, %get3A_40] : memref<256x128xf32, #tpu.memory_space<vmem>>, vector<256x128xf32>
    %dot_general3A_42 = arith.constant dense<0.000000e+00> : vector<1000x128xf32>
    %dot_general3A_43 = tpu.matmul %max3A_38, %get3A_41, %dot_general3A_42 {dimension_numbers = #tpu.dot_dimension_numbers<[1], [0], [0], [1], [0, 0, 1, 1], [], []>, transpose_lhs_hint = false} : vector<1000x256xf32>, vector<256x128xf32>, vector<1000x128xf32> -> vector<1000x128xf32>
    %get3A_44 = arith.constant 0 : index
    %get3A_45 = arith.constant 0 : index
    %get3A_46 = vector.load %arg8[%get3A_44, %get3A_45] : memref<1x128xf32, #tpu.memory_space<vmem>>, vector<1x128xf32>
    %add3A_47 = vector.broadcast %get3A_46 : vector<1x128xf32> to vector<1000x128xf32>
    %add3A_48 = arith.addf %dot_general3A_43, %add3A_47 : vector<1000x128xf32>
    %logistic3A = arith.negf %add3A_48 : vector<1000x128xf32>
    %logistic3A_49 = math.exp %logistic3A : vector<1000x128xf32>
    %logistic3A_50 = arith.constant 1.000000e+00 : f32
    %logistic3A_51 = vector.broadcast %logistic3A_50 : f32 to vector<1000x128xf32>
    %logistic3A_52 = arith.addf %logistic3A_51, %logistic3A_49 : vector<1000x128xf32>
    %logistic3A_53 = arith.divf %logistic3A_51, %logistic3A_52 : vector<1000x128xf32>
    %swap3A = arith.constant 0 : index
    %swap3A_54 = arith.constant 0 : index
    %swap3A_55 = vector.load %arg9[%swap3A, %swap3A_54] : memref<1000x128xf32, #tpu.memory_space<vmem>>, vector<1000x128xf32>
    tpu.vector_store %arg9[%swap3A, %swap3A_54], %logistic3A_53 {strides = array<i32>} : memref<1000x128xf32, #tpu.memory_space<vmem>>, vector<1000x128xf32>,
    return
  }
  func.func @transform_0(%arg0: i32) -> (i32, i32, i32) {
    %c0_i32 = arith.constant 0 : i32
    %c0_i32_0 = arith.constant 0 : i32
    %c0_i32_1 = arith.constant 0 : i32
    return %c0_i32, %arg0, %c0_i32_0 : i32, i32, i32
  }
  func.func @transform_1(%arg0: i32) -> (i32, i32, i32) {
    %c0_i32 = arith.constant 0 : i32
    %c0_i32_0 = arith.constant 0 : i32
    %c0_i32_1 = arith.constant 0 : i32
    return %c0_i32, %arg0, %c0_i32_0 : i32, i32, i32
  }
  func.func @transform_2(%arg0: i32) -> (i32, i32) {
    %c0_i32 = arith.constant 0 : i32
    %c0_i32_0 = arith.constant 0 : i32
    return %arg0, %c0_i32 : i32, i32
  }
  func.func @transform_3(%arg0: i32) -> (i32, i32) {
    %c0_i32 = arith.constant 0 : i32
    %c0_i32_0 = arith.constant 0 : i32
    return %arg0, %c0_i32 : i32, i32
  }
  func.func @transform_4(%arg0: i32) -> (i32, i32) {
    %c0_i32 = arith.constant 0 : i32
    %c0_i32_0 = arith.constant 0 : i32
    %c0_i32_1 = arith.constant 0 : i32
    return %c0_i32, %c0_i32_0 : i32, i32
  }
  func.func @transform_5(%arg0: i32) -> (i32, i32) {
    %c0_i32 = arith.constant 0 : i32
    %c0_i32_0 = arith.constant 0 : i32
    %c0_i32_1 = arith.constant 0 : i32
    return %c0_i32, %c0_i32_0 : i32, i32
  }
  func.func @transform_6(%arg0: i32) -> (i32, i32) {
    %c0_i32 = arith.constant 0 : i32
    %c0_i32_0 = arith.constant 0 : i32
    %c0_i32_1 = arith.constant 0 : i32
    return %c0_i32, %c0_i32_0 : i32, i32
  }
  func.func @transform_7(%arg0: i32) -> (i32, i32) {
    %c0_i32 = arith.constant 0 : i32
    %c0_i32_0 = arith.constant 0 : i32
    %c0_i32_1 = arith.constant 0 : i32
    return %c0_i32, %c0_i32_0 : i32, i32
  }
  func.func @transform_8(%arg0: i32) -> (i32, i32) {
    %c0_i32 = arith.constant 0 : i32
    %c0_i32_0 = arith.constant 0 : i32
    return %arg0, %c0_i32 : i32, i32
  }
}

</mosaic_0001>

<sc_bundles>
// kernel: kernel.12.cloned.1.call-start
scs
__scs_entry_jumppad:
0x0: {  	(pc) =	sbr.rel $0x88, $3  }
0x1: {  	(tag) =	ssettag $0x0;
	lr =	simm.s32 $0x1  }
0x2: {  	[smem:$0x3F99] =	sst lr;
	_ =	strace $0xD0000000  }
0x3: {  	_ = 	snop  }
0x4: {  	_ = 	snop  }
0x5: {  	_ = 	snop  }
0x6: {  	_ = 	snop  }
0x7: {  	_ = 	snop  }
__scs_overlays_trampoline_lowered:
0x8: {  	[smem:$0x3FA8] =	sst s0  }
0x9: {  	[smem:$0x3FA9] =	sst s1  }
0xa: {  	[smem:$0x3FAA] =	sst s2  }
0xb: {  	[smem:$0x3FAB] =	sst s3  }
0xc: {  	[smem:$0x3FAC] =	sst s4  }
0xd: {  	[smem:$0x3FAD] =	sst s5  }
0xe: {  	[smem:$0x3FAE] =	sst s6  }
0xf: {  	[smem:$0x3FAF] =	sst s7  }
0x10: {  	[smem:$0x3FB0] =	sst s8  }
0x11: {  	[smem:$0x3FB1] =	sst s9;
	s0 =	simm.s32 @!p0 $0x0  }
0x12: {  	s1 =	sld [smem:$0x3F97];
	s0 =	simm.s32 @p0 $0x1  }
0x13: {  	[smem:$0x3FB2] =	sst s0;
	s0 =	simm.s32 @!p1 $0x0  }
0x14: {  	s2 =	sld [smem:$0x3F96];
	s0 =	simm.s32 @p1 $0x1  }
0x15: {  	[smem:$0x3FB3] =	sst s0;
	s0 =	simm.s32 @!p2 $0x0  }
0x16: {  	s3 =	sld [smem:$0x3FDB];
	s0 =	simm.s32 @p2 $0x1  }
0x17: {  	s4 =	simm.s32 $0x1BF5;
	[smem:$0x3FB5] =	sst s0  }
0x18: {  	s0 =	sld [smem:$0x3F98];
	_ =	swait.ge [sflag:s4], $0x0  }
0x19: {  	s7 =	sld [smem:$0x3F99]  }
0x1a: {  	s8 =	sadd.s32 $0xFFFFE003, lr  }
0x1b: {  	s9 =	sadd.s32 $0xFFFFFEF7, lr;
	s5 =	simm.s32 $0xFFFFFFFF;
	p2 =	slt.u32 s8, $0xFFFFF086  }
0x1c: {  	p1 =	slt.u32 s9, $0xF7A;
	s5 =	simm.s32 @!p2 $0x0  }
0x1d: {  	s5 =	simm.s32 @p1 $0x1;
	p0 =	seq.s32 s7, s2  }
0x1e: {  	s7 =	smul.u32 @!p0 $0xF7A, s2;
	p2 =	seq.s32 @!p0 s5, $0x0  }
0x1f: {  	s9 =	smul.u32 $0xF7A, s1;
	s8 =	simm.s32 @!p0 $0x1BF5;
	p2 =	por !p2, p0  }
0x20: {  	[sflag:s8] =	ssyncset.s32 @!p0 $0xFFFFF086;
	s6 =	sadd.s32 @!p0 s3, s7;
	s7 =	simm.s32 @!p0 $0x108  }
0x21: {  	s3 =	sadd.s32 s3, s9;
	s6 =	sadd.s32 @!p0 $0x88, s6;
	s7 =	simm.s32 @p2 $0x1082  }
0x22: {  	[simem:s7], [sflag:s8] =	dma.local @!p0 [hbm:s6], $0xF7A  }
0x23: {  	s9 =	sor.u32 $0xD0000000, s2;
	s6 =	simm.s32 $0x108;
	_ =	swait.ge @!p0 [sflag:s8], $0x0  }
0x24: {  	s3 =	sadd.s32 $0x88, s3;
	s6 =	simm.s32 @!p1 $0x1082;
	[sflag:s4] =	ssyncset.s32 $0xFFFFF086  }
0x25: {  	[simem:s6], [sflag:s4] =	dma.local [hbm:s3], $0xF7A  }
0x26: {  	[smem:$0x3F99] =	sst s1;
	(tag) =	ssettag s2;
	_ =	strace s9  }
0x27: {  	s1 =	sld [smem:$0x3FA9]  }
0x28: {  	s2 =	sld [smem:$0x3FAA]  }
0x29: {  	s4 =	sld [smem:$0x3FAC]  }
0x2a: {  	p0 =	seq.s32 s5, $0x0;
	s5 =	sld [smem:$0x3FAD]  }
0x2b: {  	s6 =	sld [smem:$0x3FAE]  }
0x2c: {  	s7 =	sld [smem:$0x3FAF]  }
0x2d: {  	s3 =	simm.s32 $0x108;
	s8 =	sld [smem:$0x3FB0]  }
0x2e: {  	s3 =	simm.s32 @!p0 $0x1082;
	s9 =	sld [smem:$0x3FB1]  }
0x2f: {  	lr =	sadd.s32 s0, s3;
	s0 =	sld [smem:$0x3FA8]  }
0x30: {  	s3 =	sld [smem:$0x3FAB]  }
0x31: {  	[smem:$0x3FB4] =	sst s10  }
0x32: {  	s10 =	sld [smem:$0x3FB2];
	_ =	sdelay $0x3  }
0x33: {  	p0 =	seq.s32 s10, $0x1;
	s10 =	sld [smem:$0x3FB4];
	_ =	sdelay $0x3  }
0x34: {  	[smem:$0x3FB4] =	sst s10  }
0x35: {  	s10 =	sld [smem:$0x3FB3];
	_ =	sdelay $0x3  }
0x36: {  	p1 =	seq.s32 s10, $0x1;
	s10 =	sld [smem:$0x3FB4];
	_ =	sdelay $0x3  }
0x37: {  	[smem:$0x3FB4] =	sst s10  }
0x38: {  	s10 =	sld [smem:$0x3FB5]  }
0x39: {  	_ = 	snop;
	(pc) =	sbr.ind lr, $3  }
0x3a: {  	_ = 	snop  }
0x3b: {  	_ = 	snop  }
0x3c: {  	p2 =	seq.s32 s10, $0x1;
	s10 =	sld [smem:$0x3FB4]  }
0x3d: {  	_ =	shalt  }
0x3e: {  	_ =	shalt  }
0x3f: {  	_ =	shalt  }
0x40: {  	_ =	shalt  }
0x41: {  	_ =	shalt  }
0x42: {  	_ =	shalt  }
0x43: {  	_ =	shalt  }
0x44: {  	_ =	shalt  }
0x45: {  	_ =	shalt  }
0x46: {  	_ =	shalt  }
0x47: {  	_ =	shalt  }
0x48: {  	_ =	shalt  }
0x49: {  	_ =	shalt  }
0x4a: {  	_ =	shalt  }
0x4b: {  	_ =	shalt  }
0x4c: {  	_ =	shalt  }
0x4d: {  	_ =	shalt  }
0x4e: {  	_ =	shalt  }
0x4f: {  	_ =	shalt  }
0x50: {  	_ =	shalt  }
0x51: {  	_ =	shalt  }
0x52: {  	_ =	shalt  }
0x53: {  	_ =	shalt  }
0x54: {  	_ =	shalt  }
0x55: {  	_ =	shalt  }
0x56: {  	_ =	shalt  }
0x57: {  	_ =	shalt  }
0x58: {  	_ =	shalt  }
0x59: {  	_ =	shalt  }
0x5a: {  	_ =	shalt  }
0x5b: {  	_ =	shalt  }
0x5c: {  	_ =	shalt  }
0x5d: {  	_ =	shalt  }
0x5e: {  	_ =	shalt  }
0x5f: {  	_ =	shalt  }
0x60: {  	_ =	shalt  }
0x61: {  	_ =	shalt  }
0x62: {  	_ =	shalt  }
0x63: {  	_ =	shalt  }
0x64: {  	_ =	shalt  }
0x65: {  	_ =	shalt  }
0x66: {  	_ =	shalt  }
0x67: {  	_ =	shalt  }
0x68: {  	_ =	shalt  }
0x69: {  	_ =	shalt  }
0x6a: {  	_ =	shalt  }
0x6b: {  	_ =	shalt  }
0x6c: {  	_ =	shalt  }
0x6d: {  	_ =	shalt  }
0x6e: {  	_ =	shalt  }
0x6f: {  	_ =	shalt  }
0x70: {  	_ =	shalt  }
0x71: {  	_ =	shalt  }
0x72: {  	_ =	shalt  }
0x73: {  	_ =	shalt  }
0x74: {  	_ =	shalt  }
0x75: {  	_ =	shalt  }
0x76: {  	_ =	shalt  }
0x77: {  	_ =	shalt  }
0x78: {  	_ =	shalt  }
0x79: {  	_ =	shalt  }
0x7a: {  	_ =	shalt  }
0x7b: {  	_ =	shalt  }
0x7c: {  	_ =	shalt  }
0x7d: {  	_ =	shalt  }
0x7e: {  	_ =	shalt  }
0x7f: {  	_ =	shalt  }
0x80: {  	_ =	shalt  }
0x81: {  	_ =	shalt  }
0x82: {  	_ =	shalt  }
0x83: {  	_ =	shalt  }
0x84: {  	_ =	shalt  }
0x85: {  	_ =	shalt  }
0x86: {  	_ =	shalt  }
0x87: {  	_ =	shalt  }
.Lfunc_end0:
.L_simem_size_0:
called_computation.1_lowered:
.L_overlay_start_0:
0x88: {  	s2 =	sld [smem:$0x3FD9]  }
0x89: {  	s3 =	sld [smem:$0x3FFE];
	_ =	sdelay $0x1  }
0x8a: {  	s1 =	srdreg.scid  }
0x8b: {  	s0 =	sand.u32 $0x1, s1  }
0x8c: {  	s17 =	sshll.u32 s0, $0xA;
	s2 =	sadd.s32 s3, s2  }
0x8d: {  	s2 =	sadd.s32 s2, s17  }
0x8e: {  	[smem:$0x3FC0] =	sst s2  }
0x8f: {  	_ = 	snop  }
0x90: {  	s2 =	sld [smem:$0x3FD0];
	(tm) =	ssettm $0x1  }
0x91: {  	s18 =	sld [smem:$0x3FFB];
	_ =	sdelay $0x3  }
0x92: {  	_ =	strace s18  }
0x93: {  	s3 =	sld [smem:$0x3FFC];
	_ =	sdelay $0x3  }
0x94: {  	_ =	strace s3  }
0x95: {  	s3 =	sld [smem:$0x3FFD];
	_ =	sdelay $0x3  }
0x96: {  	_ =	strace s3  }
0x97: {  	_ =	strace $0x8FFFFFFF  }
0x98: {  	s19 =	sld [smem:$0x3FDB];
	_ =	sdelay $0x1  }
0x99: {  	s4 =	simm.s32 $_scs_section_size  }
0x9a: {  	s5 =	simm.s32 $_size__tile_overlayer_lowered;
	s6 =	simm.s32 $_tile_overlayer_lowered  }
0x9b: {  	s22 =	simm.s32 $0x1BFF;
	s21 =	sshll.u32 s6, $0x1;
	s3 =	sadd.s32 s4, s19  }
0x9c: {  	s7 =	simm.s32 $0x0;
	s20 =	sshll.u32 s5, $0x1;
	s5 =	sadd.s32 s21, s3  }
0x9d: {  	[timem:s7], [sflag:s22] =	dma.local [hbm:s5], s20  }
0x9e: {  	_ =	swait.ge [sflag:s22], s20  }
0x9f: {  	s4 =	ssub.s32 $0x0, s20;
	[sflag:s22] =	ssyncset.done $0x0  }
0xa0: {  	[sflag:s22] =	ssyncadd.s32 s4;
	_ =	sdelay $0x1  }
0xa1: {  	s23 =	simm.s32 $0x1B8B  }
0xa2: {  	_ =	swait.ge [sflag:s23], $0x1  }
0xa3: {  	[sflag:s23] =	ssyncset.done $0x0  }
0xa4: {  	s25 =	simm.s32 $0x1B8E;
	s24 =	sld [smem:$0x3FFE];
	[sflag:s23] =	ssyncadd.s32 $0xFFFFFFFF  }
0xa5: {  	s26 =	simm.s32 $execute0_lowered;
	[smem:$0x3FD2] =	sst s25  }
0xa6: {  	s5 =	sshll.u32 s26, $0x1;
	_ =	strace $0x80000049;
	[dreg:$0x1] =	wrdreg $0xFFFFFFFF  }
0xa7: {  	s28 =	simm.s32 $_size_execute0_lowered;
	s3 =	sadd.s32 s3, s5;
	[dreg:$0x0] =	wrdreg $0x0  }
0xa8: {  	s5 =	sshll.u32 s28, $0x1;
	[dreg:$0x2] =	wrdreg s3  }
0xa9: {  	[dreg:$0x3] =	wrdreg s5  }
0xaa: {  	[dreg:$0x4] =	wrdreg $0xC0  }
0xab: {  	_ =	task [dreg:s7], $0x5FFFF  }
0xac: {  	[dreg:$0x1] =	wrdreg $0xFFFFFFFF  }
0xad: {  	[dreg:$0x0] =	wrdreg $0x60  }
0xae: {  	[dreg:$0x2] =	wrdreg s2  }
0xaf: {  	[dreg:$0x3] =	wrdreg s24  }
0xb0: {  	[dreg:$0x4] =	wrdreg $0xA8000  }
0xb1: {  	[dreg:$0x5] =	wrdreg $0x9  }
0xb2: {  	_ =	task.clear_ibuf [dreg:s7], $0x6FFFF;
	_ =	strace $0x90000049  }
0xb3: {  	s29 =	simm.s32 $0x9;
	_ =	strace $0x8000004B  }
0xb4: {  	_ =	swait.ge [sflag:s29], $0x1  }
0xb5: {  	[sflag:s29] =	ssyncadd.s32 $0xFFFFFFFF  }
0xb6: {  	_ =	strace $0x9000004B  }
0xb7: {  	_ =	sfence  }
0xb8: {  	s30 =	sld [smem:$0x0];
	_ =	sdelay $0x2  }
0xb9: {  	s31 =	sshll.u32 s1, $0xD;
	s1 =	sshrl.u32 s1, $0x2  }
0xba: {  	s3 =	sand.u32 $0x4000, s31;
	s1 =	sadd.s32 s1, s30  }
0xbb: {  	s0 =	sor.u32 s3, s0;
	s1 =	sshll.u32 s1, $0x11  }
0xbc: {  	s0 =	sor.u32 s1, s0  }
0xbd: {  	s0 =	sadd.s32 $0x8F2B, s0  }
0xbe: {  	[sflag:s0] =	ssyncadd.remote.s32 $0x1  }
0xbf: {  	_ =	sfence.sel $0xFFFF  }
0xc0: {  	[dreg:$0x0] =	wrdreg $0xFFFFFFFF;
	(pc) =	sbr.abs _section_cstart, $3  }
0xc1: {  	[dreg:$0x1] =	wrdreg $0xFFFFFFFF  }
0xc2: {  	_ =	task.clear_ibuf [dreg:s7], $0x2FFFF;
	_ =	strace $0x9FFFFFFF  }
0xc3: {  	(tm) =	ssettm $0x7FFFFFFF  }
tec
execute0_lowered:
.L_overlay_start_1:
0x0: {  	(tag) =	ssettag $0x1  }
0x1: {  	s1 =	rddreg [dreg:$0x0]  }
0x2: {  	s5 =	rddreg [dreg:$0x1]  }
0x3: {  	s3 =	rddreg [dreg:$0x2]  }
0x4: {  	s0 =	srdreg.scid;
	s2 =	rddreg [dreg:$0x3];
	s4 =	simm.s32 $0x0  }
0x5: {  	s14 =	simm.s32 $0x2800;
	s15 =	simm.s32 $0x100;
	s16 =	simm.s32 $0x6800  }
0x6: {  	s17 =	simm.s32 $0x1;
	s18 =	simm.s32 $0x3;
	s6 =	sand.u32 $0x1, s0  }
0x7: {  	s19 =	simm.s32 $0x2;
	s0 =	stileid.u32;
	s7 =	smul.u32 $0x50000, s6  }
0x8: {  	s20 =	simm.s32 $0x4;
	s21 =	simm.s32 $0x2680;
	s8 =	smul.u32 $0x5000, s0  }
0x9: {  	s22 =	simm.s32 $0x2780;
	[smem:$0x7FF] =	sst s4;
	s26 =	smul.u32 $0x14000, s0  }
0xa: {  	s23 =	simm.s32 $0x0;
	s9 =	smul.u32 $0x140000, s6;
	_ =	strace $0x8000004A  }
0xb: {  	s6 =	ssub.s32 $0x2, s6;
	s29 =	smul.u32 $0x50000, s0;
	s31 =	sshll.u32 s0, $0x6  }
0xc: {  	s11 =	sshrl.u32 s6, $0x1;
	s7 =	sadd.s32 s8, s7;
	s28 =	sshrl.u32 s26, $0x3  }
0xd: {  	s8 =	sadd.s32 s26, s9;
	s11 =	ssub.s32 s6, s11;
	s30 =	sshrl.u32 s29, $0x2  }
0xe: {  	s6 =	sor.u32 $0x1C05, s31;
	s7 =	sshrl.u32 s7, $0x3;
	s8 =	sshrl.u32 s8, $0x3  }
0xf: {  	s13 =	sadd.s32 s30, s3;
	s10 =	sadd.s32 s7, s5;
	s7 =	sadd.s32 s28, s5  }
0x10: {  	s12 =	sadd.s32 s8, s5;
	s5 =	sadd.s32 $0x4000, s7;
	s7 =	sadd.s32 $0x7C000, s10  }
0x11: {  	s8 =	sadd.s32 $0x7C500, s10;
	s9 =	sadd.s32 $0x90000, s12;
	s10 =	smax.u32 s11, $0x1  }
0x12: {  	s11 =	sshrl.u32 s13, $0x3;
	s12 =	simm.s32 $0x5;
	s13 =	simm.s32 $0x80  }
.LBB2_1:
0x13: {  	[spmem:s11], [sflag:s6] =	dma.local [hbm:s5], $0x2800  }
0x14: {  	_ =	swait.ge [sflag:s12], $0x2800  }
0x15: {  	[sflag:s12] =	ssyncset.done $0x0  }
0x16: {  	[sflag:s12] =	ssyncadd.s32 $0xFFFFD800  }
0x17: {  	[bflag:$0x0] =	sbarrier.arrive $0xFFFF  }
0x18: {  	[tilespmem:s4], [sflag:$0x5] =	stream.linear.gather [hbm4b:s7+s4], $0x2800, $0x38;
	[tilespmem:$0x1E800] =	vst v63  }
0x19: {  	_ =	swait.ge [sflag:s12], $0x2800  }
0x1a: {  	[sflag:s12] =	ssyncset.done $0x0  }
0x1b: {  	[sflag:s12] =	ssyncadd.s32 $0xFFFFD800  }
0x1c: {  	[tilespmem:s14], [sflag:$0x1] =	stream.indirect.gather [hbm4b:s1+s13], $0x80, s4, s13, $0xb8;
	[tilespmem:$0x1E800] =	vst v63  }
0x1d: {  	_ = 	snop  }
0x1e: {  	[tilespmem:s16], [sflag:$0x2] =	stream.indirect.gather [hbm4b:s1+s13], $0x80, s15, s13, $0xb8;
	[tilespmem:$0x1E800] =	vst v63  }
0x1f: {  	_ =	swait.ge [sflag:s17], $0x4000  }
0x20: {  	[sflag:s17] =	ssyncset.done $0x0  }
0x21: {  	s24 =	simm.s32 $0x80;
	[sflag:s17] =	ssyncadd.s32 $0xFFFFC000  }
0x22: {  	[spmem:s3] =	stream.indirect.scatter.add.f32 [tilespmem:s14], [sflag:$0x3], $0x80, s24, s13, $0xb8;
	[tilespmem:$0x1E800] =	vst v63  }
0x23: {  	_ =	swait.ge [sflag:s18], $0x4000  }
0x24: {  	[sflag:s18] =	ssyncset.done $0x0  }
0x25: {  	s30 =	simm.s32 $0x200;
	[sflag:s18] =	ssyncadd.s32 $0xFFFFC000  }
0x26: {  	[tilespmem:s14], [sflag:$0x1] =	stream.indirect.gather [hbm4b:s1+s13], $0x80, s30, s13, $0xb8;
	[tilespmem:$0x1E800] =	vst v63  }
0x27: {  	_ =	swait.ge [sflag:s19], $0x4000  }
0x28: {  	[sflag:s19] =	ssyncset.done $0x0  }
0x29: {  	s31 =	simm.s32 $0x180;
	[sflag:s19] =	ssyncadd.s32 $0xFFFFC000  }
0x2a: {  	[spmem:s3] =	stream.indirect.scatter.add.f32 [tilespmem:s16], [sflag:$0x4], $0x80, s31, s13, $0xb8;
	[tilespmem:$0x1E800] =	vst v63  }
0x2b: {  	_ =	swait.ge [sflag:s20], $0x4000  }
0x2c: {  	[sflag:s20] =	ssyncset.done $0x0  }
0x2d: {  	s25 =	simm.s32 $0x300;
	s24 =	simm.s32 $0xFFFF7000;
	[sflag:s20] =	ssyncadd.s32 $0xFFFFC000  }
.LBB2_2:
0x2e: {  	[tilespmem:s16], [sflag:$0x2] =	stream.indirect.gather [hbm4b:s1+s13], $0x80, s25, s13, $0xb8;
	[tilespmem:$0x1E800] =	vst v63  }
0x2f: {  	s25 =	smov.u32 s24  }
0x30: {  	p0 =	sne.s32 s24, $0xFFFFF800;
	s24 =	sadd.s32 $0x800, s24;
	_ =	swait.ge [sflag:s17], $0x4000  }
0x31: {  	s25 =	sshra.s32 s25, $0x2;
	[sflag:s17] =	ssyncset.done $0x0  }
0x32: {  	s26 =	sadd.s32 $0x2680, s25;
	[sflag:s17] =	ssyncadd.s32 $0xFFFFC000  }
0x33: {  	[spmem:s3] =	stream.indirect.scatter.add.f32 [tilespmem:s14], [sflag:$0x3], $0x80, s26, s13, $0xb8;
	[tilespmem:$0x1E800] =	vst v63  }
0x34: {  	_ =	swait.ge [sflag:s18], $0x4000  }
0x35: {  	[sflag:s18] =	ssyncset.done $0x0  }
0x36: {  	s26 =	sadd.s32 $0x2800, s25;
	[sflag:s18] =	ssyncadd.s32 $0xFFFFC000  }
0x37: {  	[tilespmem:s14], [sflag:$0x1] =	stream.indirect.gather [hbm4b:s1+s13], $0x80, s26, s13, $0xb8;
	[tilespmem:$0x1E800] =	vst v63  }
0x38: {  	_ =	swait.ge [sflag:s19], $0x4000  }
0x39: {  	[sflag:s19] =	ssyncset.done $0x0  }
.Ltmp0:
0x3a: {  	s26 =	sadd.s32 $0x2780, s25;
	[sflag:s19] =	ssyncadd.s32 $0xFFFFC000;
	(pc) =	sbr.rel @p0 .LBB2_2-.Ltmp0, $4  }
0x3b: {  	[spmem:s3] =	stream.indirect.scatter.add.f32 [tilespmem:s16], [sflag:$0x4], $0x80, s26, s13, $0xb8;
	[tilespmem:$0x1E800] =	vst v63  }
0x3c: {  	_ =	swait.ge [sflag:s20], $0x4000  }
0x3d: {  	[sflag:s20] =	ssyncset.done $0x0  }
0x3e: {  	s25 =	sadd.s32 $0x2900, s25;
	[sflag:s20] =	ssyncadd.s32 $0xFFFFC000  }
0x3f: {  	[tilespmem:s16], [sflag:$0x2] =	stream.indirect.gather [hbm4b:s1+s13], $0x80, s25, s13, $0xb8;
	[tilespmem:$0x1E800] =	vst v63  }
0x40: {  	_ =	swait.ge [sflag:s17], $0x4000  }
0x41: {  	[sflag:s17] =	ssyncset.done $0x0  }
0x42: {  	[sflag:s17] =	ssyncadd.s32 $0xFFFFC000  }
0x43: {  	[spmem:s3] =	stream.indirect.scatter.add.f32 [tilespmem:s14], [sflag:$0x3], $0x80, s21, s13, $0xb8;
	[tilespmem:$0x1E800] =	vst v63  }
0x44: {  	_ =	swait.ge [sflag:s18], $0x4000  }
0x45: {  	[sflag:s18] =	ssyncset.done $0x0  }
0x46: {  	[sflag:s18] =	ssyncadd.s32 $0xFFFFC000  }
0x47: {  	_ =	swait.ge [sflag:s19], $0x4000  }
0x48: {  	[sflag:s19] =	ssyncset.done $0x0  }
0x49: {  	[sflag:s19] =	ssyncadd.s32 $0xFFFFC000  }
0x4a: {  	[spmem:s3] =	stream.indirect.scatter.add.f32 [tilespmem:s16], [sflag:$0x4], $0x80, s22, s13, $0xb8;
	[tilespmem:$0x1E800] =	vst v63  }
0x4b: {  	_ =	swait.ge [sflag:s20], $0x4000  }
0x4c: {  	[sflag:s20] =	ssyncset.done $0x0  }
0x4d: {  	[sflag:s20] =	ssyncadd.s32 $0xFFFFC000  }
0x4e: {  	[tilespmem:s4], [sflag:$0x5] =	stream.linear.gather [hbm4b:s8+s4], $0x2800, $0x38;
	[tilespmem:$0x1E800] =	vst v63  }
0x4f: {  	_ =	swait.ge [sflag:s12], $0x2800  }
0x50: {  	[sflag:s12] =	ssyncset.done $0x0  }
0x51: {  	[sflag:s12] =	ssyncadd.s32 $0xFFFFD800  }
0x52: {  	[tilespmem:s14], [sflag:$0x1] =	stream.indirect.gather [hbm4b:s1+s13], $0x80, s4, s13, $0xb8;
	[tilespmem:$0x1E800] =	vst v63  }
0x53: {  	_ = 	snop  }
0x54: {  	[tilespmem:s16], [sflag:$0x2] =	stream.indirect.gather [hbm4b:s1+s13], $0x80, s15, s13, $0xb8;
	[tilespmem:$0x1E800] =	vst v63  }
0x55: {  	_ =	swait.ge [sflag:s17], $0x4000  }
0x56: {  	[sflag:s17] =	ssyncset.done $0x0  }
0x57: {  	s24 =	simm.s32 $0x80;
	[sflag:s17] =	ssyncadd.s32 $0xFFFFC000  }
0x58: {  	[spmem:s3] =	stream.indirect.scatter.add.f32 [tilespmem:s14], [sflag:$0x3], $0x80, s24, s13, $0xb8;
	[tilespmem:$0x1E800] =	vst v63  }
0x59: {  	_ =	swait.ge [sflag:s18], $0x4000  }
0x5a: {  	[sflag:s18] =	ssyncset.done $0x0  }
0x5b: {  	s30 =	simm.s32 $0x200;
	[sflag:s18] =	ssyncadd.s32 $0xFFFFC000  }
0x5c: {  	[tilespmem:s14], [sflag:$0x1] =	stream.indirect.gather [hbm4b:s1+s13], $0x80, s30, s13, $0xb8;
	[tilespmem:$0x1E800] =	vst v63  }
0x5d: {  	_ =	swait.ge [sflag:s19], $0x4000  }
0x5e: {  	[sflag:s19] =	ssyncset.done $0x0  }
0x5f: {  	s31 =	simm.s32 $0x180;
	[sflag:s19] =	ssyncadd.s32 $0xFFFFC000  }
0x60: {  	[spmem:s3] =	stream.indirect.scatter.add.f32 [tilespmem:s16], [sflag:$0x4], $0x80, s31, s13, $0xb8;
	[tilespmem:$0x1E800] =	vst v63  }
0x61: {  	_ =	swait.ge [sflag:s20], $0x4000  }
0x62: {  	[sflag:s20] =	ssyncset.done $0x0  }
0x63: {  	s25 =	simm.s32 $0x300;
	s24 =	simm.s32 $0xFFFF7000;
	[sflag:s20] =	ssyncadd.s32 $0xFFFFC000  }
.LBB2_4:
0x64: {  	[tilespmem:s16], [sflag:$0x2] =	stream.indirect.gather [hbm4b:s1+s13], $0x80, s25, s13, $0xb8;
	[tilespmem:$0x1E800] =	vst v63  }
0x65: {  	s25 =	smov.u32 s24  }
0x66: {  	p0 =	sne.s32 s24, $0xFFFFF800;
	s24 =	sadd.s32 $0x800, s24;
	_ =	swait.ge [sflag:s17], $0x4000  }
0x67: {  	s25 =	sshra.s32 s25, $0x2;
	[sflag:s17] =	ssyncset.done $0x0  }
0x68: {  	s26 =	sadd.s32 $0x2680, s25;
	[sflag:s17] =	ssyncadd.s32 $0xFFFFC000  }
0x69: {  	[spmem:s3] =	stream.indirect.scatter.add.f32 [tilespmem:s14], [sflag:$0x3], $0x80, s26, s13, $0xb8;
	[tilespmem:$0x1E800] =	vst v63  }
0x6a: {  	_ =	swait.ge [sflag:s18], $0x4000  }
0x6b: {  	[sflag:s18] =	ssyncset.done $0x0  }
0x6c: {  	s26 =	sadd.s32 $0x2800, s25;
	[sflag:s18] =	ssyncadd.s32 $0xFFFFC000  }
0x6d: {  	[tilespmem:s14], [sflag:$0x1] =	stream.indirect.gather [hbm4b:s1+s13], $0x80, s26, s13, $0xb8;
	[tilespmem:$0x1E800] =	vst v63  }
0x6e: {  	_ =	swait.ge [sflag:s19], $0x4000  }
0x6f: {  	[sflag:s19] =	ssyncset.done $0x0  }
.Ltmp1:
0x70: {  	s26 =	sadd.s32 $0x2780, s25;
	[sflag:s19] =	ssyncadd.s32 $0xFFFFC000;
	(pc) =	sbr.rel @p0 .LBB2_4-.Ltmp1, $4  }
0x71: {  	[spmem:s3] =	stream.indirect.scatter.add.f32 [tilespmem:s16], [sflag:$0x4], $0x80, s26, s13, $0xb8;
	[tilespmem:$0x1E800] =	vst v63  }
0x72: {  	_ =	swait.ge [sflag:s20], $0x4000  }
0x73: {  	[sflag:s20] =	ssyncset.done $0x0  }
0x74: {  	s25 =	sadd.s32 $0x2900, s25;
	[sflag:s20] =	ssyncadd.s32 $0xFFFFC000  }
0x75: {  	[tilespmem:s16], [sflag:$0x2] =	stream.indirect.gather [hbm4b:s1+s13], $0x80, s25, s13, $0xb8;
	[tilespmem:$0x1E800] =	vst v63  }
0x76: {  	_ =	swait.ge [sflag:s17], $0x4000  }
0x77: {  	[sflag:s17] =	ssyncset.done $0x0  }
0x78: {  	[sflag:s17] =	ssyncadd.s32 $0xFFFFC000  }
0x79: {  	[spmem:s3] =	stream.indirect.scatter.add.f32 [tilespmem:s14], [sflag:$0x3], $0x80, s21, s13, $0xb8;
	[tilespmem:$0x1E800] =	vst v63  }
0x7a: {  	_ =	swait.ge [sflag:s18], $0x4000  }
0x7b: {  	[sflag:s18] =	ssyncset.done $0x0  }
0x7c: {  	[sflag:s18] =	ssyncadd.s32 $0xFFFFC000  }
0x7d: {  	_ =	swait.ge [sflag:s19], $0x4000  }
0x7e: {  	[sflag:s19] =	ssyncset.done $0x0  }
0x7f: {  	[sflag:s19] =	ssyncadd.s32 $0xFFFFC000  }
0x80: {  	[spmem:s3] =	stream.indirect.scatter.add.f32 [tilespmem:s16], [sflag:$0x4], $0x80, s22, s13, $0xb8;
	[tilespmem:$0x1E800] =	vst v63  }
0x81: {  	_ =	swait.ge [sflag:s20], $0x4000  }
0x82: {  	s23 =	sadd.s32 $0x1, s23;
	[sflag:s20] =	ssyncset.done $0x0  }
0x83: {  	p0 =	sne.s32 s23, s10;
	[sflag:s20] =	ssyncadd.s32 $0xFFFFC000  }
.Ltmp2:
0x84: {  	[bflag:$0x0] =	sbarrier.arrive $0xFFFF;
	(pc) =	sbr.rel @p0 .LBB2_1-.Ltmp2, $4  }
0x85: {  	[hbm:s9], [sflag:s6] =	dma.local [spmem:s11], $0x2800  }
0x86: {  	_ =	swait.ge [sflag:s12], $0x2800  }
0x87: {  	[sflag:s12] =	ssyncset.done $0x0  }
0x88: {  	[sflag:s12] =	ssyncadd.s32 $0xFFFFD800  }
0x89: {  	_ =	sfence.sel $0x180000  }
0x8a: {  	[bflag:$0x0] =	sbarrier.arrive $0xFFFF  }
0x8b: {  	p0 =	sne.s32 s0, $0x0;
	_ =	strace $0x9000004A  }
0x8c: {  	s0 =	sadd.s32 @!p0 $0x100000, s2;
	[bflag:$0x2] =	sbarrier.arrive $0xFFFF  }
0x8d: {  	[sflag:s0] =	ssyncadd.tile.s32 @!p0 $0x1;
	_ =	shalt  }
.Lfunc_end2:
_tile_overlayer_lowered:
.L_overlay_start_2:
0x8e: {  	(tag) =	ssettag $0x2  }
0x8f: {  	s0 =	rddreg [dreg:$0x0];
	s2 =	stileid.u32  }
0x90: {  	s1 =	rddreg [dreg:$0x1];
	p0 =	sne.s32 s2, $0x0  }
0x91: {  	s3 =	rddreg [dreg:$0x2];
	[bflag:$0x3] =	sbarrier.arrive $0xFFFF;
	s2 =	simm.s32 @!p0 $0x1C05  }
0x92: {  	[timem:s3], [sflag:s2] =	dma.local @!p0 [hbm:s0], s1  }
0x93: {  	s0 =	simm.s32 @!p0 $0x5  }
0x94: {  	_ =	swait.ge @!p0 [sflag:s0], s1  }
0x95: {  	s1 =	ssub.s32 @!p0 $0x0, s1;
	[sflag:s0] =	ssyncset.done @!p0 $0x0  }
0x96: {  	[sflag:s0] =	ssyncadd.s32 @!p0 s1  }
0x97: {  	[bflag:$0x3] =	sbarrier.arrive $0xFFFF  }
0x98: {  	_ =	shalt  }

// kernel: kernel.15.cloned.1.call-start
scs
__scs_entry_jumppad:
0x0: {  	(pc) =	sbr.rel $0x88, $3  }
0x1: {  	(tag) =	ssettag $0x0;
	lr =	simm.s32 $0x1  }
0x2: {  	[smem:$0x3F99] =	sst lr;
	_ =	strace $0xD0000000  }
0x3: {  	_ = 	snop  }
0x4: {  	_ = 	snop  }
0x5: {  	_ = 	snop  }
0x6: {  	_ = 	snop  }
0x7: {  	_ = 	snop  }
__scs_overlays_trampoline_lowered:
0x8: {  	[smem:$0x3FA8] =	sst s0  }
0x9: {  	[smem:$0x3FA9] =	sst s1  }
0xa: {  	[smem:$0x3FAA] =	sst s2  }
0xb: {  	[smem:$0x3FAB] =	sst s3  }
0xc: {  	[smem:$0x3FAC] =	sst s4  }
0xd: {  	[smem:$0x3FAD] =	sst s5  }
0xe: {  	[smem:$0x3FAE] =	sst s6  }
0xf: {  	[smem:$0x3FAF] =	sst s7  }
0x10: {  	[smem:$0x3FB0] =	sst s8  }
0x11: {  	[smem:$0x3FB1] =	sst s9;
	s0 =	simm.s32 @!p0 $0x0  }
0x12: {  	s1 =	sld [smem:$0x3F97];
	s0 =	simm.s32 @p0 $0x1  }
0x13: {  	[smem:$0x3FB2] =	sst s0;
	s0 =	simm.s32 @!p1 $0x0  }
0x14: {  	s2 =	sld [smem:$0x3F96];
	s0 =	simm.s32 @p1 $0x1  }
0x15: {  	[smem:$0x3FB3] =	sst s0;
	s0 =	simm.s32 @!p2 $0x0  }
0x16: {  	s3 =	sld [smem:$0x3FDB];
	s0 =	simm.s32 @p2 $0x1  }
0x17: {  	s4 =	simm.s32 $0x1BF5;
	[smem:$0x3FB5] =	sst s0  }
0x18: {  	s0 =	sld [smem:$0x3F98];
	_ =	swait.ge [sflag:s4], $0x0  }
0x19: {  	s7 =	sld [smem:$0x3F99]  }
0x1a: {  	s8 =	sadd.s32 $0xFFFFE003, lr  }
0x1b: {  	s9 =	sadd.s32 $0xFFFFFEF7, lr;
	s5 =	simm.s32 $0xFFFFFFFF;
	p2 =	slt.u32 s8, $0xFFFFF086  }
0x1c: {  	p1 =	slt.u32 s9, $0xF7A;
	s5 =	simm.s32 @!p2 $0x0  }
0x1d: {  	s5 =	simm.s32 @p1 $0x1;
	p0 =	seq.s32 s7, s2  }
0x1e: {  	s7 =	smul.u32 @!p0 $0xF7A, s2;
	p2 =	seq.s32 @!p0 s5, $0x0  }
0x1f: {  	s9 =	smul.u32 $0xF7A, s1;
	s8 =	simm.s32 @!p0 $0x1BF5;
	p2 =	por !p2, p0  }
0x20: {  	[sflag:s8] =	ssyncset.s32 @!p0 $0xFFFFF086;
	s6 =	sadd.s32 @!p0 s3, s7;
	s7 =	simm.s32 @!p0 $0x108  }
0x21: {  	s3 =	sadd.s32 s3, s9;
	s6 =	sadd.s32 @!p0 $0x88, s6;
	s7 =	simm.s32 @p2 $0x1082  }
0x22: {  	[simem:s7], [sflag:s8] =	dma.local @!p0 [hbm:s6], $0xF7A  }
0x23: {  	s9 =	sor.u32 $0xD0000000, s2;
	s6 =	simm.s32 $0x108;
	_ =	swait.ge @!p0 [sflag:s8], $0x0  }
0x24: {  	s3 =	sadd.s32 $0x88, s3;
	s6 =	simm.s32 @!p1 $0x1082;
	[sflag:s4] =	ssyncset.s32 $0xFFFFF086  }
0x25: {  	[simem:s6], [sflag:s4] =	dma.local [hbm:s3], $0xF7A  }
0x26: {  	[smem:$0x3F99] =	sst s1;
	(tag) =	ssettag s2;
	_ =	strace s9  }
0x27: {  	s1 =	sld [smem:$0x3FA9]  }
0x28: {  	s2 =	sld [smem:$0x3FAA]  }
0x29: {  	s4 =	sld [smem:$0x3FAC]  }
0x2a: {  	p0 =	seq.s32 s5, $0x0;
	s5 =	sld [smem:$0x3FAD]  }
0x2b: {  	s6 =	sld [smem:$0x3FAE]  }
0x2c: {  	s7 =	sld [smem:$0x3FAF]  }
0x2d: {  	s3 =	simm.s32 $0x108;
	s8 =	sld [smem:$0x3FB0]  }
0x2e: {  	s3 =	simm.s32 @!p0 $0x1082;
	s9 =	sld [smem:$0x3FB1]  }
0x2f: {  	lr =	sadd.s32 s0, s3;
	s0 =	sld [smem:$0x3FA8]  }
0x30: {  	s3 =	sld [smem:$0x3FAB]  }
0x31: {  	[smem:$0x3FB4] =	sst s10  }
0x32: {  	s10 =	sld [smem:$0x3FB2];
	_ =	sdelay $0x3  }
0x33: {  	p0 =	seq.s32 s10, $0x1;
	s10 =	sld [smem:$0x3FB4];
	_ =	sdelay $0x3  }
0x34: {  	[smem:$0x3FB4] =	sst s10  }
0x35: {  	s10 =	sld [smem:$0x3FB3];
	_ =	sdelay $0x3  }
0x36: {  	p1 =	seq.s32 s10, $0x1;
	s10 =	sld [smem:$0x3FB4];
	_ =	sdelay $0x3  }
0x37: {  	[smem:$0x3FB4] =	sst s10  }
0x38: {  	s10 =	sld [smem:$0x3FB5]  }
0x39: {  	_ = 	snop;
	(pc) =	sbr.ind lr, $3  }
0x3a: {  	_ = 	snop  }
0x3b: {  	_ = 	snop  }
0x3c: {  	p2 =	seq.s32 s10, $0x1;
	s10 =	sld [smem:$0x3FB4]  }
0x3d: {  	_ =	shalt  }
0x3e: {  	_ =	shalt  }
0x3f: {  	_ =	shalt  }
0x40: {  	_ =	shalt  }
0x41: {  	_ =	shalt  }
0x42: {  	_ =	shalt  }
0x43: {  	_ =	shalt  }
0x44: {  	_ =	shalt  }
0x45: {  	_ =	shalt  }
0x46: {  	_ =	shalt  }
0x47: {  	_ =	shalt  }
0x48: {  	_ =	shalt  }
0x49: {  	_ =	shalt  }
0x4a: {  	_ =	shalt  }
0x4b: {  	_ =	shalt  }
0x4c: {  	_ =	shalt  }
0x4d: {  	_ =	shalt  }
0x4e: {  	_ =	shalt  }
0x4f: {  	_ =	shalt  }
0x50: {  	_ =	shalt  }
0x51: {  	_ =	shalt  }
0x52: {  	_ =	shalt  }
0x53: {  	_ =	shalt  }
0x54: {  	_ =	shalt  }
0x55: {  	_ =	shalt  }
0x56: {  	_ =	shalt  }
0x57: {  	_ =	shalt  }
0x58: {  	_ =	shalt  }
0x59: {  	_ =	shalt  }
0x5a: {  	_ =	shalt  }
0x5b: {  	_ =	shalt  }
0x5c: {  	_ =	shalt  }
0x5d: {  	_ =	shalt  }
0x5e: {  	_ =	shalt  }
0x5f: {  	_ =	shalt  }
0x60: {  	_ =	shalt  }
0x61: {  	_ =	shalt  }
0x62: {  	_ =	shalt  }
0x63: {  	_ =	shalt  }
0x64: {  	_ =	shalt  }
0x65: {  	_ =	shalt  }
0x66: {  	_ =	shalt  }
0x67: {  	_ =	shalt  }
0x68: {  	_ =	shalt  }
0x69: {  	_ =	shalt  }
0x6a: {  	_ =	shalt  }
0x6b: {  	_ =	shalt  }
0x6c: {  	_ =	shalt  }
0x6d: {  	_ =	shalt  }
0x6e: {  	_ =	shalt  }
0x6f: {  	_ =	shalt  }
0x70: {  	_ =	shalt  }
0x71: {  	_ =	shalt  }
0x72: {  	_ =	shalt  }
0x73: {  	_ =	shalt  }
0x74: {  	_ =	shalt  }
0x75: {  	_ =	shalt  }
0x76: {  	_ =	shalt  }
0x77: {  	_ =	shalt  }
0x78: {  	_ =	shalt  }
0x79: {  	_ =	shalt  }
0x7a: {  	_ =	shalt  }
0x7b: {  	_ =	shalt  }
0x7c: {  	_ =	shalt  }
0x7d: {  	_ =	shalt  }
0x7e: {  	_ =	shalt  }
0x7f: {  	_ =	shalt  }
0x80: {  	_ =	shalt  }
0x81: {  	_ =	shalt  }
0x82: {  	_ =	shalt  }
0x83: {  	_ =	shalt  }
0x84: {  	_ =	shalt  }
0x85: {  	_ =	shalt  }
0x86: {  	_ =	shalt  }
0x87: {  	_ =	shalt  }
.Lfunc_end0:
.L_simem_size_0:
called_computation.2_lowered:
.L_overlay_start_0:
0x88: {  	s2 =	sld [smem:$0x3FD9]  }
0x89: {  	s3 =	sld [smem:$0x3FFE];
	_ =	sdelay $0x1  }
0x8a: {  	s1 =	srdreg.scid  }
0x8b: {  	s0 =	sand.u32 $0x1, s1  }
0x8c: {  	s17 =	sshll.u32 s0, $0xA;
	s2 =	sadd.s32 s3, s2  }
0x8d: {  	s2 =	sadd.s32 s2, s17  }
0x8e: {  	[smem:$0x3FC0] =	sst s2  }
0x8f: {  	_ = 	snop  }
0x90: {  	s2 =	sld [smem:$0x3FD0];
	(tm) =	ssettm $0x1  }
0x91: {  	s18 =	sld [smem:$0x3FFB];
	_ =	sdelay $0x3  }
0x92: {  	_ =	strace s18  }
0x93: {  	s3 =	sld [smem:$0x3FFC];
	_ =	sdelay $0x3  }
0x94: {  	_ =	strace s3  }
0x95: {  	s3 =	sld [smem:$0x3FFD];
	_ =	sdelay $0x3  }
0x96: {  	_ =	strace s3  }
0x97: {  	_ =	strace $0x8FFFFFFF  }
0x98: {  	s19 =	sld [smem:$0x3FDB];
	_ =	sdelay $0x1  }
0x99: {  	s4 =	simm.s32 $_scs_section_size  }
0x9a: {  	s5 =	simm.s32 $_size__tile_overlayer_lowered;
	s6 =	simm.s32 $_tile_overlayer_lowered  }
0x9b: {  	s22 =	simm.s32 $0x1BFF;
	s21 =	sshll.u32 s6, $0x1;
	s3 =	sadd.s32 s4, s19  }
0x9c: {  	s7 =	simm.s32 $0x0;
	s20 =	sshll.u32 s5, $0x1;
	s5 =	sadd.s32 s21, s3  }
0x9d: {  	[timem:s7], [sflag:s22] =	dma.local [hbm:s5], s20  }
0x9e: {  	_ =	swait.ge [sflag:s22], s20  }
0x9f: {  	s4 =	ssub.s32 $0x0, s20;
	[sflag:s22] =	ssyncset.done $0x0  }
0xa0: {  	[sflag:s22] =	ssyncadd.s32 s4;
	_ =	sdelay $0x1  }
0xa1: {  	s23 =	simm.s32 $0x1B8B  }
0xa2: {  	_ =	swait.ge [sflag:s23], $0x1  }
0xa3: {  	[sflag:s23] =	ssyncset.done $0x0  }
0xa4: {  	s25 =	simm.s32 $0x1B8E;
	s24 =	sld [smem:$0x3FFE];
	[sflag:s23] =	ssyncadd.s32 $0xFFFFFFFF  }
0xa5: {  	s26 =	simm.s32 $execute0_lowered;
	[smem:$0x3FD2] =	sst s25  }
0xa6: {  	s5 =	sshll.u32 s26, $0x1;
	_ =	strace $0x8000004C;
	[dreg:$0x1] =	wrdreg $0xFFFFFFFF  }
0xa7: {  	s28 =	simm.s32 $_size_execute0_lowered;
	s3 =	sadd.s32 s3, s5;
	[dreg:$0x0] =	wrdreg $0x0  }
0xa8: {  	s5 =	sshll.u32 s28, $0x1;
	[dreg:$0x2] =	wrdreg s3  }
0xa9: {  	[dreg:$0x3] =	wrdreg s5  }
0xaa: {  	[dreg:$0x4] =	wrdreg $0xC0  }
0xab: {  	_ =	task [dreg:s7], $0x5FFFF  }
0xac: {  	[dreg:$0x1] =	wrdreg $0xFFFFFFFF  }
0xad: {  	[dreg:$0x0] =	wrdreg $0x60  }
0xae: {  	[dreg:$0x2] =	wrdreg s2  }
0xaf: {  	[dreg:$0x3] =	wrdreg s24  }
0xb0: {  	[dreg:$0x4] =	wrdreg $0xA8000  }
0xb1: {  	[dreg:$0x5] =	wrdreg $0x9  }
0xb2: {  	_ =	task.clear_ibuf [dreg:s7], $0x6FFFF;
	_ =	strace $0x9000004C  }
0xb3: {  	s29 =	simm.s32 $0x9;
	_ =	strace $0x8000004E  }
0xb4: {  	_ =	swait.ge [sflag:s29], $0x1  }
0xb5: {  	[sflag:s29] =	ssyncadd.s32 $0xFFFFFFFF  }
0xb6: {  	_ =	strace $0x9000004E  }
0xb7: {  	_ =	sfence  }
0xb8: {  	s30 =	sld [smem:$0x0];
	_ =	sdelay $0x2  }
0xb9: {  	s31 =	sshll.u32 s1, $0xD;
	s1 =	sshrl.u32 s1, $0x2  }
0xba: {  	s3 =	sand.u32 $0x4000, s31;
	s1 =	sadd.s32 s1, s30  }
0xbb: {  	s0 =	sor.u32 s3, s0;
	s1 =	sshll.u32 s1, $0x11  }
0xbc: {  	s0 =	sor.u32 s1, s0  }
0xbd: {  	s0 =	sadd.s32 $0x8F2B, s0  }
0xbe: {  	[sflag:s0] =	ssyncadd.remote.s32 $0x1  }
0xbf: {  	_ =	sfence.sel $0xFFFF  }
0xc0: {  	[dreg:$0x0] =	wrdreg $0xFFFFFFFF;
	(pc) =	sbr.abs _section_cstart, $3  }
0xc1: {  	[dreg:$0x1] =	wrdreg $0xFFFFFFFF  }
0xc2: {  	_ =	task.clear_ibuf [dreg:s7], $0x2FFFF;
	_ =	strace $0x9FFFFFFF  }
0xc3: {  	(tm) =	ssettm $0x7FFFFFFF  }
tec
execute0_lowered:
.L_overlay_start_1:
0x0: {  	(tag) =	ssettag $0x1  }
0x1: {  	s1 =	rddreg [dreg:$0x0]  }
0x2: {  	s5 =	rddreg [dreg:$0x1]  }
0x3: {  	s3 =	rddreg [dreg:$0x2]  }
0x4: {  	s0 =	srdreg.scid;
	s2 =	rddreg [dreg:$0x3];
	s4 =	simm.s32 $0x0  }
0x5: {  	s14 =	simm.s32 $0x2800;
	s15 =	simm.s32 $0x100;
	s16 =	simm.s32 $0x6800  }
0x6: {  	s17 =	simm.s32 $0x1;
	s18 =	simm.s32 $0x3;
	s6 =	sand.u32 $0x1, s0  }
0x7: {  	s19 =	simm.s32 $0x2;
	s0 =	stileid.u32;
	s7 =	smul.u32 $0x50000, s6  }
0x8: {  	s20 =	simm.s32 $0x4;
	s21 =	simm.s32 $0x2680;
	s8 =	smul.u32 $0x5000, s0  }
0x9: {  	s22 =	simm.s32 $0x2780;
	[smem:$0x7FF] =	sst s4;
	s26 =	smul.u32 $0x14000, s0  }
0xa: {  	s23 =	simm.s32 $0x0;
	s9 =	smul.u32 $0x140000, s6;
	_ =	strace $0x8000004D  }
0xb: {  	s6 =	ssub.s32 $0x2, s6;
	s29 =	smul.u32 $0x50000, s0;
	s31 =	sshll.u32 s0, $0x6  }
0xc: {  	s11 =	sshrl.u32 s6, $0x1;
	s7 =	sadd.s32 s8, s7;
	s28 =	sshrl.u32 s26, $0x3  }
0xd: {  	s8 =	sadd.s32 s26, s9;
	s11 =	ssub.s32 s6, s11;
	s30 =	sshrl.u32 s29, $0x2  }
0xe: {  	s6 =	sor.u32 $0x1C05, s31;
	s7 =	sshrl.u32 s7, $0x3;
	s8 =	sshrl.u32 s8, $0x3  }
0xf: {  	s13 =	sadd.s32 s30, s3;
	s10 =	sadd.s32 s7, s5;
	s7 =	sadd.s32 s28, s5  }
0x10: {  	s12 =	sadd.s32 s8, s5;
	s5 =	sadd.s32 $0x4000, s7;
	s7 =	sadd.s32 $0x7C000, s10  }
0x11: {  	s8 =	sadd.s32 $0x7C500, s10;
	s9 =	sadd.s32 $0x90000, s12;
	s10 =	smax.u32 s11, $0x1  }
0x12: {  	s11 =	sshrl.u32 s13, $0x3;
	s12 =	simm.s32 $0x5;
	s13 =	simm.s32 $0x80  }
.LBB2_1:
0x13: {  	[spmem:s11], [sflag:s6] =	dma.local [hbm:s5], $0x2800  }
0x14: {  	_ =	swait.ge [sflag:s12], $0x2800  }
0x15: {  	[sflag:s12] =	ssyncset.done $0x0  }
0x16: {  	[sflag:s12] =	ssyncadd.s32 $0xFFFFD800  }
0x17: {  	[bflag:$0x0] =	sbarrier.arrive $0xFFFF  }
0x18: {  	[tilespmem:s4], [sflag:$0x5] =	stream.linear.gather [hbm4b:s7+s4], $0x2800, $0x38;
	[tilespmem:$0x1E800] =	vst v63  }
0x19: {  	_ =	swait.ge [sflag:s12], $0x2800  }
0x1a: {  	[sflag:s12] =	ssyncset.done $0x0  }
0x1b: {  	[sflag:s12] =	ssyncadd.s32 $0xFFFFD800  }
0x1c: {  	[tilespmem:s14], [sflag:$0x1] =	stream.indirect.gather [hbm4b:s1+s13], $0x80, s4, s13, $0xb8;
	[tilespmem:$0x1E800] =	vst v63  }
0x1d: {  	_ = 	snop  }
0x1e: {  	[tilespmem:s16], [sflag:$0x2] =	stream.indirect.gather [hbm4b:s1+s13], $0x80, s15, s13, $0xb8;
	[tilespmem:$0x1E800] =	vst v63  }
0x1f: {  	_ =	swait.ge [sflag:s17], $0x4000  }
0x20: {  	[sflag:s17] =	ssyncset.done $0x0  }
0x21: {  	s24 =	simm.s32 $0x80;
	[sflag:s17] =	ssyncadd.s32 $0xFFFFC000  }
0x22: {  	[spmem:s3] =	stream.indirect.scatter.add.f32 [tilespmem:s14], [sflag:$0x3], $0x80, s24, s13, $0xb8;
	[tilespmem:$0x1E800] =	vst v63  }
0x23: {  	_ =	swait.ge [sflag:s18], $0x4000  }
0x24: {  	[sflag:s18] =	ssyncset.done $0x0  }
0x25: {  	s30 =	simm.s32 $0x200;
	[sflag:s18] =	ssyncadd.s32 $0xFFFFC000  }
0x26: {  	[tilespmem:s14], [sflag:$0x1] =	stream.indirect.gather [hbm4b:s1+s13], $0x80, s30, s13, $0xb8;
	[tilespmem:$0x1E800] =	vst v63  }
0x27: {  	_ =	swait.ge [sflag:s19], $0x4000  }
0x28: {  	[sflag:s19] =	ssyncset.done $0x0  }
0x29: {  	s31 =	simm.s32 $0x180;
	[sflag:s19] =	ssyncadd.s32 $0xFFFFC000  }
0x2a: {  	[spmem:s3] =	stream.indirect.scatter.add.f32 [tilespmem:s16], [sflag:$0x4], $0x80, s31, s13, $0xb8;
	[tilespmem:$0x1E800] =	vst v63  }
0x2b: {  	_ =	swait.ge [sflag:s20], $0x4000  }
0x2c: {  	[sflag:s20] =	ssyncset.done $0x0  }
0x2d: {  	s25 =	simm.s32 $0x300;
	s24 =	simm.s32 $0xFFFF7000;
	[sflag:s20] =	ssyncadd.s32 $0xFFFFC000  }
.LBB2_2:
0x2e: {  	[tilespmem:s16], [sflag:$0x2] =	stream.indirect.gather [hbm4b:s1+s13], $0x80, s25, s13, $0xb8;
	[tilespmem:$0x1E800] =	vst v63  }
0x2f: {  	s25 =	smov.u32 s24  }
0x30: {  	p0 =	sne.s32 s24, $0xFFFFF800;
	s24 =	sadd.s32 $0x800, s24;
	_ =	swait.ge [sflag:s17], $0x4000  }
0x31: {  	s25 =	sshra.s32 s25, $0x2;
	[sflag:s17] =	ssyncset.done $0x0  }
0x32: {  	s26 =	sadd.s32 $0x2680, s25;
	[sflag:s17] =	ssyncadd.s32 $0xFFFFC000  }
0x33: {  	[spmem:s3] =	stream.indirect.scatter.add.f32 [tilespmem:s14], [sflag:$0x3], $0x80, s26, s13, $0xb8;
	[tilespmem:$0x1E800] =	vst v63  }
0x34: {  	_ =	swait.ge [sflag:s18], $0x4000  }
0x35: {  	[sflag:s18] =	ssyncset.done $0x0  }
0x36: {  	s26 =	sadd.s32 $0x2800, s25;
	[sflag:s18] =	ssyncadd.s32 $0xFFFFC000  }
0x37: {  	[tilespmem:s14], [sflag:$0x1] =	stream.indirect.gather [hbm4b:s1+s13], $0x80, s26, s13, $0xb8;
	[tilespmem:$0x1E800] =	vst v63  }
0x38: {  	_ =	swait.ge [sflag:s19], $0x4000  }
0x39: {  	[sflag:s19] =	ssyncset.done $0x0  }
.Ltmp0:
0x3a: {  	s26 =	sadd.s32 $0x2780, s25;
	[sflag:s19] =	ssyncadd.s32 $0xFFFFC000;
	(pc) =	sbr.rel @p0 .LBB2_2-.Ltmp0, $4  }
0x3b: {  	[spmem:s3] =	stream.indirect.scatter.add.f32 [tilespmem:s16], [sflag:$0x4], $0x80, s26, s13, $0xb8;
	[tilespmem:$0x1E800] =	vst v63  }
0x3c: {  	_ =	swait.ge [sflag:s20], $0x4000  }
0x3d: {  	[sflag:s20] =	ssyncset.done $0x0  }
0x3e: {  	s25 =	sadd.s32 $0x2900, s25;
	[sflag:s20] =	ssyncadd.s32 $0xFFFFC000  }
0x3f: {  	[tilespmem:s16], [sflag:$0x2] =	stream.indirect.gather [hbm4b:s1+s13], $0x80, s25, s13, $0xb8;
	[tilespmem:$0x1E800] =	vst v63  }
0x40: {  	_ =	swait.ge [sflag:s17], $0x4000  }
0x41: {  	[sflag:s17] =	ssyncset.done $0x0  }
0x42: {  	[sflag:s17] =	ssyncadd.s32 $0xFFFFC000  }
0x43: {  	[spmem:s3] =	stream.indirect.scatter.add.f32 [tilespmem:s14], [sflag:$0x3], $0x80, s21, s13, $0xb8;
	[tilespmem:$0x1E800] =	vst v63  }
0x44: {  	_ =	swait.ge [sflag:s18], $0x4000  }
0x45: {  	[sflag:s18] =	ssyncset.done $0x0  }
0x46: {  	[sflag:s18] =	ssyncadd.s32 $0xFFFFC000  }
0x47: {  	_ =	swait.ge [sflag:s19], $0x4000  }
0x48: {  	[sflag:s19] =	ssyncset.done $0x0  }
0x49: {  	[sflag:s19] =	ssyncadd.s32 $0xFFFFC000  }
0x4a: {  	[spmem:s3] =	stream.indirect.scatter.add.f32 [tilespmem:s16], [sflag:$0x4], $0x80, s22, s13, $0xb8;
	[tilespmem:$0x1E800] =	vst v63  }
0x4b: {  	_ =	swait.ge [sflag:s20], $0x4000  }
0x4c: {  	[sflag:s20] =	ssyncset.done $0x0  }
0x4d: {  	[sflag:s20] =	ssyncadd.s32 $0xFFFFC000  }
0x4e: {  	[tilespmem:s4], [sflag:$0x5] =	stream.linear.gather [hbm4b:s8+s4], $0x2800, $0x38;
	[tilespmem:$0x1E800] =	vst v63  }
0x4f: {  	_ =	swait.ge [sflag:s12], $0x2800  }
0x50: {  	[sflag:s12] =	ssyncset.done $0x0  }
0x51: {  	[sflag:s12] =	ssyncadd.s32 $0xFFFFD800  }
0x52: {  	[tilespmem:s14], [sflag:$0x1] =	stream.indirect.gather [hbm4b:s1+s13], $0x80, s4, s13, $0xb8;
	[tilespmem:$0x1E800] =	vst v63  }
0x53: {  	_ = 	snop  }
0x54: {  	[tilespmem:s16], [sflag:$0x2] =	stream.indirect.gather [hbm4b:s1+s13], $0x80, s15, s13, $0xb8;
	[tilespmem:$0x1E800] =	vst v63  }
0x55: {  	_ =	swait.ge [sflag:s17], $0x4000  }
0x56: {  	[sflag:s17] =	ssyncset.done $0x0  }
0x57: {  	s24 =	simm.s32 $0x80;
	[sflag:s17] =	ssyncadd.s32 $0xFFFFC000  }
0x58: {  	[spmem:s3] =	stream.indirect.scatter.add.f32 [tilespmem:s14], [sflag:$0x3], $0x80, s24, s13, $0xb8;
	[tilespmem:$0x1E800] =	vst v63  }
0x59: {  	_ =	swait.ge [sflag:s18], $0x4000  }
0x5a: {  	[sflag:s18] =	ssyncset.done $0x0  }
0x5b: {  	s30 =	simm.s32 $0x200;
	[sflag:s18] =	ssyncadd.s32 $0xFFFFC000  }
0x5c: {  	[tilespmem:s14], [sflag:$0x1] =	stream.indirect.gather [hbm4b:s1+s13], $0x80, s30, s13, $0xb8;
	[tilespmem:$0x1E800] =	vst v63  }
0x5d: {  	_ =	swait.ge [sflag:s19], $0x4000  }
0x5e: {  	[sflag:s19] =	ssyncset.done $0x0  }
0x5f: {  	s31 =	simm.s32 $0x180;
	[sflag:s19] =	ssyncadd.s32 $0xFFFFC000  }
0x60: {  	[spmem:s3] =	stream.indirect.scatter.add.f32 [tilespmem:s16], [sflag:$0x4], $0x80, s31, s13, $0xb8;
	[tilespmem:$0x1E800] =	vst v63  }
0x61: {  	_ =	swait.ge [sflag:s20], $0x4000  }
0x62: {  	[sflag:s20] =	ssyncset.done $0x0  }
0x63: {  	s25 =	simm.s32 $0x300;
	s24 =	simm.s32 $0xFFFF7000;
	[sflag:s20] =	ssyncadd.s32 $0xFFFFC000  }
.LBB2_4:
0x64: {  	[tilespmem:s16], [sflag:$0x2] =	stream.indirect.gather [hbm4b:s1+s13], $0x80, s25, s13, $0xb8;
	[tilespmem:$0x1E800] =	vst v63  }
0x65: {  	s25 =	smov.u32 s24  }
0x66: {  	p0 =	sne.s32 s24, $0xFFFFF800;
	s24 =	sadd.s32 $0x800, s24;
	_ =	swait.ge [sflag:s17], $0x4000  }
0x67: {  	s25 =	sshra.s32 s25, $0x2;
	[sflag:s17] =	ssyncset.done $0x0  }
0x68: {  	s26 =	sadd.s32 $0x2680, s25;
	[sflag:s17] =	ssyncadd.s32 $0xFFFFC000  }
0x69: {  	[spmem:s3] =	stream.indirect.scatter.add.f32 [tilespmem:s14], [sflag:$0x3], $0x80, s26, s13, $0xb8;
	[tilespmem:$0x1E800] =	vst v63  }
0x6a: {  	_ =	swait.ge [sflag:s18], $0x4000  }
0x6b: {  	[sflag:s18] =	ssyncset.done $0x0  }
0x6c: {  	s26 =	sadd.s32 $0x2800, s25;
	[sflag:s18] =	ssyncadd.s32 $0xFFFFC000  }
0x6d: {  	[tilespmem:s14], [sflag:$0x1] =	stream.indirect.gather [hbm4b:s1+s13], $0x80, s26, s13, $0xb8;
	[tilespmem:$0x1E800] =	vst v63  }
0x6e: {  	_ =	swait.ge [sflag:s19], $0x4000  }
0x6f: {  	[sflag:s19] =	ssyncset.done $0x0  }
.Ltmp1:
0x70: {  	s26 =	sadd.s32 $0x2780, s25;
	[sflag:s19] =	ssyncadd.s32 $0xFFFFC000;
	(pc) =	sbr.rel @p0 .LBB2_4-.Ltmp1, $4  }
0x71: {  	[spmem:s3] =	stream.indirect.scatter.add.f32 [tilespmem:s16], [sflag:$0x4], $0x80, s26, s13, $0xb8;
	[tilespmem:$0x1E800] =	vst v63  }
0x72: {  	_ =	swait.ge [sflag:s20], $0x4000  }
0x73: {  	[sflag:s20] =	ssyncset.done $0x0  }
0x74: {  	s25 =	sadd.s32 $0x2900, s25;
	[sflag:s20] =	ssyncadd.s32 $0xFFFFC000  }
0x75: {  	[tilespmem:s16], [sflag:$0x2] =	stream.indirect.gather [hbm4b:s1+s13], $0x80, s25, s13, $0xb8;
	[tilespmem:$0x1E800] =	vst v63  }
0x76: {  	_ =	swait.ge [sflag:s17], $0x4000  }
0x77: {  	[sflag:s17] =	ssyncset.done $0x0  }
0x78: {  	[sflag:s17] =	ssyncadd.s32 $0xFFFFC000  }
0x79: {  	[spmem:s3] =	stream.indirect.scatter.add.f32 [tilespmem:s14], [sflag:$0x3], $0x80, s21, s13, $0xb8;
	[tilespmem:$0x1E800] =	vst v63  }
0x7a: {  	_ =	swait.ge [sflag:s18], $0x4000  }
0x7b: {  	[sflag:s18] =	ssyncset.done $0x0  }
0x7c: {  	[sflag:s18] =	ssyncadd.s32 $0xFFFFC000  }
0x7d: {  	_ =	swait.ge [sflag:s19], $0x4000  }
0x7e: {  	[sflag:s19] =	ssyncset.done $0x0  }
0x7f: {  	[sflag:s19] =	ssyncadd.s32 $0xFFFFC000  }
0x80: {  	[spmem:s3] =	stream.indirect.scatter.add.f32 [tilespmem:s16], [sflag:$0x4], $0x80, s22, s13, $0xb8;
	[tilespmem:$0x1E800] =	vst v63  }
0x81: {  	_ =	swait.ge [sflag:s20], $0x4000  }
0x82: {  	s23 =	sadd.s32 $0x1, s23;
	[sflag:s20] =	ssyncset.done $0x0  }
0x83: {  	p0 =	sne.s32 s23, s10;
	[sflag:s20] =	ssyncadd.s32 $0xFFFFC000  }
.Ltmp2:
0x84: {  	[bflag:$0x0] =	sbarrier.arrive $0xFFFF;
	(pc) =	sbr.rel @p0 .LBB2_1-.Ltmp2, $4  }
0x85: {  	[hbm:s9], [sflag:s6] =	dma.local [spmem:s11], $0x2800  }
0x86: {  	_ =	swait.ge [sflag:s12], $0x2800  }
0x87: {  	[sflag:s12] =	ssyncset.done $0x0  }
0x88: {  	[sflag:s12] =	ssyncadd.s32 $0xFFFFD800  }
0x89: {  	_ =	sfence.sel $0x180000  }
0x8a: {  	[bflag:$0x0] =	sbarrier.arrive $0xFFFF  }
0x8b: {  	p0 =	sne.s32 s0, $0x0;
	_ =	strace $0x9000004D  }
0x8c: {  	s0 =	sadd.s32 @!p0 $0x100000, s2;
	[bflag:$0x2] =	sbarrier.arrive $0xFFFF  }
0x8d: {  	[sflag:s0] =	ssyncadd.tile.s32 @!p0 $0x1;
	_ =	shalt  }
.Lfunc_end2:
_tile_overlayer_lowered:
.L_overlay_start_2:
0x8e: {  	(tag) =	ssettag $0x2  }
0x8f: {  	s0 =	rddreg [dreg:$0x0];
	s2 =	stileid.u32  }
0x90: {  	s1 =	rddreg [dreg:$0x1];
	p0 =	sne.s32 s2, $0x0  }
0x91: {  	s3 =	rddreg [dreg:$0x2];
	[bflag:$0x3] =	sbarrier.arrive $0xFFFF;
	s2 =	simm.s32 @!p0 $0x1C05  }
0x92: {  	[timem:s3], [sflag:s2] =	dma.local @!p0 [hbm:s0], s1  }
0x93: {  	s0 =	simm.s32 @!p0 $0x5  }
0x94: {  	_ =	swait.ge @!p0 [sflag:s0], s1  }
0x95: {  	s1 =	ssub.s32 @!p0 $0x0, s1;
	[sflag:s0] =	ssyncset.done @!p0 $0x0  }
0x96: {  	[sflag:s0] =	ssyncadd.s32 @!p0 s1  }
0x97: {  	[bflag:$0x3] =	sbarrier.arrive $0xFFFF  }
0x98: {  	_ =	shalt  }

// kernel: kernel.18.cloned.1.call-start
scs
__scs_entry_jumppad:
0x0: {  	(pc) =	sbr.rel $0x88, $3  }
0x1: {  	(tag) =	ssettag $0x0;
	lr =	simm.s32 $0x1  }
0x2: {  	[smem:$0x3F99] =	sst lr;
	_ =	strace $0xD0000000  }
0x3: {  	_ = 	snop  }
0x4: {  	_ = 	snop  }
0x5: {  	_ = 	snop  }
0x6: {  	_ = 	snop  }
0x7: {  	_ = 	snop  }
__scs_overlays_trampoline_lowered:
0x8: {  	[smem:$0x3FA8] =	sst s0  }
0x9: {  	[smem:$0x3FA9] =	sst s1  }
0xa: {  	[smem:$0x3FAA] =	sst s2  }
0xb: {  	[smem:$0x3FAB] =	sst s3  }
0xc: {  	[smem:$0x3FAC] =	sst s4  }
0xd: {  	[smem:$0x3FAD] =	sst s5  }
0xe: {  	[smem:$0x3FAE] =	sst s6  }
0xf: {  	[smem:$0x3FAF] =	sst s7  }
0x10: {  	[smem:$0x3FB0] =	sst s8  }
0x11: {  	[smem:$0x3FB1] =	sst s9;
	s0 =	simm.s32 @!p0 $0x0  }
0x12: {  	s1 =	sld [smem:$0x3F97];
	s0 =	simm.s32 @p0 $0x1  }
0x13: {  	[smem:$0x3FB2] =	sst s0;
	s0 =	simm.s32 @!p1 $0x0  }
0x14: {  	s2 =	sld [smem:$0x3F96];
	s0 =	simm.s32 @p1 $0x1  }
0x15: {  	[smem:$0x3FB3] =	sst s0;
	s0 =	simm.s32 @!p2 $0x0  }
0x16: {  	s3 =	sld [smem:$0x3FDB];
	s0 =	simm.s32 @p2 $0x1  }
0x17: {  	s4 =	simm.s32 $0x1BF5;
	[smem:$0x3FB5] =	sst s0  }
0x18: {  	s0 =	sld [smem:$0x3F98];
	_ =	swait.ge [sflag:s4], $0x0  }
0x19: {  	s7 =	sld [smem:$0x3F99]  }
0x1a: {  	s8 =	sadd.s32 $0xFFFFE003, lr  }
0x1b: {  	s9 =	sadd.s32 $0xFFFFFEF7, lr;
	s5 =	simm.s32 $0xFFFFFFFF;
	p2 =	slt.u32 s8, $0xFFFFF086  }
0x1c: {  	p1 =	slt.u32 s9, $0xF7A;
	s5 =	simm.s32 @!p2 $0x0  }
0x1d: {  	s5 =	simm.s32 @p1 $0x1;
	p0 =	seq.s32 s7, s2  }
0x1e: {  	s7 =	smul.u32 @!p0 $0xF7A, s2;
	p2 =	seq.s32 @!p0 s5, $0x0  }
0x1f: {  	s9 =	smul.u32 $0xF7A, s1;
	s8 =	simm.s32 @!p0 $0x1BF5;
	p2 =	por !p2, p0  }
0x20: {  	[sflag:s8] =	ssyncset.s32 @!p0 $0xFFFFF086;
	s6 =	sadd.s32 @!p0 s3, s7;
	s7 =	simm.s32 @!p0 $0x108  }
0x21: {  	s3 =	sadd.s32 s3, s9;
	s6 =	sadd.s32 @!p0 $0x88, s6;
	s7 =	simm.s32 @p2 $0x1082  }
0x22: {  	[simem:s7], [sflag:s8] =	dma.local @!p0 [hbm:s6], $0xF7A  }
0x23: {  	s9 =	sor.u32 $0xD0000000, s2;
	s6 =	simm.s32 $0x108;
	_ =	swait.ge @!p0 [sflag:s8], $0x0  }
0x24: {  	s3 =	sadd.s32 $0x88, s3;
	s6 =	simm.s32 @!p1 $0x1082;
	[sflag:s4] =	ssyncset.s32 $0xFFFFF086  }
0x25: {  	[simem:s6], [sflag:s4] =	dma.local [hbm:s3], $0xF7A  }
0x26: {  	[smem:$0x3F99] =	sst s1;
	(tag) =	ssettag s2;
	_ =	strace s9  }
0x27: {  	s1 =	sld [smem:$0x3FA9]  }
0x28: {  	s2 =	sld [smem:$0x3FAA]  }
0x29: {  	s4 =	sld [smem:$0x3FAC]  }
0x2a: {  	p0 =	seq.s32 s5, $0x0;
	s5 =	sld [smem:$0x3FAD]  }
0x2b: {  	s6 =	sld [smem:$0x3FAE]  }
0x2c: {  	s7 =	sld [smem:$0x3FAF]  }
0x2d: {  	s3 =	simm.s32 $0x108;
	s8 =	sld [smem:$0x3FB0]  }
0x2e: {  	s3 =	simm.s32 @!p0 $0x1082;
	s9 =	sld [smem:$0x3FB1]  }
0x2f: {  	lr =	sadd.s32 s0, s3;
	s0 =	sld [smem:$0x3FA8]  }
0x30: {  	s3 =	sld [smem:$0x3FAB]  }
0x31: {  	[smem:$0x3FB4] =	sst s10  }
0x32: {  	s10 =	sld [smem:$0x3FB2];
	_ =	sdelay $0x3  }
0x33: {  	p0 =	seq.s32 s10, $0x1;
	s10 =	sld [smem:$0x3FB4];
	_ =	sdelay $0x3  }
0x34: {  	[smem:$0x3FB4] =	sst s10  }
0x35: {  	s10 =	sld [smem:$0x3FB3];
	_ =	sdelay $0x3  }
0x36: {  	p1 =	seq.s32 s10, $0x1;
	s10 =	sld [smem:$0x3FB4];
	_ =	sdelay $0x3  }
0x37: {  	[smem:$0x3FB4] =	sst s10  }
0x38: {  	s10 =	sld [smem:$0x3FB5]  }
0x39: {  	_ = 	snop;
	(pc) =	sbr.ind lr, $3  }
0x3a: {  	_ = 	snop  }
0x3b: {  	_ = 	snop  }
0x3c: {  	p2 =	seq.s32 s10, $0x1;
	s10 =	sld [smem:$0x3FB4]  }
0x3d: {  	_ =	shalt  }
0x3e: {  	_ =	shalt  }
0x3f: {  	_ =	shalt  }
0x40: {  	_ =	shalt  }
0x41: {  	_ =	shalt  }
0x42: {  	_ =	shalt  }
0x43: {  	_ =	shalt  }
0x44: {  	_ =	shalt  }
0x45: {  	_ =	shalt  }
0x46: {  	_ =	shalt  }
0x47: {  	_ =	shalt  }
0x48: {  	_ =	shalt  }
0x49: {  	_ =	shalt  }
0x4a: {  	_ =	shalt  }
0x4b: {  	_ =	shalt  }
0x4c: {  	_ =	shalt  }
0x4d: {  	_ =	shalt  }
0x4e: {  	_ =	shalt  }
0x4f: {  	_ =	shalt  }
0x50: {  	_ =	shalt  }
0x51: {  	_ =	shalt  }
0x52: {  	_ =	shalt  }
0x53: {  	_ =	shalt  }
0x54: {  	_ =	shalt  }
0x55: {  	_ =	shalt  }
0x56: {  	_ =	shalt  }
0x57: {  	_ =	shalt  }
0x58: {  	_ =	shalt  }
0x59: {  	_ =	shalt  }
0x5a: {  	_ =	shalt  }
0x5b: {  	_ =	shalt  }
0x5c: {  	_ =	shalt  }
0x5d: {  	_ =	shalt  }
0x5e: {  	_ =	shalt  }
0x5f: {  	_ =	shalt  }
0x60: {  	_ =	shalt  }
0x61: {  	_ =	shalt  }
0x62: {  	_ =	shalt  }
0x63: {  	_ =	shalt  }
0x64: {  	_ =	shalt  }
0x65: {  	_ =	shalt  }
0x66: {  	_ =	shalt  }
0x67: {  	_ =	shalt  }
0x68: {  	_ =	shalt  }
0x69: {  	_ =	shalt  }
0x6a: {  	_ =	shalt  }
0x6b: {  	_ =	shalt  }
0x6c: {  	_ =	shalt  }
0x6d: {  	_ =	shalt  }
0x6e: {  	_ =	shalt  }
0x6f: {  	_ =	shalt  }
0x70: {  	_ =	shalt  }
0x71: {  	_ =	shalt  }
0x72: {  	_ =	shalt  }
0x73: {  	_ =	shalt  }
0x74: {  	_ =	shalt  }
0x75: {  	_ =	shalt  }
0x76: {  	_ =	shalt  }
0x77: {  	_ =	shalt  }
0x78: {  	_ =	shalt  }
0x79: {  	_ =	shalt  }
0x7a: {  	_ =	shalt  }
0x7b: {  	_ =	shalt  }
0x7c: {  	_ =	shalt  }
0x7d: {  	_ =	shalt  }
0x7e: {  	_ =	shalt  }
0x7f: {  	_ =	shalt  }
0x80: {  	_ =	shalt  }
0x81: {  	_ =	shalt  }
0x82: {  	_ =	shalt  }
0x83: {  	_ =	shalt  }
0x84: {  	_ =	shalt  }
0x85: {  	_ =	shalt  }
0x86: {  	_ =	shalt  }
0x87: {  	_ =	shalt  }
.Lfunc_end0:
.L_simem_size_0:
called_computation.3_lowered:
.L_overlay_start_0:
0x88: {  	s2 =	sld [smem:$0x3FD9]  }
0x89: {  	s3 =	sld [smem:$0x3FFE];
	_ =	sdelay $0x1  }
0x8a: {  	s1 =	srdreg.scid  }
0x8b: {  	s0 =	sand.u32 $0x1, s1  }
0x8c: {  	s17 =	sshll.u32 s0, $0xA;
	s2 =	sadd.s32 s3, s2  }
0x8d: {  	s2 =	sadd.s32 s2, s17  }
0x8e: {  	[smem:$0x3FC0] =	sst s2  }
0x8f: {  	_ = 	snop  }
0x90: {  	(tm) =	ssettm $0x1  }
0x91: {  	s18 =	sld [smem:$0x3FFB];
	_ =	sdelay $0x3  }
0x92: {  	_ =	strace s18  }
0x93: {  	s2 =	sld [smem:$0x3FFC];
	_ =	sdelay $0x3  }
0x94: {  	_ =	strace s2  }
0x95: {  	s2 =	sld [smem:$0x3FFD];
	_ =	sdelay $0x3  }
0x96: {  	_ =	strace s2  }
0x97: {  	_ =	strace $0x8FFFFFFF  }
0x98: {  	s19 =	sld [smem:$0x3FDB];
	_ =	sdelay $0x1  }
0x99: {  	s20 =	simm.s32 $_scs_section_size  }
0x9a: {  	s4 =	simm.s32 $_size__tile_overlayer_lowered;
	s5 =	simm.s32 $_tile_overlayer_lowered  }
0x9b: {  	s6 =	simm.s32 $0x1BFF;
	s21 =	sshll.u32 s5, $0x1;
	s3 =	sadd.s32 s20, s19  }
0x9c: {  	s22 =	simm.s32 $0x0;
	s4 =	sshll.u32 s4, $0x1;
	s5 =	sadd.s32 s21, s3  }
0x9d: {  	[timem:s22], [sflag:s6] =	dma.local [hbm:s5], s4  }
0x9e: {  	_ =	swait.ge [sflag:s6], s4  }
0x9f: {  	s4 =	ssub.s32 $0x0, s4;
	[sflag:s6] =	ssyncset.done $0x0  }
0xa0: {  	[sflag:s6] =	ssyncadd.s32 s4;
	_ =	sdelay $0x1  }
0xa1: {  	s23 =	simm.s32 $0x1B8B  }
0xa2: {  	_ =	swait.ge [sflag:s23], $0x1  }
0xa3: {  	[sflag:s23] =	ssyncset.done $0x0  }
0xa4: {  	[sflag:s23] =	ssyncadd.s32 $0xFFFFFFFF  }
0xa5: {  	s4 =	sld [smem:$0x0]  }
0xa6: {  	s5 =	sand.u32 $0xFFFFFFFE, s1  }
0xa7: {  	p0 =	sne.s32 s1, s5  }
0xa8: {  	s5 =	sshll.u32 @p0 s5, $0xE  }
0xa9: {  	s5 =	sadd.s32 @p0 $0x11B8D, s5;
	s6 =	sshll.u32 @p0 s4, $0x11  }
0xaa: {  	s5 =	sor.u32 @p0 s6, s5  }
0xab: {  	[sflag:s5] =	ssyncadd.remote.s32 @p0 $0x1;
	_ =	sdelay $0x1  }
0xac: {  	s5 =	simm.s32 @p0 $0x1B8D  }
0xad: {  	_ =	swait.eq @p0 [sflag:s5], $0x1  }
0xae: {  	[sflag:s5] =	ssyncadd.s32 @p0 $0xFFFFFFFF  }
0xaf: {  	s6 =	sshll.u32 @!p0 s1, $0xE  }
0xb0: {  	s6 =	sor.u32 @!p0 $0x4000, s6;
	s5 =	simm.s32 @!p0 $0x1B8D  }
0xb1: {  	s4 =	sshll.u32 @!p0 s4, $0x11;
	s6 =	sadd.s32 @!p0 $0x11B8D, s6;
	_ =	swait.eq @!p0 [sflag:s5], $0x1  }
0xb2: {  	s4 =	sor.u32 @!p0 s4, s6;
	[sflag:s5] =	ssyncadd.s32 @!p0 $0xFFFFFFFF  }
0xb3: {  	s25 =	simm.s32 $0x1B8E;
	s24 =	sld [smem:$0x3FFE];
	[sflag:s4] =	ssyncadd.remote.s32 @!p0 $0x1  }
0xb4: {  	s26 =	simm.s32 $execute0_lowered;
	[smem:$0x3FD2] =	sst s25  }
0xb5: {  	s5 =	sshll.u32 s26, $0x1;
	_ =	strace $0x8000004F;
	[dreg:$0x1] =	wrdreg $0xFFFFFFFF  }
0xb6: {  	s28 =	simm.s32 $_size_execute0_lowered;
	s3 =	sadd.s32 s3, s5;
	[dreg:$0x0] =	wrdreg $0x0  }
0xb7: {  	s5 =	sshll.u32 s28, $0x1;
	[dreg:$0x2] =	wrdreg s3  }
0xb8: {  	[dreg:$0x3] =	wrdreg s5  }
0xb9: {  	[dreg:$0x4] =	wrdreg $0xC0  }
0xba: {  	_ =	task [dreg:s22], $0x5FFFF  }
0xbb: {  	[dreg:$0x1] =	wrdreg $0xFFFFFFFF  }
0xbc: {  	[dreg:$0x0] =	wrdreg $0x60  }
0xbd: {  	[dreg:$0x2] =	wrdreg s24  }
0xbe: {  	[dreg:$0x3] =	wrdreg $0xA8000  }
0xbf: {  	[dreg:$0x4] =	wrdreg $0xA  }
0xc0: {  	_ =	task.clear_ibuf [dreg:s22], $0x5FFFF;
	_ =	strace $0x9000004F  }
0xc1: {  	s29 =	simm.s32 $0xA;
	_ =	strace $0x80000051  }
0xc2: {  	_ =	swait.ge [sflag:s29], $0x1  }
0xc3: {  	[sflag:s29] =	ssyncadd.s32 $0xFFFFFFFF  }
0xc4: {  	_ =	strace $0x90000051  }
0xc5: {  	_ =	sfence  }
0xc6: {  	s30 =	sld [smem:$0x0];
	_ =	sdelay $0x2  }
0xc7: {  	s31 =	sshll.u32 s1, $0xD;
	s1 =	sshrl.u32 s1, $0x2  }
0xc8: {  	s4 =	sand.u32 $0x4000, s31;
	s1 =	sadd.s32 s1, s30  }
0xc9: {  	s0 =	sor.u32 s4, s0;
	s1 =	sshll.u32 s1, $0x11  }
0xca: {  	s0 =	sor.u32 s1, s0  }
0xcb: {  	s0 =	sadd.s32 $0x8F2B, s0  }
0xcc: {  	[sflag:s0] =	ssyncadd.remote.s32 $0x1  }
0xcd: {  	_ =	sfence.sel $0xFFFF  }
0xce: {  	[dreg:$0x0] =	wrdreg $0xFFFFFFFF;
	(pc) =	sbr.abs _section_cstart, $3  }
0xcf: {  	[dreg:$0x1] =	wrdreg $0xFFFFFFFF  }
0xd0: {  	_ =	task.clear_ibuf [dreg:s22], $0x2FFFF;
	_ =	strace $0x9FFFFFFF  }
0xd1: {  	(tm) =	ssettm $0x7FFFFFFF  }
tec
execute0_lowered:
.L_overlay_start_1:
0x0: {  	(tag) =	ssettag $0x1  }
0x1: {  	s5 =	rddreg [dreg:$0x0]  }
0x2: {  	s0 =	srdreg.scid;
	s2 =	rddreg [dreg:$0x1]  }
0x3: {  	s1 =	rddreg [dreg:$0x2];
	s3 =	simm.s32 $0x0;
	s14 =	simm.s32 $0x2800  }
0x4: {  	s15 =	simm.s32 $0x100;
	s16 =	simm.s32 $0x6800;
	s17 =	simm.s32 $0x1  }
0x5: {  	s18 =	simm.s32 $0x3;
	s19 =	simm.s32 $0x2;
	s6 =	sand.u32 $0x1, s0  }
0x6: {  	s20 =	simm.s32 $0x4;
	s0 =	stileid.u32;
	s4 =	smul.u32 $0x50000, s6  }
0x7: {  	s21 =	simm.s32 $0x2680;
	s22 =	simm.s32 $0x2780;
	s7 =	smul.u32 $0x5000, s0  }
0x8: {  	s23 =	simm.s32 $0x0;
	[smem:$0x7FF] =	sst s3;
	s28 =	smul.u32 $0x14000, s0  }
0x9: {  	_ =	strace $0x80000050;
	s9 =	smul.u32 $0x140000, s6;
	s6 =	ssub.s32 $0x2, s6  }
0xa: {  	s29 =	smul.u32 $0x50000, s0;
	s31 =	sshll.u32 s0, $0x6;
	s11 =	sshrl.u32 s6, $0x1  }
0xb: {  	s4 =	sadd.s32 s7, s4;
	s10 =	sshrl.u32 s28, $0x3;
	s7 =	sadd.s32 s28, s9  }
0xc: {  	s11 =	ssub.s32 s6, s11;
	s30 =	sshrl.u32 s29, $0x2;
	s6 =	sor.u32 $0x1C05, s31  }
0xd: {  	s8 =	sshrl.u32 s4, $0x3;
	s4 =	sadd.s32 $0x2C000, s5;
	s10 =	sadd.s32 s10, s5  }
0xe: {  	s7 =	sshrl.u32 s7, $0x3;
	s13 =	sadd.s32 s30, s2;
	s8 =	sadd.s32 s8, s5  }
0xf: {  	s12 =	sadd.s32 s7, s5;
	s5 =	sadd.s32 $0x4000, s10;
	s10 =	smax.u32 s11, $0x1  }
0x10: {  	s11 =	sshrl.u32 s13, $0x3;
	s13 =	simm.s32 $0x80;
	s7 =	sadd.s32 $0x7C000, s8  }
0x11: {  	s8 =	sadd.s32 $0x7C500, s8;
	s9 =	sadd.s32 $0x12E200, s12;
	s12 =	simm.s32 $0x5  }
.LBB2_1:
0x12: {  	[spmem:s11], [sflag:s6] =	dma.local [hbm:s5], $0x2800  }
0x13: {  	_ =	swait.ge [sflag:s12], $0x2800  }
0x14: {  	[sflag:s12] =	ssyncset.done $0x0  }
0x15: {  	[sflag:s12] =	ssyncadd.s32 $0xFFFFD800  }
0x16: {  	[bflag:$0x0] =	sbarrier.arrive $0xFFFF  }
0x17: {  	[tilespmem:s3], [sflag:$0x5] =	stream.linear.gather [hbm4b:s7+s3], $0x2800, $0x38;
	[tilespmem:$0x1E800] =	vst v63  }
0x18: {  	_ =	swait.ge [sflag:s12], $0x2800  }
0x19: {  	[sflag:s12] =	ssyncset.done $0x0  }
0x1a: {  	[sflag:s12] =	ssyncadd.s32 $0xFFFFD800  }
0x1b: {  	[tilespmem:s14], [sflag:$0x1] =	stream.indirect.gather [hbm4b:s4+s13], $0x80, s3, s13, $0xb8;
	[tilespmem:$0x1E800] =	vst v63  }
0x1c: {  	_ = 	snop  }
0x1d: {  	[tilespmem:s16], [sflag:$0x2] =	stream.indirect.gather [hbm4b:s4+s13], $0x80, s15, s13, $0xb8;
	[tilespmem:$0x1E800] =	vst v63  }
0x1e: {  	_ =	swait.ge [sflag:s17], $0x4000  }
0x1f: {  	[sflag:s17] =	ssyncset.done $0x0  }
0x20: {  	s24 =	simm.s32 $0x80;
	[sflag:s17] =	ssyncadd.s32 $0xFFFFC000  }
0x21: {  	[spmem:s2] =	stream.indirect.scatter.add.f32 [tilespmem:s14], [sflag:$0x3], $0x80, s24, s13, $0xb8;
	[tilespmem:$0x1E800] =	vst v63  }
0x22: {  	_ =	swait.ge [sflag:s18], $0x4000  }
0x23: {  	[sflag:s18] =	ssyncset.done $0x0  }
0x24: {  	s30 =	simm.s32 $0x200;
	[sflag:s18] =	ssyncadd.s32 $0xFFFFC000  }
0x25: {  	[tilespmem:s14], [sflag:$0x1] =	stream.indirect.gather [hbm4b:s4+s13], $0x80, s30, s13, $0xb8;
	[tilespmem:$0x1E800] =	vst v63  }
0x26: {  	_ =	swait.ge [sflag:s19], $0x4000  }
0x27: {  	[sflag:s19] =	ssyncset.done $0x0  }
0x28: {  	s31 =	simm.s32 $0x180;
	[sflag:s19] =	ssyncadd.s32 $0xFFFFC000  }
0x29: {  	[spmem:s2] =	stream.indirect.scatter.add.f32 [tilespmem:s16], [sflag:$0x4], $0x80, s31, s13, $0xb8;
	[tilespmem:$0x1E800] =	vst v63  }
0x2a: {  	_ =	swait.ge [sflag:s20], $0x4000  }
0x2b: {  	[sflag:s20] =	ssyncset.done $0x0  }
0x2c: {  	s25 =	simm.s32 $0x300;
	s24 =	simm.s32 $0xFFFF7000;
	[sflag:s20] =	ssyncadd.s32 $0xFFFFC000  }
.LBB2_2:
0x2d: {  	[tilespmem:s16], [sflag:$0x2] =	stream.indirect.gather [hbm4b:s4+s13], $0x80, s25, s13, $0xb8;
	[tilespmem:$0x1E800] =	vst v63  }
0x2e: {  	s25 =	smov.u32 s24  }
0x2f: {  	p0 =	sne.s32 s24, $0xFFFFF800;
	s24 =	sadd.s32 $0x800, s24;
	_ =	swait.ge [sflag:s17], $0x4000  }
0x30: {  	s25 =	sshra.s32 s25, $0x2;
	[sflag:s17] =	ssyncset.done $0x0  }
0x31: {  	s26 =	sadd.s32 $0x2680, s25;
	[sflag:s17] =	ssyncadd.s32 $0xFFFFC000  }
0x32: {  	[spmem:s2] =	stream.indirect.scatter.add.f32 [tilespmem:s14], [sflag:$0x3], $0x80, s26, s13, $0xb8;
	[tilespmem:$0x1E800] =	vst v63  }
0x33: {  	_ =	swait.ge [sflag:s18], $0x4000  }
0x34: {  	[sflag:s18] =	ssyncset.done $0x0  }
0x35: {  	s26 =	sadd.s32 $0x2800, s25;
	[sflag:s18] =	ssyncadd.s32 $0xFFFFC000  }
0x36: {  	[tilespmem:s14], [sflag:$0x1] =	stream.indirect.gather [hbm4b:s4+s13], $0x80, s26, s13, $0xb8;
	[tilespmem:$0x1E800] =	vst v63  }
0x37: {  	_ =	swait.ge [sflag:s19], $0x4000  }
0x38: {  	[sflag:s19] =	ssyncset.done $0x0  }
.Ltmp0:
0x39: {  	s26 =	sadd.s32 $0x2780, s25;
	[sflag:s19] =	ssyncadd.s32 $0xFFFFC000;
	(pc) =	sbr.rel @p0 .LBB2_2-.Ltmp0, $4  }
0x3a: {  	[spmem:s2] =	stream.indirect.scatter.add.f32 [tilespmem:s16], [sflag:$0x4], $0x80, s26, s13, $0xb8;
	[tilespmem:$0x1E800] =	vst v63  }
0x3b: {  	_ =	swait.ge [sflag:s20], $0x4000  }
0x3c: {  	[sflag:s20] =	ssyncset.done $0x0  }
0x3d: {  	s25 =	sadd.s32 $0x2900, s25;
	[sflag:s20] =	ssyncadd.s32 $0xFFFFC000  }
0x3e: {  	[tilespmem:s16], [sflag:$0x2] =	stream.indirect.gather [hbm4b:s4+s13], $0x80, s25, s13, $0xb8;
	[tilespmem:$0x1E800] =	vst v63  }
0x3f: {  	_ =	swait.ge [sflag:s17], $0x4000  }
0x40: {  	[sflag:s17] =	ssyncset.done $0x0  }
0x41: {  	[sflag:s17] =	ssyncadd.s32 $0xFFFFC000  }
0x42: {  	[spmem:s2] =	stream.indirect.scatter.add.f32 [tilespmem:s14], [sflag:$0x3], $0x80, s21, s13, $0xb8;
	[tilespmem:$0x1E800] =	vst v63  }
0x43: {  	_ =	swait.ge [sflag:s18], $0x4000  }
0x44: {  	[sflag:s18] =	ssyncset.done $0x0  }
0x45: {  	[sflag:s18] =	ssyncadd.s32 $0xFFFFC000  }
0x46: {  	_ =	swait.ge [sflag:s19], $0x4000  }
0x47: {  	[sflag:s19] =	ssyncset.done $0x0  }
0x48: {  	[sflag:s19] =	ssyncadd.s32 $0xFFFFC000  }
0x49: {  	[spmem:s2] =	stream.indirect.scatter.add.f32 [tilespmem:s16], [sflag:$0x4], $0x80, s22, s13, $0xb8;
	[tilespmem:$0x1E800] =	vst v63  }
0x4a: {  	_ =	swait.ge [sflag:s20], $0x4000  }
0x4b: {  	[sflag:s20] =	ssyncset.done $0x0  }
0x4c: {  	[sflag:s20] =	ssyncadd.s32 $0xFFFFC000  }
0x4d: {  	[tilespmem:s3], [sflag:$0x5] =	stream.linear.gather [hbm4b:s8+s3], $0x2800, $0x38;
	[tilespmem:$0x1E800] =	vst v63  }
0x4e: {  	_ =	swait.ge [sflag:s12], $0x2800  }
0x4f: {  	[sflag:s12] =	ssyncset.done $0x0  }
0x50: {  	[sflag:s12] =	ssyncadd.s32 $0xFFFFD800  }
0x51: {  	[tilespmem:s14], [sflag:$0x1] =	stream.indirect.gather [hbm4b:s4+s13], $0x80, s3, s13, $0xb8;
	[tilespmem:$0x1E800] =	vst v63  }
0x52: {  	_ = 	snop  }
0x53: {  	[tilespmem:s16], [sflag:$0x2] =	stream.indirect.gather [hbm4b:s4+s13], $0x80, s15, s13, $0xb8;
	[tilespmem:$0x1E800] =	vst v63  }
0x54: {  	_ =	swait.ge [sflag:s17], $0x4000  }
0x55: {  	[sflag:s17] =	ssyncset.done $0x0  }
0x56: {  	s24 =	simm.s32 $0x80;
	[sflag:s17] =	ssyncadd.s32 $0xFFFFC000  }
0x57: {  	[spmem:s2] =	stream.indirect.scatter.add.f32 [tilespmem:s14], [sflag:$0x3], $0x80, s24, s13, $0xb8;
	[tilespmem:$0x1E800] =	vst v63  }
0x58: {  	_ =	swait.ge [sflag:s18], $0x4000  }
0x59: {  	[sflag:s18] =	ssyncset.done $0x0  }
0x5a: {  	s30 =	simm.s32 $0x200;
	[sflag:s18] =	ssyncadd.s32 $0xFFFFC000  }
0x5b: {  	[tilespmem:s14], [sflag:$0x1] =	stream.indirect.gather [hbm4b:s4+s13], $0x80, s30, s13, $0xb8;
	[tilespmem:$0x1E800] =	vst v63  }
0x5c: {  	_ =	swait.ge [sflag:s19], $0x4000  }
0x5d: {  	[sflag:s19] =	ssyncset.done $0x0  }
0x5e: {  	s31 =	simm.s32 $0x180;
	[sflag:s19] =	ssyncadd.s32 $0xFFFFC000  }
0x5f: {  	[spmem:s2] =	stream.indirect.scatter.add.f32 [tilespmem:s16], [sflag:$0x4], $0x80, s31, s13, $0xb8;
	[tilespmem:$0x1E800] =	vst v63  }
0x60: {  	_ =	swait.ge [sflag:s20], $0x4000  }
0x61: {  	[sflag:s20] =	ssyncset.done $0x0  }
0x62: {  	s25 =	simm.s32 $0x300;
	s24 =	simm.s32 $0xFFFF7000;
	[sflag:s20] =	ssyncadd.s32 $0xFFFFC000  }
.LBB2_4:
0x63: {  	[tilespmem:s16], [sflag:$0x2] =	stream.indirect.gather [hbm4b:s4+s13], $0x80, s25, s13, $0xb8;
	[tilespmem:$0x1E800] =	vst v63  }
0x64: {  	s25 =	smov.u32 s24  }
0x65: {  	p0 =	sne.s32 s24, $0xFFFFF800;
	s24 =	sadd.s32 $0x800, s24;
	_ =	swait.ge [sflag:s17], $0x4000  }
0x66: {  	s25 =	sshra.s32 s25, $0x2;
	[sflag:s17] =	ssyncset.done $0x0  }
0x67: {  	s26 =	sadd.s32 $0x2680, s25;
	[sflag:s17] =	ssyncadd.s32 $0xFFFFC000  }
0x68: {  	[spmem:s2] =	stream.indirect.scatter.add.f32 [tilespmem:s14], [sflag:$0x3], $0x80, s26, s13, $0xb8;
	[tilespmem:$0x1E800] =	vst v63  }
0x69: {  	_ =	swait.ge [sflag:s18], $0x4000  }
0x6a: {  	[sflag:s18] =	ssyncset.done $0x0  }
0x6b: {  	s26 =	sadd.s32 $0x2800, s25;
	[sflag:s18] =	ssyncadd.s32 $0xFFFFC000  }
0x6c: {  	[tilespmem:s14], [sflag:$0x1] =	stream.indirect.gather [hbm4b:s4+s13], $0x80, s26, s13, $0xb8;
	[tilespmem:$0x1E800] =	vst v63  }
0x6d: {  	_ =	swait.ge [sflag:s19], $0x4000  }
0x6e: {  	[sflag:s19] =	ssyncset.done $0x0  }
.Ltmp1:
0x6f: {  	s26 =	sadd.s32 $0x2780, s25;
	[sflag:s19] =	ssyncadd.s32 $0xFFFFC000;
	(pc) =	sbr.rel @p0 .LBB2_4-.Ltmp1, $4  }
0x70: {  	[spmem:s2] =	stream.indirect.scatter.add.f32 [tilespmem:s16], [sflag:$0x4], $0x80, s26, s13, $0xb8;
	[tilespmem:$0x1E800] =	vst v63  }
0x71: {  	_ =	swait.ge [sflag:s20], $0x4000  }
0x72: {  	[sflag:s20] =	ssyncset.done $0x0  }
0x73: {  	s25 =	sadd.s32 $0x2900, s25;
	[sflag:s20] =	ssyncadd.s32 $0xFFFFC000  }
0x74: {  	[tilespmem:s16], [sflag:$0x2] =	stream.indirect.gather [hbm4b:s4+s13], $0x80, s25, s13, $0xb8;
	[tilespmem:$0x1E800] =	vst v63  }
0x75: {  	_ =	swait.ge [sflag:s17], $0x4000  }
0x76: {  	[sflag:s17] =	ssyncset.done $0x0  }
0x77: {  	[sflag:s17] =	ssyncadd.s32 $0xFFFFC000  }
0x78: {  	[spmem:s2] =	stream.indirect.scatter.add.f32 [tilespmem:s14], [sflag:$0x3], $0x80, s21, s13, $0xb8;
	[tilespmem:$0x1E800] =	vst v63  }
0x79: {  	_ =	swait.ge [sflag:s18], $0x4000  }
0x7a: {  	[sflag:s18] =	ssyncset.done $0x0  }
0x7b: {  	[sflag:s18] =	ssyncadd.s32 $0xFFFFC000  }
0x7c: {  	_ =	swait.ge [sflag:s19], $0x4000  }
0x7d: {  	[sflag:s19] =	ssyncset.done $0x0  }
0x7e: {  	[sflag:s19] =	ssyncadd.s32 $0xFFFFC000  }
0x7f: {  	[spmem:s2] =	stream.indirect.scatter.add.f32 [tilespmem:s16], [sflag:$0x4], $0x80, s22, s13, $0xb8;
	[tilespmem:$0x1E800] =	vst v63  }
0x80: {  	_ =	swait.ge [sflag:s20], $0x4000  }
0x81: {  	s23 =	sadd.s32 $0x1, s23;
	[sflag:s20] =	ssyncset.done $0x0  }
0x82: {  	p0 =	sne.s32 s23, s10;
	[sflag:s20] =	ssyncadd.s32 $0xFFFFC000  }
.Ltmp2:
0x83: {  	[bflag:$0x0] =	sbarrier.arrive $0xFFFF;
	(pc) =	sbr.rel @p0 .LBB2_1-.Ltmp2, $4  }
0x84: {  	[hbm:s9], [sflag:s6] =	dma.local [spmem:s11], $0x2800  }
0x85: {  	_ =	swait.ge [sflag:s12], $0x2800  }
0x86: {  	[sflag:s12] =	ssyncset.done $0x0  }
0x87: {  	[sflag:s12] =	ssyncadd.s32 $0xFFFFD800  }
0x88: {  	_ =	sfence.sel $0x180000  }
0x89: {  	[bflag:$0x0] =	sbarrier.arrive $0xFFFF  }
0x8a: {  	p0 =	sne.s32 s0, $0x0;
	_ =	strace $0x90000050  }
0x8b: {  	s0 =	sadd.s32 @!p0 $0x100000, s1;
	[bflag:$0x2] =	sbarrier.arrive $0xFFFF  }
0x8c: {  	[sflag:s0] =	ssyncadd.tile.s32 @!p0 $0x1;
	_ =	shalt  }
.Lfunc_end2:
_tile_overlayer_lowered:
.L_overlay_start_2:
0x8d: {  	(tag) =	ssettag $0x2  }
0x8e: {  	s0 =	rddreg [dreg:$0x0];
	s2 =	stileid.u32  }
0x8f: {  	s1 =	rddreg [dreg:$0x1];
	p0 =	sne.s32 s2, $0x0  }
0x90: {  	s3 =	rddreg [dreg:$0x2];
	[bflag:$0x3] =	sbarrier.arrive $0xFFFF;
	s2 =	simm.s32 @!p0 $0x1C05  }
0x91: {  	[timem:s3], [sflag:s2] =	dma.local @!p0 [hbm:s0], s1  }
0x92: {  	s0 =	simm.s32 @!p0 $0x5  }
0x93: {  	_ =	swait.ge @!p0 [sflag:s0], s1  }
0x94: {  	s1 =	ssub.s32 @!p0 $0x0, s1;
	[sflag:s0] =	ssyncset.done @!p0 $0x0  }
0x95: {  	[sflag:s0] =	ssyncadd.s32 @!p0 s1  }
0x96: {  	[bflag:$0x3] =	sbarrier.arrive $0xFFFF  }
0x97: {  	_ =	shalt  }

// kernel: kernel.9.cloned.1.call-start
scs
__scs_entry_jumppad:
0x0: {  	(pc) =	sbr.rel $0x88, $3  }
0x1: {  	(tag) =	ssettag $0x0;
	lr =	simm.s32 $0x1  }
0x2: {  	[smem:$0x3F99] =	sst lr;
	_ =	strace $0xD0000000  }
0x3: {  	_ = 	snop  }
0x4: {  	_ = 	snop  }
0x5: {  	_ = 	snop  }
0x6: {  	_ = 	snop  }
0x7: {  	_ = 	snop  }
__scs_overlays_trampoline_lowered:
0x8: {  	[smem:$0x3FA8] =	sst s0  }
0x9: {  	[smem:$0x3FA9] =	sst s1  }
0xa: {  	[smem:$0x3FAA] =	sst s2  }
0xb: {  	[smem:$0x3FAB] =	sst s3  }
0xc: {  	[smem:$0x3FAC] =	sst s4  }
0xd: {  	[smem:$0x3FAD] =	sst s5  }
0xe: {  	[smem:$0x3FAE] =	sst s6  }
0xf: {  	[smem:$0x3FAF] =	sst s7  }
0x10: {  	[smem:$0x3FB0] =	sst s8  }
0x11: {  	[smem:$0x3FB1] =	sst s9;
	s0 =	simm.s32 @!p0 $0x0  }
0x12: {  	s1 =	sld [smem:$0x3F97];
	s0 =	simm.s32 @p0 $0x1  }
0x13: {  	[smem:$0x3FB2] =	sst s0;
	s0 =	simm.s32 @!p1 $0x0  }
0x14: {  	s2 =	sld [smem:$0x3F96];
	s0 =	simm.s32 @p1 $0x1  }
0x15: {  	[smem:$0x3FB3] =	sst s0;
	s0 =	simm.s32 @!p2 $0x0  }
0x16: {  	s3 =	sld [smem:$0x3FDB];
	s0 =	simm.s32 @p2 $0x1  }
0x17: {  	s4 =	simm.s32 $0x1BF5;
	[smem:$0x3FB5] =	sst s0  }
0x18: {  	s0 =	sld [smem:$0x3F98];
	_ =	swait.ge [sflag:s4], $0x0  }
0x19: {  	s7 =	sld [smem:$0x3F99]  }
0x1a: {  	s8 =	sadd.s32 $0xFFFFE003, lr  }
0x1b: {  	s9 =	sadd.s32 $0xFFFFFEF7, lr;
	s5 =	simm.s32 $0xFFFFFFFF;
	p2 =	slt.u32 s8, $0xFFFFF086  }
0x1c: {  	p1 =	slt.u32 s9, $0xF7A;
	s5 =	simm.s32 @!p2 $0x0  }
0x1d: {  	s5 =	simm.s32 @p1 $0x1;
	p0 =	seq.s32 s7, s2  }
0x1e: {  	s7 =	smul.u32 @!p0 $0xF7A, s2;
	p2 =	seq.s32 @!p0 s5, $0x0  }
0x1f: {  	s9 =	smul.u32 $0xF7A, s1;
	s8 =	simm.s32 @!p0 $0x1BF5;
	p2 =	por !p2, p0  }
0x20: {  	[sflag:s8] =	ssyncset.s32 @!p0 $0xFFFFF086;
	s6 =	sadd.s32 @!p0 s3, s7;
	s7 =	simm.s32 @!p0 $0x108  }
0x21: {  	s3 =	sadd.s32 s3, s9;
	s6 =	sadd.s32 @!p0 $0x88, s6;
	s7 =	simm.s32 @p2 $0x1082  }
0x22: {  	[simem:s7], [sflag:s8] =	dma.local @!p0 [hbm:s6], $0xF7A  }
0x23: {  	s9 =	sor.u32 $0xD0000000, s2;
	s6 =	simm.s32 $0x108;
	_ =	swait.ge @!p0 [sflag:s8], $0x0  }
0x24: {  	s3 =	sadd.s32 $0x88, s3;
	s6 =	simm.s32 @!p1 $0x1082;
	[sflag:s4] =	ssyncset.s32 $0xFFFFF086  }
0x25: {  	[simem:s6], [sflag:s4] =	dma.local [hbm:s3], $0xF7A  }
0x26: {  	[smem:$0x3F99] =	sst s1;
	(tag) =	ssettag s2;
	_ =	strace s9  }
0x27: {  	s1 =	sld [smem:$0x3FA9]  }
0x28: {  	s2 =	sld [smem:$0x3FAA]  }
0x29: {  	s4 =	sld [smem:$0x3FAC]  }
0x2a: {  	p0 =	seq.s32 s5, $0x0;
	s5 =	sld [smem:$0x3FAD]  }
0x2b: {  	s6 =	sld [smem:$0x3FAE]  }
0x2c: {  	s7 =	sld [smem:$0x3FAF]  }
0x2d: {  	s3 =	simm.s32 $0x108;
	s8 =	sld [smem:$0x3FB0]  }
0x2e: {  	s3 =	simm.s32 @!p0 $0x1082;
	s9 =	sld [smem:$0x3FB1]  }
0x2f: {  	lr =	sadd.s32 s0, s3;
	s0 =	sld [smem:$0x3FA8]  }
0x30: {  	s3 =	sld [smem:$0x3FAB]  }
0x31: {  	[smem:$0x3FB4] =	sst s10  }
0x32: {  	s10 =	sld [smem:$0x3FB2];
	_ =	sdelay $0x3  }
0x33: {  	p0 =	seq.s32 s10, $0x1;
	s10 =	sld [smem:$0x3FB4];
	_ =	sdelay $0x3  }
0x34: {  	[smem:$0x3FB4] =	sst s10  }
0x35: {  	s10 =	sld [smem:$0x3FB3];
	_ =	sdelay $0x3  }
0x36: {  	p1 =	seq.s32 s10, $0x1;
	s10 =	sld [smem:$0x3FB4];
	_ =	sdelay $0x3  }
0x37: {  	[smem:$0x3FB4] =	sst s10  }
0x38: {  	s10 =	sld [smem:$0x3FB5]  }
0x39: {  	_ = 	snop;
	(pc) =	sbr.ind lr, $3  }
0x3a: {  	_ = 	snop  }
0x3b: {  	_ = 	snop  }
0x3c: {  	p2 =	seq.s32 s10, $0x1;
	s10 =	sld [smem:$0x3FB4]  }
0x3d: {  	_ =	shalt  }
0x3e: {  	_ =	shalt  }
0x3f: {  	_ =	shalt  }
0x40: {  	_ =	shalt  }
0x41: {  	_ =	shalt  }
0x42: {  	_ =	shalt  }
0x43: {  	_ =	shalt  }
0x44: {  	_ =	shalt  }
0x45: {  	_ =	shalt  }
0x46: {  	_ =	shalt  }
0x47: {  	_ =	shalt  }
0x48: {  	_ =	shalt  }
0x49: {  	_ =	shalt  }
0x4a: {  	_ =	shalt  }
0x4b: {  	_ =	shalt  }
0x4c: {  	_ =	shalt  }
0x4d: {  	_ =	shalt  }
0x4e: {  	_ =	shalt  }
0x4f: {  	_ =	shalt  }
0x50: {  	_ =	shalt  }
0x51: {  	_ =	shalt  }
0x52: {  	_ =	shalt  }
0x53: {  	_ =	shalt  }
0x54: {  	_ =	shalt  }
0x55: {  	_ =	shalt  }
0x56: {  	_ =	shalt  }
0x57: {  	_ =	shalt  }
0x58: {  	_ =	shalt  }
0x59: {  	_ =	shalt  }
0x5a: {  	_ =	shalt  }
0x5b: {  	_ =	shalt  }
0x5c: {  	_ =	shalt  }
0x5d: {  	_ =	shalt  }
0x5e: {  	_ =	shalt  }
0x5f: {  	_ =	shalt  }
0x60: {  	_ =	shalt  }
0x61: {  	_ =	shalt  }
0x62: {  	_ =	shalt  }
0x63: {  	_ =	shalt  }
0x64: {  	_ =	shalt  }
0x65: {  	_ =	shalt  }
0x66: {  	_ =	shalt  }
0x67: {  	_ =	shalt  }
0x68: {  	_ =	shalt  }
0x69: {  	_ =	shalt  }
0x6a: {  	_ =	shalt  }
0x6b: {  	_ =	shalt  }
0x6c: {  	_ =	shalt  }
0x6d: {  	_ =	shalt  }
0x6e: {  	_ =	shalt  }
0x6f: {  	_ =	shalt  }
0x70: {  	_ =	shalt  }
0x71: {  	_ =	shalt  }
0x72: {  	_ =	shalt  }
0x73: {  	_ =	shalt  }
0x74: {  	_ =	shalt  }
0x75: {  	_ =	shalt  }
0x76: {  	_ =	shalt  }
0x77: {  	_ =	shalt  }
0x78: {  	_ =	shalt  }
0x79: {  	_ =	shalt  }
0x7a: {  	_ =	shalt  }
0x7b: {  	_ =	shalt  }
0x7c: {  	_ =	shalt  }
0x7d: {  	_ =	shalt  }
0x7e: {  	_ =	shalt  }
0x7f: {  	_ =	shalt  }
0x80: {  	_ =	shalt  }
0x81: {  	_ =	shalt  }
0x82: {  	_ =	shalt  }
0x83: {  	_ =	shalt  }
0x84: {  	_ =	shalt  }
0x85: {  	_ =	shalt  }
0x86: {  	_ =	shalt  }
0x87: {  	_ =	shalt  }
.Lfunc_end0:
.L_simem_size_0:
called_computation_lowered:
.L_overlay_start_0:
0x88: {  	s2 =	sld [smem:$0x3FD9]  }
0x89: {  	s3 =	sld [smem:$0x3FFE];
	_ =	sdelay $0x1  }
0x8a: {  	s1 =	srdreg.scid  }
0x8b: {  	s0 =	sand.u32 $0x1, s1  }
0x8c: {  	s17 =	sshll.u32 s0, $0xA;
	s2 =	sadd.s32 s3, s2  }
0x8d: {  	s2 =	sadd.s32 s2, s17  }
0x8e: {  	[smem:$0x3FC0] =	sst s2  }
0x8f: {  	_ = 	snop  }
0x90: {  	s2 =	sld [smem:$0x3FD0];
	(tm) =	ssettm $0x1  }
0x91: {  	s18 =	sld [smem:$0x3FFB];
	_ =	sdelay $0x3  }
0x92: {  	_ =	strace s18  }
0x93: {  	s3 =	sld [smem:$0x3FFC];
	_ =	sdelay $0x3  }
0x94: {  	_ =	strace s3  }
0x95: {  	s3 =	sld [smem:$0x3FFD];
	_ =	sdelay $0x3  }
0x96: {  	_ =	strace s3  }
0x97: {  	_ =	strace $0x8FFFFFFF  }
0x98: {  	s19 =	sld [smem:$0x3FDB];
	_ =	sdelay $0x1  }
0x99: {  	s4 =	simm.s32 $_scs_section_size  }
0x9a: {  	s5 =	simm.s32 $_size__tile_overlayer_lowered;
	s6 =	simm.s32 $_tile_overlayer_lowered  }
0x9b: {  	s22 =	simm.s32 $0x1BFF;
	s21 =	sshll.u32 s6, $0x1;
	s3 =	sadd.s32 s4, s19  }
0x9c: {  	s7 =	simm.s32 $0x0;
	s20 =	sshll.u32 s5, $0x1;
	s5 =	sadd.s32 s21, s3  }
0x9d: {  	[timem:s7], [sflag:s22] =	dma.local [hbm:s5], s20  }
0x9e: {  	_ =	swait.ge [sflag:s22], s20  }
0x9f: {  	s4 =	ssub.s32 $0x0, s20;
	[sflag:s22] =	ssyncset.done $0x0  }
0xa0: {  	[sflag:s22] =	ssyncadd.s32 s4;
	_ =	sdelay $0x1  }
0xa1: {  	s23 =	simm.s32 $0x1B8B  }
0xa2: {  	_ =	swait.ge [sflag:s23], $0x1  }
0xa3: {  	[sflag:s23] =	ssyncset.done $0x0  }
0xa4: {  	s25 =	simm.s32 $0x1B8E;
	s24 =	sld [smem:$0x3FFE];
	[sflag:s23] =	ssyncadd.s32 $0xFFFFFFFF  }
0xa5: {  	s26 =	simm.s32 $execute0_lowered;
	[smem:$0x3FD2] =	sst s25  }
0xa6: {  	s5 =	sshll.u32 s26, $0x1;
	_ =	strace $0x80000046;
	[dreg:$0x1] =	wrdreg $0xFFFFFFFF  }
0xa7: {  	s28 =	simm.s32 $_size_execute0_lowered;
	s3 =	sadd.s32 s3, s5;
	[dreg:$0x0] =	wrdreg $0x0  }
0xa8: {  	s5 =	sshll.u32 s28, $0x1;
	[dreg:$0x2] =	wrdreg s3  }
0xa9: {  	[dreg:$0x3] =	wrdreg s5  }
0xaa: {  	[dreg:$0x4] =	wrdreg $0xC0  }
0xab: {  	_ =	task [dreg:s7], $0x5FFFF  }
0xac: {  	[dreg:$0x1] =	wrdreg $0xFFFFFFFF  }
0xad: {  	[dreg:$0x0] =	wrdreg $0x60  }
0xae: {  	[dreg:$0x2] =	wrdreg s2  }
0xaf: {  	[dreg:$0x3] =	wrdreg s24  }
0xb0: {  	[dreg:$0x4] =	wrdreg $0x68000  }
0xb1: {  	[dreg:$0x5] =	wrdreg $0x9  }
0xb2: {  	_ =	task.clear_ibuf [dreg:s7], $0x6FFFF;
	_ =	strace $0x90000046  }
0xb3: {  	s29 =	simm.s32 $0x9;
	_ =	strace $0x80000048  }
0xb4: {  	_ =	swait.ge [sflag:s29], $0x1  }
0xb5: {  	[sflag:s29] =	ssyncadd.s32 $0xFFFFFFFF  }
0xb6: {  	_ =	strace $0x90000048  }
0xb7: {  	_ =	sfence  }
0xb8: {  	s30 =	sld [smem:$0x0];
	_ =	sdelay $0x2  }
0xb9: {  	s31 =	sshll.u32 s1, $0xD;
	s1 =	sshrl.u32 s1, $0x2  }
0xba: {  	s3 =	sand.u32 $0x4000, s31;
	s1 =	sadd.s32 s1, s30  }
0xbb: {  	s0 =	sor.u32 s3, s0;
	s1 =	sshll.u32 s1, $0x11  }
0xbc: {  	s0 =	sor.u32 s1, s0  }
0xbd: {  	s0 =	sadd.s32 $0x8F2B, s0  }
0xbe: {  	[sflag:s0] =	ssyncadd.remote.s32 $0x1  }
0xbf: {  	_ =	sfence.sel $0xFFFF  }
0xc0: {  	[dreg:$0x0] =	wrdreg $0xFFFFFFFF;
	(pc) =	sbr.abs _section_cstart, $3  }
0xc1: {  	[dreg:$0x1] =	wrdreg $0xFFFFFFFF  }
0xc2: {  	_ =	task.clear_ibuf [dreg:s7], $0x2FFFF;
	_ =	strace $0x9FFFFFFF  }
0xc3: {  	(tm) =	ssettm $0x7FFFFFFF  }
tec
execute0_lowered:
.L_overlay_start_1:
0x0: {  	(tag) =	ssettag $0x1  }
0x1: {  	s7 =	rddreg [dreg:$0x0]  }
0x2: {  	s5 =	rddreg [dreg:$0x1]  }
0x3: {  	s2 =	rddreg [dreg:$0x2];
	s1 =	stileid.u32  }
0x4: {  	s0 =	rddreg [dreg:$0x3];
	s3 =	simm.s32 $0x0;
	s6 =	smul.u32 $0x14000, s1  }
0x5: {  	s4 =	srdreg.scid;
	s15 =	simm.s32 $0x0;
	s11 =	smul.u32 $0x50000, s1  }
0x6: {  	[smem:$0x7FF] =	sst s3;
	s8 =	sand.u32 $0x1, s4;
	s13 =	smul.u32 $0x2800, s1  }
0x7: {  	s4 =	sadd.s32 $0x3800, s5;
	s31 =	sshll.u32 s1, $0x6;
	s9 =	smul.u32 $0x140000, s8  }
0x8: {  	_ =	strace $0x80000047;
	s29 =	ssub.s32 $0x2, s8;
	s8 =	smul.u32 $0x28000, s8  }
0x9: {  	s28 =	sshrl.u32 s6, $0x3;
	s12 =	sshrl.u32 s29, $0x1;
	s30 =	sshrl.u32 s11, $0x2  }
0xa: {  	s10 =	sadd.s32 s28, s5;
	s6 =	sadd.s32 s6, s9;
	s9 =	ssub.s32 s29, s12  }
0xb: {  	s11 =	sadd.s32 s30, s2;
	s8 =	sadd.s32 s13, s8;
	s12 =	simm.s32 $0x2800  }
0xc: {  	s13 =	simm.s32 $0x80;
	s6 =	sshrl.u32 s6, $0x3;
	s8 =	sshrl.u32 s8, $0x3  }
0xd: {  	s9 =	smax.u32 s9, $0x1;
	s14 =	sadd.s32 s6, s5;
	s5 =	sadd.s32 $0x4000, s10  }
0xe: {  	s6 =	sor.u32 $0x1C02, s31;
	s7 =	sadd.s32 s7, s8;
	s10 =	sshrl.u32 s11, $0x3  }
0xf: {  	s11 =	simm.s32 $0x2;
	s8 =	sadd.s32 $0x2C000, s14;
	s14 =	simm.s32 $0x1  }
.LBB2_1:
0x10: {  	[spmem:s10], [sflag:s6] =	dma.local [hbm:s5], $0x2800  }
0x11: {  	_ =	swait.ge [sflag:s11], $0x2800  }
0x12: {  	[sflag:s11] =	ssyncset.done $0x0  }
0x13: {  	[sflag:s11] =	ssyncadd.s32 $0xFFFFD800  }
0x14: {  	[tilespmem:s3], [sflag:$0x2] =	stream.linear.gather [hbm4b:s7+s3], $0x2800, $0x38;
	[tilespmem:$0x1A800] =	vst v63  }
0x15: {  	_ =	swait.ge [sflag:s11], $0x2800  }
0x16: {  	[sflag:s11] =	ssyncset.done $0x0  }
0x17: {  	[sflag:s11] =	ssyncadd.s32 $0xFFFFD800  }
0x18: {  	[tilespmem:s12], [sflag:$0x2] =	stream.linear.gather [hbm4b:s4+s3], $0x4000, $0x38;
	[tilespmem:$0x1A800] =	vst v63  }
0x19: {  	_ =	swait.ge [sflag:s11], $0x4000  }
0x1a: {  	[sflag:s11] =	ssyncset.done $0x0  }
0x1b: {  	[sflag:s11] =	ssyncadd.s32 $0xFFFFC000  }
0x1c: {  	s16 =	simm.s32 $0x0;
	[bflag:$0x0] =	sbarrier.arrive $0xFFFF  }
0x1d: {  	[spmem:s2] =	stream.indirect.scatter.add.f32 [tilespmem:s12], [sflag:$0x1], $0x80, s16, s13, $0xb8;
	[tilespmem:$0x1A800] =	vst v63  }
0x1e: {  	_ =	swait.ge [sflag:s14], $0x4000  }
0x1f: {  	s16 =	simm.s32 $0x200;
	[sflag:s14] =	ssyncset.done $0x0  }
.LBB2_2:
0x20: {  	s17 =	sshra.s32 s16, $0x2;
	[sflag:s14] =	ssyncadd.s32 $0xFFFFC000;
	p0 =	sne.s32 s16, $0x9E00  }
0x21: {  	[spmem:s2] =	stream.indirect.scatter.add.f32 [tilespmem:s12], [sflag:$0x1], $0x80, s17, s13, $0xb8;
	[tilespmem:$0x1A800] =	vst v63  }
.Ltmp0:
0x22: {  	_ = 	snop;
	(pc) =	sbr.rel @p0 .LBB2_2-.Ltmp0, $4  }
0x23: {  	_ = 	snop  }
0x24: {  	s16 =	sadd.s32 $0x200, s16  }
0x25: {  	_ =	swait.ge [sflag:s14], $0x4000  }
0x26: {  	[sflag:s14] =	ssyncset.done $0x0  }
0x27: {  	s15 =	sadd.s32 $0x1, s15  }
0x28: {  	[sflag:s14] =	ssyncadd.s32 $0xFFFFC000;
	p0 =	sne.s32 s15, s9  }
.Ltmp1:
0x29: {  	[bflag:$0x0] =	sbarrier.arrive $0xFFFF;
	(pc) =	sbr.rel @p0 .LBB2_1-.Ltmp1, $4  }
0x2a: {  	[hbm:s8], [sflag:s6] =	dma.local [spmem:s10], $0x2800  }
0x2b: {  	_ =	swait.ge [sflag:s11], $0x2800  }
0x2c: {  	[sflag:s11] =	ssyncset.done $0x0  }
0x2d: {  	[sflag:s11] =	ssyncadd.s32 $0xFFFFD800  }
0x2e: {  	_ =	sfence.sel $0x180000  }
0x2f: {  	[bflag:$0x0] =	sbarrier.arrive $0xFFFF  }
0x30: {  	p0 =	sne.s32 s1, $0x0;
	_ =	strace $0x90000047  }
0x31: {  	s0 =	sadd.s32 @!p0 $0x100000, s0;
	[bflag:$0x2] =	sbarrier.arrive $0xFFFF  }
0x32: {  	[sflag:s0] =	ssyncadd.tile.s32 @!p0 $0x1;
	_ =	shalt  }
.Lfunc_end2:
_tile_overlayer_lowered:
.L_overlay_start_2:
0x33: {  	(tag) =	ssettag $0x2  }
0x34: {  	s0 =	rddreg [dreg:$0x0];
	s2 =	stileid.u32  }
0x35: {  	s1 =	rddreg [dreg:$0x1];
	p0 =	sne.s32 s2, $0x0  }
0x36: {  	s3 =	rddreg [dreg:$0x2];
	[bflag:$0x3] =	sbarrier.arrive $0xFFFF;
	s2 =	simm.s32 @!p0 $0x1C02  }
0x37: {  	[timem:s3], [sflag:s2] =	dma.local @!p0 [hbm:s0], s1  }
0x38: {  	s0 =	simm.s32 @!p0 $0x2  }
0x39: {  	_ =	swait.ge @!p0 [sflag:s0], s1  }
0x3a: {  	s1 =	ssub.s32 @!p0 $0x0, s1;
	[sflag:s0] =	ssyncset.done @!p0 $0x0  }
0x3b: {  	[sflag:s0] =	ssyncadd.s32 @!p0 s1  }
0x3c: {  	[bflag:$0x3] =	sbarrier.arrive $0xFFFF  }
0x3d: {  	_ =	shalt  }

</sc_bundles>
